<compile_context>
chip_gen: v7x
topology: tpu7x:2x2x1
jax: 0.10.2.dev20260603
libtpu: 0.0.44.dev20260713+nightly
codegen_flags: <defaults>
</compile_context>

<pallas_src>
import functools

import jax
import jax.numpy as jnp
import numpy as np
from jax import lax
from jax.experimental import pallas as pl
from jax.experimental.pallas import tpu as pltpu
from jax.experimental.pallas import tpu_sc as plsc

B = 8
GH = GW = 64
NBOX = 5
N = GH * GW * NBOX
NR, NL = 160, 128
MAX_OUT = 100
IOU_T = 0.4
NEG = np.float32(-1e30)
L = 16
STEPS = N // L



SH = 4
NSH = N // SH
SSTEPS = NSH // L


def _nms_tile_body(x1h, y1h, x2h, y2h, sch, outh, mailh,
                   x1v, y1v, x2v, y2v, livev, outv, candv,
                   r0v, r1v, r2v, r3v, sem0, sem1, sem2, sem3):
    cid = lax.axis_index("c")
    sid = lax.axis_index("s")
    img = cid * 4 + sid // SH
    shard = sid % SH
    base = shard * NSH
    row = cid * 16 + sid

    pltpu.sync_copy(x1h.at[row], x1v)
    pltpu.sync_copy(y1h.at[row], y1v)
    pltpu.sync_copy(x2h.at[row], x2v)
    pltpu.sync_copy(y2h.at[row], y2v)
    pltpu.sync_copy(sch.at[row], livev)

    iota = lax.iota(jnp.int32, L)
    zeros16 = jnp.zeros((L,), jnp.float32)
    big = jnp.float32(3e38)
    bigv = jnp.full((L,), big, jnp.float32)
    zerov = jnp.zeros((L,), jnp.float32)

    @plsc.parallel_loop(0, SSTEPS, unroll=8)
    def _zero(s):
        outv[pl.ds(s * L, L)] = zeros16

    def local_pass(best_loc, bx1, by1, bx2, by2, barea):
        init = (jnp.full((L,), -3e38, jnp.float32),
                jnp.full((L,), NSH, jnp.int32))

        @plsc.parallel_loop(0, NSH, step=L, unroll=64, carry=init)
        def scan(s, carry):
            rmax, ridx = carry
            sl = pl.ds(s, L)
            x1s = x1v[sl]
            y1s = y1v[sl]
            x2s = x2v[sl]
            y2s = y2v[sl]
            lv = livev[sl]
            iw = jnp.maximum(jnp.minimum(x2s, bx2) - jnp.maximum(x1s, bx1), 0.0)
            ih = jnp.maximum(jnp.minimum(y2s, by2) - jnp.maximum(y1s, by1), 0.0)
            inter = iw * ih
            areas = (x2s - x1s) * (y2s - y1s)
            iou = inter / jnp.maximum(areas + barea - inter, 1e-9)
            idxs = iota + s
            supp = (iou > IOU_T) | (idxs == best_loc)
            nl = jnp.where(supp, NEG, lv)
            livev[sl] = nl
            upd = (nl > rmax) | ((nl == rmax) & (idxs < ridx))
            rmax = jnp.where(upd, nl, rmax)
            ridx = jnp.where(upd, idxs, ridx)
            return rmax, ridx

        rmax, ridx = scan
        gm = jnp.max(rmax)
        gi = jnp.min(jnp.where(rmax == gm, ridx, jnp.int32(NSH)))
        return gm, gi

    gm_l, gi_l = local_pass(jnp.int32(-1), bigv, bigv, bigv, bigv, zerov)

    def round_body(r, carry):
        gm_l, gi_l = carry
        par = r % 2
        rtag = r.astype(jnp.float32) + 0.25
        gsplat = jnp.zeros((L,), jnp.int32) + gi_l
        cx1 = plsc.load_gather(x1v, [gsplat])
        cy1 = plsc.load_gather(y1v, [gsplat])
        cx2 = plsc.load_gather(x2v, [gsplat])
        cy2 = plsc.load_gather(y2v, [gsplat])
        cand = jnp.where(iota == 0, zerov + gm_l,
               jnp.where(iota == 1, zerov + (gi_l + base).astype(jnp.float32),
               jnp.where(iota == 2, cx1,
               jnp.where(iota == 3, cy1,
               jnp.where(iota == 4, cx2,
               jnp.where(iota == 5, cy2, zerov + rtag))))))
        candv[...] = cand
        slot = par * 32 + img * SH
        pltpu.sync_copy(candv, mailh.at[slot + shard])
        plsc.subcore_barrier()

        def read_rows():
            c0 = pltpu.make_async_copy(mailh.at[slot + 0], r0v, sem0)
            c1 = pltpu.make_async_copy(mailh.at[slot + 1], r1v, sem1)
            c2 = pltpu.make_async_copy(mailh.at[slot + 2], r2v, sem2)
            c3 = pltpu.make_async_copy(mailh.at[slot + 3], r3v, sem3)
            c0.start(); c1.start(); c2.start(); c3.start()
            c0.wait(); c1.wait(); c2.wait(); c3.wait()
            return r0v[...], r1v[...], r2v[...], r3v[...]

        def stale(rows):
            return ((rows[0][6] != rtag) | (rows[1][6] != rtag)
                    | (rows[2][6] != rtag) | (rows[3][6] != rtag))

        rows0 = read_rows()
        rows = lax.while_loop(stale, lambda _: read_rows(), rows0)
        r0 = rows[0]
        gm, gi_f = r0[0], r0[1]
        bx1s, by1s, bx2s, by2s = r0[2], r0[3], r0[4], r0[5]
        for j in range(1, SH):
            rj = rows[j]
            v, ix = rj[0], rj[1]
            better = (v > gm) | ((v == gm) & (ix < gi_f))
            gm = jnp.where(better, v, gm)
            gi_f = jnp.where(better, ix, gi_f)
            bx1s = jnp.where(better, rj[2], bx1s)
            by1s = jnp.where(better, rj[3], by1s)
            bx2s = jnp.where(better, rj[4], bx2s)
            by2s = jnp.where(better, rj[5], by2s)
        valid = gm > jnp.float32(-5e29)
        gi = gi_f.astype(jnp.int32)
        gloc = gi - base
        rec = jnp.clip(gloc, 0, NSH - 1)
        plsc.store_scatter(
            outv, [jnp.zeros((L,), jnp.int32) + rec], zerov + gm,
            mask=(iota == 0) & valid & (gloc >= 0) & (gloc < NSH))
        bx1 = jnp.where(valid, zerov + bx1s, bigv)
        by1 = jnp.where(valid, zerov + by1s, bigv)
        bx2 = jnp.where(valid, zerov + bx2s, bigv)
        by2 = jnp.where(valid, zerov + by2s, bigv)
        barea = (bx2 - bx1) * (by2 - by1)
        bl = jnp.where(valid, gloc, jnp.int32(-1))
        return local_pass(bl, bx1, by1, bx2, by2, barea)

    lax.fori_loop(0, MAX_OUT, round_body, (gm_l, gi_l))
    pltpu.sync_copy(outv, outh.at[row])


@functools.partial(jax.jit)
def _nms_sc(x1, y1, x2, y2, scores):
    f = pl.kernel(
        _nms_tile_body,
        mesh=plsc.VectorSubcoreMesh(core_axis_name="c", subcore_axis_name="s"),
        out_type=[jax.ShapeDtypeStruct((B * SH, NSH), jnp.float32),
                  jax.ShapeDtypeStruct((64, L), jnp.float32)],
        compiler_params=pltpu.CompilerParams(needs_layout_passes=False),
        scratch_types=[
            pltpu.VMEM((NSH,), jnp.float32),
            pltpu.VMEM((NSH,), jnp.float32),
            pltpu.VMEM((NSH,), jnp.float32),
            pltpu.VMEM((NSH,), jnp.float32),
            pltpu.VMEM((NSH,), jnp.float32),
            pltpu.VMEM((NSH,), jnp.float32),
            pltpu.VMEM((L,), jnp.float32),
            pltpu.VMEM((L,), jnp.float32),
            pltpu.VMEM((L,), jnp.float32),
            pltpu.VMEM((L,), jnp.float32),
            pltpu.VMEM((L,), jnp.float32),
            pltpu.SemaphoreType.DMA,
            pltpu.SemaphoreType.DMA,
            pltpu.SemaphoreType.DMA,
            pltpu.SemaphoreType.DMA,
        ],
    )
    out, _mail = f(x1.reshape(B * SH, NSH), y1.reshape(B * SH, NSH),
                   x2.reshape(B * SH, NSH), y2.reshape(B * SH, NSH),
                   scores.reshape(B * SH, NSH))
    return out.reshape(B, N)



def _decode_body(x_ref, y_ref, w_ref, h_ref, ox_ref, oy_ref,
                 xmin_ref, ymin_ref, xmax_ref, ymax_ref):
    x = x_ref[...]
    y = y_ref[...]
    w = w_ref[...]
    h = h_ref[...]
    ox = ox_ref[...][None]
    oy = oy_ref[...][None]
    cx = (x + ox) * 8.0
    ws = w * 8.0
    cy = (y + oy) * 8.0
    hs = h * 8.0
    cy = 512.0 - cy
    xmin_ref[...] = cx - ws / 2.0
    ymin_ref[...] = cy - hs / 2.0
    xmax_ref[...] = cx + ws / 2.0
    ymax_ref[...] = cy + hs / 2.0


def _decode_tc(x, y, w, h, ox, oy):
    shp = jax.ShapeDtypeStruct((B, NR, NL), jnp.float32)
    return pl.pallas_call(
        _decode_body,
        out_shape=[shp, shp, shp, shp],
    )(x, y, w, h, ox, oy)



def kernel(y_pred):
    coord = y_pred[..., :4]
    conf = y_pred[..., 4]

    x = coord[..., 0].reshape(B, NR, NL)
    y = coord[..., 1].reshape(B, NR, NL)
    w = coord[..., 2].reshape(B, NR, NL)
    h = coord[..., 3].reshape(B, NR, NL)

    n = jnp.arange(N)
    ox = ((n // NBOX) % GW).astype(jnp.float32).reshape(NR, NL)
    oy = (n // (GW * NBOX)).astype(jnp.float32).reshape(NR, NL)

    xmin, ymin, xmax, ymax = _decode_tc(x, y, w, h, ox, oy)
    coords_out = jnp.stack(
        [xmin.reshape(B, N), ymin.reshape(B, N),
         xmax.reshape(B, N), ymax.reshape(B, N)], axis=-1)

    scores = conf.reshape(B, N)
    conf_nms = _nms_sc(x.reshape(B, N), y.reshape(B, N),
                       w.reshape(B, N), h.reshape(B, N), scores)

    return coords_out, conf_nms.reshape(B, N, 1)

# --- scband reference (transcript-rebuilt; emitter-appended) ---
"""Pipeline reference for scband-postprocess-layer-6511170421772 (READ-ONLY COPY).

The authoritative reference and input builder live on the scoring server;
editing this copy changes nothing except your own understanding.
"""

import jax, jax.numpy as jnp
import numpy as np

GRID = (64, 64)
N_BOXES = 5
NORM = (512.0, 512.0)
IOU_THRESH = 0.4
MAX_BOXES_NMS = 100
BATCH = 8


def setup_inputs(seed: int = 0) -> dict:
    key = jax.random.key(seed)
    y_pred = jax.random.uniform(key, (BATCH, GRID[0], GRID[1], N_BOXES, 25), dtype=jnp.float32)
    return {"y_pred": y_pred}


def _decode_coord(coord_t):
    gh, gw = GRID
    oy, ox = np.mgrid[:gh, :gw]
    ox = jnp.asarray(ox, jnp.float32)[None, :, :, None]
    oy = jnp.asarray(oy, jnp.float32)[None, :, :, None]
    cx = (coord_t[..., 0] + ox) * (NORM[1] / gw)
    w = coord_t[..., 2] * (NORM[1] / gw)
    cy = (coord_t[..., 1] + oy) * (NORM[0] / gh)
    h = coord_t[..., 3] * (NORM[0] / gh)
    cy = NORM[0] - cy
    xmin = cx - w / 2.0
    ymin = cy - h / 2.0
    xmax = cx + w / 2.0
    ymax = cy + h / 2.0
    return jnp.stack([xmin, ymin, xmax, ymax], axis=-1)


def _nms_keep_mask(boxes, scores, max_out, iou_thresh):
    # Greedy NMS returning a bool keep-mask over all boxes (mirrors
    # tf.image.non_max_suppression indices -> gather_nd -> scatter_nd).
    NEG = jnp.float32(-1e30)
    x1, y1, x2, y2 = boxes[:, 0], boxes[:, 1], boxes[:, 2], boxes[:, 3]
    areas = (x2 - x1) * (y2 - y1)

    def body(i, state):
        live, keep = state
        best = jnp.argmax(live)
        valid = live[best] > NEG / 2.0
        bx1, by1, bx2, by2 = x1[best], y1[best], x2[best], y2[best]
        iw = jnp.maximum(jnp.minimum(x2, bx2) - jnp.maximum(x1, bx1), 0.0)
        ih = jnp.maximum(jnp.minimum(y2, by2) - jnp.maximum(y1, by1), 0.0)
        inter = iw * ih
        barea = (bx2 - bx1) * (by2 - by1)
        iou = inter / jnp.maximum(areas + barea - inter, 1e-9)
        suppress = (iou > iou_thresh) & valid
        live = jnp.where(suppress, NEG, live)
        live = jnp.where(valid, live.at[best].set(NEG), live)
        keep = keep.at[best].set(keep[best] | valid)
        return live, keep

    keep0 = jnp.zeros(scores.shape[0], dtype=bool)
    _, keep = jax.lax.fori_loop(0, max_out, body, (scores, keep0))
    return keep


def reference(y_pred):
    coord_pred_t = y_pred[..., :4]
    conf_pred_t = y_pred[..., 4]
    B = y_pred.shape[0]
    coord_pred_dec_t = _decode_coord(coord_pred_t)
    coord_pred_reshape_t = coord_pred_dec_t.reshape(B, -1, 4)
    conf_pred_reshape_t = conf_pred_t.reshape(B, -1, 1)
    # original passes raw coord_pred_t into NMS; flatten to [N,4] per image
    boxes_nms = coord_pred_t.reshape(B, -1, 4)
    scores = jnp.max(conf_pred_reshape_t, axis=-1)  # (B, N)
    keep = jax.vmap(lambda b, s: _nms_keep_mask(b, s, MAX_BOXES_NMS, IOU_THRESH))(boxes_nms, scores)
    class_pred_nms_batch = jnp.where(keep[..., None], conf_pred_reshape_t, 0.0)
    return coord_pred_reshape_t, class_pred_nms_batch

if __name__ == "__main__":
    import jax
    _d = setup_inputs()
    print(jax.jit(kernel)(*tuple(_d.values())))

</pallas_src>

<mosaic_0001>
#map = affine_map<(d0, d1) -> (0, 0)>
module attributes {stable_mosaic.version = 14 : i64} {
  func.func @_nms_tile_body(%arg0: i32, %arg1: i32, %arg2: memref<32x5120xf32, #tpu.memory_space<hbm>>, %arg3: memref<32x5120xf32, #tpu.memory_space<hbm>>, %arg4: memref<32x5120xf32, #tpu.memory_space<hbm>>, %arg5: memref<32x5120xf32, #tpu.memory_space<hbm>>, %arg6: memref<32x5120xf32, #tpu.memory_space<hbm>>, %arg7: memref<32x5120xf32, #tpu.memory_space<hbm>>, %arg8: memref<64x16xf32, #tpu.memory_space<hbm>>, %arg9: memref<5120xf32, #tpu.memory_space<vmem>>, %arg10: memref<5120xf32, #tpu.memory_space<vmem>>, %arg11: memref<5120xf32, #tpu.memory_space<vmem>>, %arg12: memref<5120xf32, #tpu.memory_space<vmem>>, %arg13: memref<5120xf32, #tpu.memory_space<vmem>>, %arg14: memref<5120xf32, #tpu.memory_space<vmem>>, %arg15: memref<16xf32, #tpu.memory_space<vmem>>, %arg16: memref<16xf32, #tpu.memory_space<vmem>>, %arg17: memref<16xf32, #tpu.memory_space<vmem>>, %arg18: memref<16xf32, #tpu.memory_space<vmem>>, %arg19: memref<16xf32, #tpu.memory_space<vmem>>, %arg20: memref<!tpu.dma_semaphore, #tpu.memory_space<semaphore_mem>>, %arg21: memref<!tpu.dma_semaphore, #tpu.memory_space<semaphore_mem>>, %arg22: memref<!tpu.dma_semaphore, #tpu.memory_space<semaphore_mem>>, %arg23: memref<!tpu.dma_semaphore, #tpu.memory_space<semaphore_mem>>) attributes {dimension_semantics = [#tpu.dimension_semantics<core_parallel>, #tpu.dimension_semantics<subcore_parallel>], iteration_bounds = array<i64: 2, 16>, scalar_prefetch = 0 : i64, scratch_operands = 15 : i64, tpu.core_type = #tpu.core_type<sc_vector_subcore>, window_params = [{transform_indices = #map}, {transform_indices = #map}, {transform_indices = #map}, {transform_indices = #map}, {transform_indices = #map}, {transform_indices = #map}, {transform_indices = #map}]} {
    %mul3A = arith.constant 4 : i32
    %mul3A_0 = arith.muli %arg0, %mul3A : i32
    %jit3A = arith.constant 4 : i32
    %div3A = arith.divsi %arg1, %jit3A : i32
    %sign3A = arith.constant 0 : i32
    %sign3A_1 = arith.cmpi sgt, %arg1, %sign3A : i32
    %sign3A_2 = arith.extui %sign3A_1 : i1 to i32
    %sign3A_3 = arith.constant 0 : i32
    %sign3A_4 = arith.cmpi slt, %arg1, %sign3A_3 : i32
    %sign3A_5 = arith.extui %sign3A_4 : i1 to i32
    %sign3A_6 = arith.subi %sign3A_2, %sign3A_5 : i32
    %sign3A_7 = arith.constant 0 : i32
    %sign3A_8 = arith.cmpi sgt, %jit3A, %sign3A_7 : i32
    %sign3A_9 = arith.extui %sign3A_8 : i1 to i32
    %sign3A_10 = arith.constant 0 : i32
    %sign3A_11 = arith.cmpi slt, %jit3A, %sign3A_10 : i32
    %sign3A_12 = arith.extui %sign3A_11 : i1 to i32
    %sign3A_13 = arith.subi %sign3A_9, %sign3A_12 : i32
    %ne3A = arith.cmpi ne, %sign3A_6, %sign3A_13 : i32
    %rem3A = arith.remsi %arg1, %jit3A : i32
    %ne3A_14 = arith.constant 0 : i32
    %ne3A_15 = arith.cmpi ne, %rem3A, %ne3A_14 : i32
    %and3A = arith.andi %ne3A, %ne3A_15 : i1
    %sub3A = arith.constant 1 : i32
    %sub3A_16 = arith.subi %div3A, %sub3A : i32
    %select_n3A = arith.select %and3A, %sub3A_16, %div3A : i32
    %add3A = arith.addi %mul3A_0, %select_n3A : i32
    %jit3A_17 = arith.constant 4 : i32
    %eq3A = arith.constant 0 : i32
    %eq3A_18 = arith.cmpi eq, %jit3A_17, %eq3A : i32
    %jit3A_19 = arith.constant 1 : i32
    %select_n3A_20 = arith.select %eq3A_18, %jit3A_19, %jit3A_17 : i32
    %rem3A_21 = arith.remsi %arg1, %select_n3A_20 : i32
    %ne3A_22 = arith.constant 0 : i32
    %ne3A_23 = arith.cmpi ne, %rem3A_21, %ne3A_22 : i32
    %lt3A = arith.constant 0 : i32
    %lt3A_24 = arith.cmpi slt, %rem3A_21, %lt3A : i32
    %lt3A_25 = arith.constant 0 : i32
    %lt3A_26 = arith.cmpi slt, %select_n3A_20, %lt3A_25 : i32
    %ne3A_27 = arith.xori %lt3A_24, %lt3A_26 : i1
    %and3A_28 = arith.andi %ne3A_27, %ne3A_23 : i1
    %add3A_29 = arith.addi %rem3A_21, %select_n3A_20 : i32
    %select_n3A_30 = arith.select %and3A_28, %add3A_29, %rem3A_21 : i32
    %mul3A_31 = arith.constant 5120 : i32
    %mul3A_32 = arith.muli %select_n3A_30, %mul3A_31 : i32
    %mul3A_33 = arith.constant 16 : i32
    %mul3A_34 = arith.muli %arg0, %mul3A_33 : i32
    %add3A_35 = arith.addi %mul3A_34, %arg1 : i32
    "tpu.region"() ({
      %run_scoped3A = tpu.sem_alloc : memref<!tpu.dma_semaphore, #tpu.memory_space<semaphore_mem>>
      %dma_start3A = arith.constant 0 : i32
      %dma_start3A_72 = tpu.memref_slice %arg2[%add3A_35, %dma_start3A] : memref<32x5120xf32, #tpu.memory_space<hbm>> -> memref<1x5120xf32, #tpu.memory_space<hbm>>
      %dma_start3A_73 = tpu.memref_squeeze %dma_start3A_72 : memref<1x5120xf32, #tpu.memory_space<hbm>> -> memref<5120xf32, #tpu.memory_space<hbm>>
      %dma_start3A_74 = arith.constant 0 : i32
      %dma_start3A_75 = tpu.memref_slice %arg2[%add3A_35, %dma_start3A_74] : memref<32x5120xf32, #tpu.memory_space<hbm>> -> memref<1x5120xf32, #tpu.memory_space<hbm>>
      %dma_start3A_76 = tpu.memref_squeeze %dma_start3A_75 : memref<1x5120xf32, #tpu.memory_space<hbm>> -> memref<5120xf32, #tpu.memory_space<hbm>>
      tpu.enqueue_dma source(%dma_start3A_76 : memref<5120xf32, #tpu.memory_space<hbm>>) target(%arg9 : memref<5120xf32, #tpu.memory_space<vmem>>) target_semaphore(%run_scoped3A : memref<!tpu.dma_semaphore, #tpu.memory_space<semaphore_mem>>)
      %dma_wait3A = arith.constant 0 : i32
      %dma_wait3A_77 = tpu.memref_slice %arg2[%add3A_35, %dma_wait3A] : memref<32x5120xf32, #tpu.memory_space<hbm>> -> memref<1x5120xf32, #tpu.memory_space<hbm>>
      %dma_wait3A_78 = tpu.memref_squeeze %dma_wait3A_77 : memref<1x5120xf32, #tpu.memory_space<hbm>> -> memref<5120xf32, #tpu.memory_space<hbm>>
      %dma_wait3A_79 = arith.constant 0 : i32
      %dma_wait3A_80 = tpu.memref_slice %arg2[%add3A_35, %dma_wait3A_79] : memref<32x5120xf32, #tpu.memory_space<hbm>> -> memref<1x5120xf32, #tpu.memory_space<hbm>>
      %dma_wait3A_81 = tpu.memref_squeeze %dma_wait3A_80 : memref<1x5120xf32, #tpu.memory_space<hbm>> -> memref<5120xf32, #tpu.memory_space<hbm>>
      tpu.wait_dma2 semaphore(%run_scoped3A : memref<!tpu.dma_semaphore, #tpu.memory_space<semaphore_mem>>) src(%dma_wait3A_81 : memref<5120xf32, #tpu.memory_space<hbm>>) dst(%arg9 : memref<5120xf32, #tpu.memory_space<vmem>>)
      tpu.yield
    }) : () -> ()
    "tpu.region"() ({
      %run_scoped3A = tpu.sem_alloc : memref<!tpu.dma_semaphore, #tpu.memory_space<semaphore_mem>>
      %dma_start3A = arith.constant 0 : i32
      %dma_start3A_72 = tpu.memref_slice %arg3[%add3A_35, %dma_start3A] : memref<32x5120xf32, #tpu.memory_space<hbm>> -> memref<1x5120xf32, #tpu.memory_space<hbm>>
      %dma_start3A_73 = tpu.memref_squeeze %dma_start3A_72 : memref<1x5120xf32, #tpu.memory_space<hbm>> -> memref<5120xf32, #tpu.memory_space<hbm>>
      %dma_start3A_74 = arith.constant 0 : i32
      %dma_start3A_75 = tpu.memref_slice %arg3[%add3A_35, %dma_start3A_74] : memref<32x5120xf32, #tpu.memory_space<hbm>> -> memref<1x5120xf32, #tpu.memory_space<hbm>>
      %dma_start3A_76 = tpu.memref_squeeze %dma_start3A_75 : memref<1x5120xf32, #tpu.memory_space<hbm>> -> memref<5120xf32, #tpu.memory_space<hbm>>
      tpu.enqueue_dma source(%dma_start3A_76 : memref<5120xf32, #tpu.memory_space<hbm>>) target(%arg10 : memref<5120xf32, #tpu.memory_space<vmem>>) target_semaphore(%run_scoped3A : memref<!tpu.dma_semaphore, #tpu.memory_space<semaphore_mem>>)
      %dma_wait3A = arith.constant 0 : i32
      %dma_wait3A_77 = tpu.memref_slice %arg3[%add3A_35, %dma_wait3A] : memref<32x5120xf32, #tpu.memory_space<hbm>> -> memref<1x5120xf32, #tpu.memory_space<hbm>>
      %dma_wait3A_78 = tpu.memref_squeeze %dma_wait3A_77 : memref<1x5120xf32, #tpu.memory_space<hbm>> -> memref<5120xf32, #tpu.memory_space<hbm>>
      %dma_wait3A_79 = arith.constant 0 : i32
      %dma_wait3A_80 = tpu.memref_slice %arg3[%add3A_35, %dma_wait3A_79] : memref<32x5120xf32, #tpu.memory_space<hbm>> -> memref<1x5120xf32, #tpu.memory_space<hbm>>
      %dma_wait3A_81 = tpu.memref_squeeze %dma_wait3A_80 : memref<1x5120xf32, #tpu.memory_space<hbm>> -> memref<5120xf32, #tpu.memory_space<hbm>>
      tpu.wait_dma2 semaphore(%run_scoped3A : memref<!tpu.dma_semaphore, #tpu.memory_space<semaphore_mem>>) src(%dma_wait3A_81 : memref<5120xf32, #tpu.memory_space<hbm>>) dst(%arg10 : memref<5120xf32, #tpu.memory_space<vmem>>)
      tpu.yield
    }) : () -> ()
    "tpu.region"() ({
      %run_scoped3A = tpu.sem_alloc : memref<!tpu.dma_semaphore, #tpu.memory_space<semaphore_mem>>
      %dma_start3A = arith.constant 0 : i32
      %dma_start3A_72 = tpu.memref_slice %arg4[%add3A_35, %dma_start3A] : memref<32x5120xf32, #tpu.memory_space<hbm>> -> memref<1x5120xf32, #tpu.memory_space<hbm>>
      %dma_start3A_73 = tpu.memref_squeeze %dma_start3A_72 : memref<1x5120xf32, #tpu.memory_space<hbm>> -> memref<5120xf32, #tpu.memory_space<hbm>>
      %dma_start3A_74 = arith.constant 0 : i32
      %dma_start3A_75 = tpu.memref_slice %arg4[%add3A_35, %dma_start3A_74] : memref<32x5120xf32, #tpu.memory_space<hbm>> -> memref<1x5120xf32, #tpu.memory_space<hbm>>
      %dma_start3A_76 = tpu.memref_squeeze %dma_start3A_75 : memref<1x5120xf32, #tpu.memory_space<hbm>> -> memref<5120xf32, #tpu.memory_space<hbm>>
      tpu.enqueue_dma source(%dma_start3A_76 : memref<5120xf32, #tpu.memory_space<hbm>>) target(%arg11 : memref<5120xf32, #tpu.memory_space<vmem>>) target_semaphore(%run_scoped3A : memref<!tpu.dma_semaphore, #tpu.memory_space<semaphore_mem>>)
      %dma_wait3A = arith.constant 0 : i32
      %dma_wait3A_77 = tpu.memref_slice %arg4[%add3A_35, %dma_wait3A] : memref<32x5120xf32, #tpu.memory_space<hbm>> -> memref<1x5120xf32, #tpu.memory_space<hbm>>
      %dma_wait3A_78 = tpu.memref_squeeze %dma_wait3A_77 : memref<1x5120xf32, #tpu.memory_space<hbm>> -> memref<5120xf32, #tpu.memory_space<hbm>>
      %dma_wait3A_79 = arith.constant 0 : i32
      %dma_wait3A_80 = tpu.memref_slice %arg4[%add3A_35, %dma_wait3A_79] : memref<32x5120xf32, #tpu.memory_space<hbm>> -> memref<1x5120xf32, #tpu.memory_space<hbm>>
      %dma_wait3A_81 = tpu.memref_squeeze %dma_wait3A_80 : memref<1x5120xf32, #tpu.memory_space<hbm>> -> memref<5120xf32, #tpu.memory_space<hbm>>
      tpu.wait_dma2 semaphore(%run_scoped3A : memref<!tpu.dma_semaphore, #tpu.memory_space<semaphore_mem>>) src(%dma_wait3A_81 : memref<5120xf32, #tpu.memory_space<hbm>>) dst(%arg11 : memref<5120xf32, #tpu.memory_space<vmem>>)
      tpu.yield
    }) : () -> ()
    "tpu.region"() ({
      %run_scoped3A = tpu.sem_alloc : memref<!tpu.dma_semaphore, #tpu.memory_space<semaphore_mem>>
      %dma_start3A = arith.constant 0 : i32
      %dma_start3A_72 = tpu.memref_slice %arg5[%add3A_35, %dma_start3A] : memref<32x5120xf32, #tpu.memory_space<hbm>> -> memref<1x5120xf32, #tpu.memory_space<hbm>>
      %dma_start3A_73 = tpu.memref_squeeze %dma_start3A_72 : memref<1x5120xf32, #tpu.memory_space<hbm>> -> memref<5120xf32, #tpu.memory_space<hbm>>
      %dma_start3A_74 = arith.constant 0 : i32
      %dma_start3A_75 = tpu.memref_slice %arg5[%add3A_35, %dma_start3A_74] : memref<32x5120xf32, #tpu.memory_space<hbm>> -> memref<1x5120xf32, #tpu.memory_space<hbm>>
      %dma_start3A_76 = tpu.memref_squeeze %dma_start3A_75 : memref<1x5120xf32, #tpu.memory_space<hbm>> -> memref<5120xf32, #tpu.memory_space<hbm>>
      tpu.enqueue_dma source(%dma_start3A_76 : memref<5120xf32, #tpu.memory_space<hbm>>) target(%arg12 : memref<5120xf32, #tpu.memory_space<vmem>>) target_semaphore(%run_scoped3A : memref<!tpu.dma_semaphore, #tpu.memory_space<semaphore_mem>>)
      %dma_wait3A = arith.constant 0 : i32
      %dma_wait3A_77 = tpu.memref_slice %arg5[%add3A_35, %dma_wait3A] : memref<32x5120xf32, #tpu.memory_space<hbm>> -> memref<1x5120xf32, #tpu.memory_space<hbm>>
      %dma_wait3A_78 = tpu.memref_squeeze %dma_wait3A_77 : memref<1x5120xf32, #tpu.memory_space<hbm>> -> memref<5120xf32, #tpu.memory_space<hbm>>
      %dma_wait3A_79 = arith.constant 0 : i32
      %dma_wait3A_80 = tpu.memref_slice %arg5[%add3A_35, %dma_wait3A_79] : memref<32x5120xf32, #tpu.memory_space<hbm>> -> memref<1x5120xf32, #tpu.memory_space<hbm>>
      %dma_wait3A_81 = tpu.memref_squeeze %dma_wait3A_80 : memref<1x5120xf32, #tpu.memory_space<hbm>> -> memref<5120xf32, #tpu.memory_space<hbm>>
      tpu.wait_dma2 semaphore(%run_scoped3A : memref<!tpu.dma_semaphore, #tpu.memory_space<semaphore_mem>>) src(%dma_wait3A_81 : memref<5120xf32, #tpu.memory_space<hbm>>) dst(%arg12 : memref<5120xf32, #tpu.memory_space<vmem>>)
      tpu.yield
    }) : () -> ()
    "tpu.region"() ({
      %run_scoped3A = tpu.sem_alloc : memref<!tpu.dma_semaphore, #tpu.memory_space<semaphore_mem>>
      %dma_start3A = arith.constant 0 : i32
      %dma_start3A_72 = tpu.memref_slice %arg6[%add3A_35, %dma_start3A] : memref<32x5120xf32, #tpu.memory_space<hbm>> -> memref<1x5120xf32, #tpu.memory_space<hbm>>
      %dma_start3A_73 = tpu.memref_squeeze %dma_start3A_72 : memref<1x5120xf32, #tpu.memory_space<hbm>> -> memref<5120xf32, #tpu.memory_space<hbm>>
      %dma_start3A_74 = arith.constant 0 : i32
      %dma_start3A_75 = tpu.memref_slice %arg6[%add3A_35, %dma_start3A_74] : memref<32x5120xf32, #tpu.memory_space<hbm>> -> memref<1x5120xf32, #tpu.memory_space<hbm>>
      %dma_start3A_76 = tpu.memref_squeeze %dma_start3A_75 : memref<1x5120xf32, #tpu.memory_space<hbm>> -> memref<5120xf32, #tpu.memory_space<hbm>>
      tpu.enqueue_dma source(%dma_start3A_76 : memref<5120xf32, #tpu.memory_space<hbm>>) target(%arg13 : memref<5120xf32, #tpu.memory_space<vmem>>) target_semaphore(%run_scoped3A : memref<!tpu.dma_semaphore, #tpu.memory_space<semaphore_mem>>)
      %dma_wait3A = arith.constant 0 : i32
      %dma_wait3A_77 = tpu.memref_slice %arg6[%add3A_35, %dma_wait3A] : memref<32x5120xf32, #tpu.memory_space<hbm>> -> memref<1x5120xf32, #tpu.memory_space<hbm>>
      %dma_wait3A_78 = tpu.memref_squeeze %dma_wait3A_77 : memref<1x5120xf32, #tpu.memory_space<hbm>> -> memref<5120xf32, #tpu.memory_space<hbm>>
      %dma_wait3A_79 = arith.constant 0 : i32
      %dma_wait3A_80 = tpu.memref_slice %arg6[%add3A_35, %dma_wait3A_79] : memref<32x5120xf32, #tpu.memory_space<hbm>> -> memref<1x5120xf32, #tpu.memory_space<hbm>>
      %dma_wait3A_81 = tpu.memref_squeeze %dma_wait3A_80 : memref<1x5120xf32, #tpu.memory_space<hbm>> -> memref<5120xf32, #tpu.memory_space<hbm>>
      tpu.wait_dma2 semaphore(%run_scoped3A : memref<!tpu.dma_semaphore, #tpu.memory_space<semaphore_mem>>) src(%dma_wait3A_81 : memref<5120xf32, #tpu.memory_space<hbm>>) dst(%arg13 : memref<5120xf32, #tpu.memory_space<vmem>>)
      tpu.yield
    }) : () -> ()
    %iota3A = tpu.iota {dimensions = array<i32: 0>} : vector<16xi32>
    %broadcast_in_dim3A = arith.constant 0.000000e+00 : f32
    %broadcast_in_dim3A_36 = vector.broadcast %broadcast_in_dim3A : f32 to vector<16xf32>
    %broadcast_in_dim3A_37 = arith.constant 3.000000e+38 : f32
    %broadcast_in_dim3A_38 = vector.broadcast %broadcast_in_dim3A_37 : f32 to vector<16xf32>
    %broadcast_in_dim3A_39 = arith.constant 0.000000e+00 : f32
    %broadcast_in_dim3A_40 = vector.broadcast %broadcast_in_dim3A_39 : f32 to vector<16xf32>
    %parallel_loop3A = arith.constant 0 : i32
    %parallel_loop3A_41 = arith.constant 320 : i32
    %parallel_loop3A_42 = arith.constant 1 : i32
    scf.for %parallel_loop3A_72 = %parallel_loop3A to %parallel_loop3A_41 step %parallel_loop3A_42  : i32 {
      %parallel_loop3A_73 = arith.constant 16 : i32
      %parallel_loop3A_74 = arith.muli %parallel_loop3A_72, %parallel_loop3A_73 : i32
      %parallel_loop3A_75 = arith.index_cast %parallel_loop3A_74 : i32 to index
      %parallel_loop3A_76 = tpu.vector_load %arg14[%parallel_loop3A_75] {strides = array<i32>} : memref<5120xf32, #tpu.memory_space<vmem>>, vector<16xf32>,
      tpu.vector_store %arg14[%parallel_loop3A_75], %broadcast_in_dim3A_36 {strides = array<i32>} : memref<5120xf32, #tpu.memory_space<vmem>>, vector<16xf32>,
    } {sc.loop_unroll_factor = 8 : i64, sc.parallel_access}
    %broadcast_in_dim3A_43 = arith.constant -3.000000e+38 : f32
    %broadcast_in_dim3A_44 = vector.broadcast %broadcast_in_dim3A_43 : f32 to vector<16xf32>
    %broadcast_in_dim3A_45 = arith.constant 5120 : i32
    %broadcast_in_dim3A_46 = vector.broadcast %broadcast_in_dim3A_45 : i32 to vector<16xi32>
    %parallel_loop3A_47 = arith.constant 0 : i32
    %parallel_loop3A_48 = arith.constant 5120 : i32
    %parallel_loop3A_49 = arith.constant 16 : i32
    %parallel_loop3A_50 = arith.constant -1 : i32
    %parallel_loop3A_51:2 = scf.for %parallel_loop3A_72 = %parallel_loop3A_47 to %parallel_loop3A_48 step %parallel_loop3A_49 iter_args(%parallel_loop3A_73 = %broadcast_in_dim3A_44, %parallel_loop3A_74 = %broadcast_in_dim3A_46) -> (vector<16xf32>, vector<16xi32>)  : i32 {
      %parallel_loop3A_75 = arith.index_cast %parallel_loop3A_72 : i32 to index
      %parallel_loop3A_76 = tpu.vector_load %arg9[%parallel_loop3A_75] {strides = array<i32>} : memref<5120xf32, #tpu.memory_space<vmem>>, vector<16xf32>,
      %parallel_loop3A_77 = arith.index_cast %parallel_loop3A_72 : i32 to index
      %parallel_loop3A_78 = tpu.vector_load %arg10[%parallel_loop3A_77] {strides = array<i32>} : memref<5120xf32, #tpu.memory_space<vmem>>, vector<16xf32>,
      %parallel_loop3A_79 = arith.index_cast %parallel_loop3A_72 : i32 to index
      %parallel_loop3A_80 = tpu.vector_load %arg11[%parallel_loop3A_79] {strides = array<i32>} : memref<5120xf32, #tpu.memory_space<vmem>>, vector<16xf32>,
      %parallel_loop3A_81 = arith.index_cast %parallel_loop3A_72 : i32 to index
      %parallel_loop3A_82 = tpu.vector_load %arg12[%parallel_loop3A_81] {strides = array<i32>} : memref<5120xf32, #tpu.memory_space<vmem>>, vector<16xf32>,
      %parallel_loop3A_83 = arith.index_cast %parallel_loop3A_72 : i32 to index
      %parallel_loop3A_84 = tpu.vector_load %arg13[%parallel_loop3A_83] {strides = array<i32>} : memref<5120xf32, #tpu.memory_space<vmem>>, vector<16xf32>,
      %parallel_loop3A_85 = arith.minimumf %parallel_loop3A_80, %broadcast_in_dim3A_38 : vector<16xf32>
      %parallel_loop3A_86 = arith.maximumf %parallel_loop3A_76, %broadcast_in_dim3A_38 : vector<16xf32>
      %parallel_loop3A_87 = arith.subf %parallel_loop3A_85, %parallel_loop3A_86 : vector<16xf32>
      %parallel_loop3A_88 = arith.constant 0.000000e+00 : f32
      %parallel_loop3A_89 = vector.broadcast %parallel_loop3A_88 : f32 to vector<16xf32>
      %parallel_loop3A_90 = arith.maximumf %parallel_loop3A_87, %parallel_loop3A_89 : vector<16xf32>
      %parallel_loop3A_91 = arith.minimumf %parallel_loop3A_82, %broadcast_in_dim3A_38 : vector<16xf32>
      %parallel_loop3A_92 = arith.maximumf %parallel_loop3A_78, %broadcast_in_dim3A_38 : vector<16xf32>
      %parallel_loop3A_93 = arith.subf %parallel_loop3A_91, %parallel_loop3A_92 : vector<16xf32>
      %parallel_loop3A_94 = arith.constant 0.000000e+00 : f32
      %parallel_loop3A_95 = vector.broadcast %parallel_loop3A_94 : f32 to vector<16xf32>
      %parallel_loop3A_96 = arith.maximumf %parallel_loop3A_93, %parallel_loop3A_95 : vector<16xf32>
      %parallel_loop3A_97 = arith.mulf %parallel_loop3A_90, %parallel_loop3A_96 : vector<16xf32>
      %parallel_loop3A_98 = arith.subf %parallel_loop3A_80, %parallel_loop3A_76 : vector<16xf32>
      %parallel_loop3A_99 = arith.subf %parallel_loop3A_82, %parallel_loop3A_78 : vector<16xf32>
      %parallel_loop3A_100 = arith.mulf %parallel_loop3A_98, %parallel_loop3A_99 : vector<16xf32>
      %parallel_loop3A_101 = arith.addf %parallel_loop3A_100, %broadcast_in_dim3A_40 : vector<16xf32>
      %parallel_loop3A_102 = arith.subf %parallel_loop3A_101, %parallel_loop3A_97 : vector<16xf32>
      %parallel_loop3A_103 = arith.constant 9.99999971E-10 : f32
      %parallel_loop3A_104 = vector.broadcast %parallel_loop3A_103 : f32 to vector<16xf32>
      %parallel_loop3A_105 = arith.maximumf %parallel_loop3A_102, %parallel_loop3A_104 : vector<16xf32>
      %parallel_loop3A_106 = arith.divf %parallel_loop3A_97, %parallel_loop3A_105 : vector<16xf32>
      %parallel_loop3A_107 = vector.broadcast %parallel_loop3A_72 : i32 to vector<16xi32>
      %parallel_loop3A_108 = arith.addi %iota3A, %parallel_loop3A_107 : vector<16xi32>
      %parallel_loop3A_109 = arith.constant 4.000000e-01 : f32
      %parallel_loop3A_110 = vector.broadcast %parallel_loop3A_109 : f32 to vector<16xf32>
      %parallel_loop3A_111 = arith.cmpf ogt, %parallel_loop3A_106, %parallel_loop3A_110 : vector<16xf32>
      %parallel_loop3A_112 = vector.broadcast %parallel_loop3A_50 : i32 to vector<16xi32>
      %parallel_loop3A_113 = arith.cmpi eq, %parallel_loop3A_108, %parallel_loop3A_112 : vector<16xi32>
      %parallel_loop3A_114 = arith.ori %parallel_loop3A_111, %parallel_loop3A_113 : vector<16xi1>
      %parallel_loop3A_115 = arith.constant -1.000000e+30 : f32
      %parallel_loop3A_116 = vector.broadcast %parallel_loop3A_115 : f32 to vector<16xf32>
      %parallel_loop3A_117 = arith.select %parallel_loop3A_114, %parallel_loop3A_116, %parallel_loop3A_84 : vector<16xi1>, vector<16xf32>
      %parallel_loop3A_118 = arith.index_cast %parallel_loop3A_72 : i32 to index
      %parallel_loop3A_119 = tpu.vector_load %arg13[%parallel_loop3A_118] {strides = array<i32>} : memref<5120xf32, #tpu.memory_space<vmem>>, vector<16xf32>,
      tpu.vector_store %arg13[%parallel_loop3A_118], %parallel_loop3A_117 {strides = array<i32>} : memref<5120xf32, #tpu.memory_space<vmem>>, vector<16xf32>,
      %parallel_loop3A_120 = arith.cmpf ogt, %parallel_loop3A_117, %parallel_loop3A_73 : vector<16xf32>
      %parallel_loop3A_121 = arith.cmpf oeq, %parallel_loop3A_117, %parallel_loop3A_73 : vector<16xf32>
      %parallel_loop3A_122 = arith.cmpi slt, %parallel_loop3A_108, %parallel_loop3A_74 : vector<16xi32>
      %parallel_loop3A_123 = arith.andi %parallel_loop3A_121, %parallel_loop3A_122 : vector<16xi1>
      %parallel_loop3A_124 = arith.ori %parallel_loop3A_120, %parallel_loop3A_123 : vector<16xi1>
      %parallel_loop3A_125 = arith.select %parallel_loop3A_124, %parallel_loop3A_117, %parallel_loop3A_73 : vector<16xi1>, vector<16xf32>
      %parallel_loop3A_126 = arith.select %parallel_loop3A_124, %parallel_loop3A_108, %parallel_loop3A_74 : vector<16xi1>, vector<16xi32>
      scf.yield %parallel_loop3A_125, %parallel_loop3A_126 : vector<16xf32>, vector<16xi32>
    } {sc.loop_unroll_factor = 64 : i64, sc.parallel_access}
    %reduce_max3A = arith.constant true
    %reduce_max3A_52 = vector.broadcast %reduce_max3A : i1 to vector<16xi1>
    %reduce_max3A_53 = tpu.scan <max>, %parallel_loop3A_51#0 masked %reduce_max3A_52 : vector<16xf32>, vector<16xi1> -> vector<16xf32>
    %reduce_max3A_54 = vector.extract %reduce_max3A_53[15] : f32 from vector<16xf32>
    %eq3A_55 = vector.broadcast %reduce_max3A_54 : f32 to vector<16xf32>
    %eq3A_56 = arith.cmpf oeq, %parallel_loop3A_51#0, %eq3A_55 : vector<16xf32>
    %jit3A_57 = arith.constant 5120 : i32
    %broadcast_in_dim3A_58 = vector.broadcast %jit3A_57 : i32 to vector<16xi32>
    %select_n3A_59 = arith.select %eq3A_56, %parallel_loop3A_51#1, %broadcast_in_dim3A_58 : vector<16xi1>, vector<16xi32>
    %reduce_min3A = arith.constant true
    %reduce_min3A_60 = vector.broadcast %reduce_min3A : i1 to vector<16xi1>
    %reduce_min3A_61 = arith.constant -2147483648 : i32
    %reduce_min3A_62 = vector.broadcast %reduce_min3A_61 : i32 to vector<16xi32>
    %reduce_min3A_63 = arith.xori %select_n3A_59, %reduce_min3A_62 : vector<16xi32>
    %reduce_min3A_64 = tpu.scan <min>, %reduce_min3A_63 masked %reduce_min3A_60 : vector<16xi32>, vector<16xi1> -> vector<16xi32>
    %reduce_min3A_65 = arith.xori %reduce_min3A_64, %reduce_min3A_62 : vector<16xi32>
    %reduce_min3A_66 = vector.extract %reduce_min3A_65[15] : i32 from vector<16xi32>
    %scan3A = arith.constant 0 : i32
    %scan3A_67 = arith.constant 100 : i32
    %scan3A_68 = arith.addi %scan3A, %scan3A_67 : i32
    %scan3A_69 = arith.constant 1 : i32
    %scan3A_70:2 = scf.for %scan3A_72 = %scan3A to %scan3A_68 step %scan3A_69 iter_args(%scan3A_73 = %reduce_max3A_54, %scan3A_74 = %reduce_min3A_66) -> (f32, i32)  : i32 {
      %jit3A_75 = arith.constant 2 : i32
      %eq3A_76 = arith.constant 0 : i32
      %eq3A_77 = arith.cmpi eq, %jit3A_75, %eq3A_76 : i32
      %jit3A_78 = arith.constant 1 : i32
      %select_n3A_79 = arith.select %eq3A_77, %jit3A_78, %jit3A_75 : i32
      %rem3A_80 = arith.remsi %scan3A_72, %select_n3A_79 : i32
      %ne3A_81 = arith.constant 0 : i32
      %ne3A_82 = arith.cmpi ne, %rem3A_80, %ne3A_81 : i32
      %lt3A_83 = arith.constant 0 : i32
      %lt3A_84 = arith.cmpi slt, %rem3A_80, %lt3A_83 : i32
      %lt3A_85 = arith.constant 0 : i32
      %lt3A_86 = arith.cmpi slt, %select_n3A_79, %lt3A_85 : i32
      %ne3A_87 = arith.xori %lt3A_84, %lt3A_86 : i1
      %and3A_88 = arith.andi %ne3A_87, %ne3A_82 : i1
      %add3A_89 = arith.addi %rem3A_80, %select_n3A_79 : i32
      %select_n3A_90 = arith.select %and3A_88, %add3A_89, %rem3A_80 : i32
      %convert_element_type3A = arith.sitofp %scan3A_72 : i32 to f32
      %add3A_91 = arith.constant 2.500000e-01 : f32
      %add3A_92 = arith.addf %convert_element_type3A, %add3A_91 : f32
      %broadcast_in_dim3A_93 = arith.constant 0 : i32
      %broadcast_in_dim3A_94 = vector.broadcast %broadcast_in_dim3A_93 : i32 to vector<16xi32>
      %add3A_95 = vector.broadcast %scan3A_74 : i32 to vector<16xi32>
      %add3A_96 = arith.addi %broadcast_in_dim3A_94, %add3A_95 : vector<16xi32>
      %gather3A = tpu.vector_load_idx %arg9[%add3A_96] : memref<5120xf32, #tpu.memory_space<vmem>>[vector<16xi32>], vector<16xf32>,
      %gather3A_97 = tpu.vector_load_idx %arg10[%add3A_96] : memref<5120xf32, #tpu.memory_space<vmem>>[vector<16xi32>], vector<16xf32>,
      %gather3A_98 = tpu.vector_load_idx %arg11[%add3A_96] : memref<5120xf32, #tpu.memory_space<vmem>>[vector<16xi32>], vector<16xf32>,
      %gather3A_99 = tpu.vector_load_idx %arg12[%add3A_96] : memref<5120xf32, #tpu.memory_space<vmem>>[vector<16xi32>], vector<16xf32>,
      %eq3A_100 = arith.constant 0 : i32
      %eq3A_101 = vector.broadcast %eq3A_100 : i32 to vector<16xi32>
      %eq3A_102 = arith.cmpi eq, %iota3A, %eq3A_101 : vector<16xi32>
      %add3A_103 = vector.broadcast %scan3A_73 : f32 to vector<16xf32>
      %add3A_104 = arith.addf %broadcast_in_dim3A_40, %add3A_103 : vector<16xf32>
      %eq3A_105 = arith.constant 1 : i32
      %eq3A_106 = vector.broadcast %eq3A_105 : i32 to vector<16xi32>
      %eq3A_107 = arith.cmpi eq, %iota3A, %eq3A_106 : vector<16xi32>
      %add3A_108 = arith.addi %scan3A_74, %mul3A_32 : i32
      %convert_element_type3A_109 = arith.sitofp %add3A_108 : i32 to f32
      %add3A_110 = vector.broadcast %convert_element_type3A_109 : f32 to vector<16xf32>
      %add3A_111 = arith.addf %broadcast_in_dim3A_40, %add3A_110 : vector<16xf32>
      %eq3A_112 = arith.constant 2 : i32
      %eq3A_113 = vector.broadcast %eq3A_112 : i32 to vector<16xi32>
      %eq3A_114 = arith.cmpi eq, %iota3A, %eq3A_113 : vector<16xi32>
      %eq3A_115 = arith.constant 3 : i32
      %eq3A_116 = vector.broadcast %eq3A_115 : i32 to vector<16xi32>
      %eq3A_117 = arith.cmpi eq, %iota3A, %eq3A_116 : vector<16xi32>
      %eq3A_118 = arith.constant 4 : i32
      %eq3A_119 = vector.broadcast %eq3A_118 : i32 to vector<16xi32>
      %eq3A_120 = arith.cmpi eq, %iota3A, %eq3A_119 : vector<16xi32>
      %eq3A_121 = arith.constant 5 : i32
      %eq3A_122 = vector.broadcast %eq3A_121 : i32 to vector<16xi32>
      %eq3A_123 = arith.cmpi eq, %iota3A, %eq3A_122 : vector<16xi32>
      %add3A_124 = vector.broadcast %add3A_92 : f32 to vector<16xf32>
      %add3A_125 = arith.addf %broadcast_in_dim3A_40, %add3A_124 : vector<16xf32>
      %select_n3A_126 = arith.select %eq3A_123, %gather3A_99, %add3A_125 : vector<16xi1>, vector<16xf32>
      %select_n3A_127 = arith.select %eq3A_120, %gather3A_98, %select_n3A_126 : vector<16xi1>, vector<16xf32>
      %select_n3A_128 = arith.select %eq3A_117, %gather3A_97, %select_n3A_127 : vector<16xi1>, vector<16xf32>
      %select_n3A_129 = arith.select %eq3A_114, %gather3A, %select_n3A_128 : vector<16xi1>, vector<16xf32>
      %select_n3A_130 = arith.select %eq3A_107, %add3A_111, %select_n3A_129 : vector<16xi1>, vector<16xf32>
      %select_n3A_131 = arith.select %eq3A_102, %add3A_104, %select_n3A_130 : vector<16xi1>, vector<16xf32>
      %swap3A = arith.constant 0 : index
      %swap3A_132 = tpu.vector_load %arg15[%swap3A] {strides = array<i32>} : memref<16xf32, #tpu.memory_space<vmem>>, vector<16xf32>,
      tpu.vector_store %arg15[%swap3A], %select_n3A_131 {strides = array<i32>} : memref<16xf32, #tpu.memory_space<vmem>>, vector<16xf32>,
      %mul3A_133 = arith.constant 32 : i32
      %mul3A_134 = arith.muli %select_n3A_90, %mul3A_133 : i32
      %mul3A_135 = arith.constant 4 : i32
      %mul3A_136 = arith.muli %add3A, %mul3A_135 : i32
      %add3A_137 = arith.addi %mul3A_134, %mul3A_136 : i32
      %add3A_138 = arith.addi %add3A_137, %select_n3A_30 : i32
      "tpu.region"() ({
        %run_scoped3A = tpu.sem_alloc : memref<!tpu.dma_semaphore, #tpu.memory_space<semaphore_mem>>
        %dma_start3A_343 = arith.constant 0 : i32
        %dma_start3A_344 = tpu.memref_slice %arg8[%add3A_138, %dma_start3A_343] : memref<64x16xf32, #tpu.memory_space<hbm>> -> memref<1x16xf32, #tpu.memory_space<hbm>>
        %dma_start3A_345 = tpu.memref_squeeze %dma_start3A_344 : memref<1x16xf32, #tpu.memory_space<hbm>> -> memref<16xf32, #tpu.memory_space<hbm>>
        %dma_start3A_346 = arith.constant 0 : i32
        %dma_start3A_347 = tpu.memref_slice %arg8[%add3A_138, %dma_start3A_346] : memref<64x16xf32, #tpu.memory_space<hbm>> -> memref<1x16xf32, #tpu.memory_space<hbm>>
        %dma_start3A_348 = tpu.memref_squeeze %dma_start3A_347 : memref<1x16xf32, #tpu.memory_space<hbm>> -> memref<16xf32, #tpu.memory_space<hbm>>
        tpu.enqueue_dma source(%arg15 : memref<16xf32, #tpu.memory_space<vmem>>) target(%dma_start3A_348 : memref<16xf32, #tpu.memory_space<hbm>>) target_semaphore(%run_scoped3A : memref<!tpu.dma_semaphore, #tpu.memory_space<semaphore_mem>>)
        %dma_wait3A_349 = arith.constant 0 : i32
        %dma_wait3A_350 = tpu.memref_slice %arg8[%add3A_138, %dma_wait3A_349] : memref<64x16xf32, #tpu.memory_space<hbm>> -> memref<1x16xf32, #tpu.memory_space<hbm>>
        %dma_wait3A_351 = tpu.memref_squeeze %dma_wait3A_350 : memref<1x16xf32, #tpu.memory_space<hbm>> -> memref<16xf32, #tpu.memory_space<hbm>>
        %dma_wait3A_352 = arith.constant 0 : i32
        %dma_wait3A_353 = tpu.memref_slice %arg8[%add3A_138, %dma_wait3A_352] : memref<64x16xf32, #tpu.memory_space<hbm>> -> memref<1x16xf32, #tpu.memory_space<hbm>>
        %dma_wait3A_354 = tpu.memref_squeeze %dma_wait3A_353 : memref<1x16xf32, #tpu.memory_space<hbm>> -> memref<16xf32, #tpu.memory_space<hbm>>
        tpu.wait_dma2 semaphore(%run_scoped3A : memref<!tpu.dma_semaphore, #tpu.memory_space<semaphore_mem>>) src(%arg15 : memref<16xf32, #tpu.memory_space<vmem>>) dst(%dma_wait3A_354 : memref<16xf32, #tpu.memory_space<hbm>>)
        tpu.yield
      }) : () -> ()
      %barrier3A = arith.constant 0 : index
      tpu.barrier barrier_id(%barrier3A)
      %add3A_139 = arith.constant 0 : i32
      %add3A_140 = arith.addi %add3A_137, %add3A_139 : i32
      %add3A_141 = arith.constant 1 : i32
      %add3A_142 = arith.addi %add3A_137, %add3A_141 : i32
      %add3A_143 = arith.constant 2 : i32
      %add3A_144 = arith.addi %add3A_137, %add3A_143 : i32
      %add3A_145 = arith.constant 3 : i32
      %add3A_146 = arith.addi %add3A_137, %add3A_145 : i32
      %dma_start3A = arith.constant 0 : i32
      %dma_start3A_147 = tpu.memref_slice %arg8[%add3A_140, %dma_start3A] : memref<64x16xf32, #tpu.memory_space<hbm>> -> memref<1x16xf32, #tpu.memory_space<hbm>>
      %dma_start3A_148 = tpu.memref_squeeze %dma_start3A_147 : memref<1x16xf32, #tpu.memory_space<hbm>> -> memref<16xf32, #tpu.memory_space<hbm>>
      %dma_start3A_149 = arith.constant 0 : i32
      %dma_start3A_150 = tpu.memref_slice %arg8[%add3A_140, %dma_start3A_149] : memref<64x16xf32, #tpu.memory_space<hbm>> -> memref<1x16xf32, #tpu.memory_space<hbm>>
      %dma_start3A_151 = tpu.memref_squeeze %dma_start3A_150 : memref<1x16xf32, #tpu.memory_space<hbm>> -> memref<16xf32, #tpu.memory_space<hbm>>
      tpu.enqueue_dma source(%dma_start3A_151 : memref<16xf32, #tpu.memory_space<hbm>>) target(%arg16 : memref<16xf32, #tpu.memory_space<vmem>>) target_semaphore(%arg20 : memref<!tpu.dma_semaphore, #tpu.memory_space<semaphore_mem>>)
      %dma_start3A_152 = arith.constant 0 : i32
      %dma_start3A_153 = tpu.memref_slice %arg8[%add3A_142, %dma_start3A_152] : memref<64x16xf32, #tpu.memory_space<hbm>> -> memref<1x16xf32, #tpu.memory_space<hbm>>
      %dma_start3A_154 = tpu.memref_squeeze %dma_start3A_153 : memref<1x16xf32, #tpu.memory_space<hbm>> -> memref<16xf32, #tpu.memory_space<hbm>>
      %dma_start3A_155 = arith.constant 0 : i32
      %dma_start3A_156 = tpu.memref_slice %arg8[%add3A_142, %dma_start3A_155] : memref<64x16xf32, #tpu.memory_space<hbm>> -> memref<1x16xf32, #tpu.memory_space<hbm>>
      %dma_start3A_157 = tpu.memref_squeeze %dma_start3A_156 : memref<1x16xf32, #tpu.memory_space<hbm>> -> memref<16xf32, #tpu.memory_space<hbm>>
      tpu.enqueue_dma source(%dma_start3A_157 : memref<16xf32, #tpu.memory_space<hbm>>) target(%arg17 : memref<16xf32, #tpu.memory_space<vmem>>) target_semaphore(%arg21 : memref<!tpu.dma_semaphore, #tpu.memory_space<semaphore_mem>>)
      %dma_start3A_158 = arith.constant 0 : i32
      %dma_start3A_159 = tpu.memref_slice %arg8[%add3A_144, %dma_start3A_158] : memref<64x16xf32, #tpu.memory_space<hbm>> -> memref<1x16xf32, #tpu.memory_space<hbm>>
      %dma_start3A_160 = tpu.memref_squeeze %dma_start3A_159 : memref<1x16xf32, #tpu.memory_space<hbm>> -> memref<16xf32, #tpu.memory_space<hbm>>
      %dma_start3A_161 = arith.constant 0 : i32
      %dma_start3A_162 = tpu.memref_slice %arg8[%add3A_144, %dma_start3A_161] : memref<64x16xf32, #tpu.memory_space<hbm>> -> memref<1x16xf32, #tpu.memory_space<hbm>>
      %dma_start3A_163 = tpu.memref_squeeze %dma_start3A_162 : memref<1x16xf32, #tpu.memory_space<hbm>> -> memref<16xf32, #tpu.memory_space<hbm>>
      tpu.enqueue_dma source(%dma_start3A_163 : memref<16xf32, #tpu.memory_space<hbm>>) target(%arg18 : memref<16xf32, #tpu.memory_space<vmem>>) target_semaphore(%arg22 : memref<!tpu.dma_semaphore, #tpu.memory_space<semaphore_mem>>)
      %dma_start3A_164 = arith.constant 0 : i32
      %dma_start3A_165 = tpu.memref_slice %arg8[%add3A_146, %dma_start3A_164] : memref<64x16xf32, #tpu.memory_space<hbm>> -> memref<1x16xf32, #tpu.memory_space<hbm>>
      %dma_start3A_166 = tpu.memref_squeeze %dma_start3A_165 : memref<1x16xf32, #tpu.memory_space<hbm>> -> memref<16xf32, #tpu.memory_space<hbm>>
      %dma_start3A_167 = arith.constant 0 : i32
      %dma_start3A_168 = tpu.memref_slice %arg8[%add3A_146, %dma_start3A_167] : memref<64x16xf32, #tpu.memory_space<hbm>> -> memref<1x16xf32, #tpu.memory_space<hbm>>
      %dma_start3A_169 = tpu.memref_squeeze %dma_start3A_168 : memref<1x16xf32, #tpu.memory_space<hbm>> -> memref<16xf32, #tpu.memory_space<hbm>>
      tpu.enqueue_dma source(%dma_start3A_169 : memref<16xf32, #tpu.memory_space<hbm>>) target(%arg19 : memref<16xf32, #tpu.memory_space<vmem>>) target_semaphore(%arg23 : memref<!tpu.dma_semaphore, #tpu.memory_space<semaphore_mem>>)
      %dma_wait3A = arith.constant 0 : i32
      %dma_wait3A_170 = tpu.memref_slice %arg8[%add3A_140, %dma_wait3A] : memref<64x16xf32, #tpu.memory_space<hbm>> -> memref<1x16xf32, #tpu.memory_space<hbm>>
      %dma_wait3A_171 = tpu.memref_squeeze %dma_wait3A_170 : memref<1x16xf32, #tpu.memory_space<hbm>> -> memref<16xf32, #tpu.memory_space<hbm>>
      %dma_wait3A_172 = arith.constant 0 : i32
      %dma_wait3A_173 = tpu.memref_slice %arg8[%add3A_140, %dma_wait3A_172] : memref<64x16xf32, #tpu.memory_space<hbm>> -> memref<1x16xf32, #tpu.memory_space<hbm>>
      %dma_wait3A_174 = tpu.memref_squeeze %dma_wait3A_173 : memref<1x16xf32, #tpu.memory_space<hbm>> -> memref<16xf32, #tpu.memory_space<hbm>>
      tpu.wait_dma2 semaphore(%arg20 : memref<!tpu.dma_semaphore, #tpu.memory_space<semaphore_mem>>) src(%dma_wait3A_174 : memref<16xf32, #tpu.memory_space<hbm>>) dst(%arg16 : memref<16xf32, #tpu.memory_space<vmem>>)
      %dma_wait3A_175 = arith.constant 0 : i32
      %dma_wait3A_176 = tpu.memref_slice %arg8[%add3A_142, %dma_wait3A_175] : memref<64x16xf32, #tpu.memory_space<hbm>> -> memref<1x16xf32, #tpu.memory_space<hbm>>
      %dma_wait3A_177 = tpu.memref_squeeze %dma_wait3A_176 : memref<1x16xf32, #tpu.memory_space<hbm>> -> memref<16xf32, #tpu.memory_space<hbm>>
      %dma_wait3A_178 = arith.constant 0 : i32
      %dma_wait3A_179 = tpu.memref_slice %arg8[%add3A_142, %dma_wait3A_178] : memref<64x16xf32, #tpu.memory_space<hbm>> -> memref<1x16xf32, #tpu.memory_space<hbm>>
      %dma_wait3A_180 = tpu.memref_squeeze %dma_wait3A_179 : memref<1x16xf32, #tpu.memory_space<hbm>> -> memref<16xf32, #tpu.memory_space<hbm>>
      tpu.wait_dma2 semaphore(%arg21 : memref<!tpu.dma_semaphore, #tpu.memory_space<semaphore_mem>>) src(%dma_wait3A_180 : memref<16xf32, #tpu.memory_space<hbm>>) dst(%arg17 : memref<16xf32, #tpu.memory_space<vmem>>)
      %dma_wait3A_181 = arith.constant 0 : i32
      %dma_wait3A_182 = tpu.memref_slice %arg8[%add3A_144, %dma_wait3A_181] : memref<64x16xf32, #tpu.memory_space<hbm>> -> memref<1x16xf32, #tpu.memory_space<hbm>>
      %dma_wait3A_183 = tpu.memref_squeeze %dma_wait3A_182 : memref<1x16xf32, #tpu.memory_space<hbm>> -> memref<16xf32, #tpu.memory_space<hbm>>
      %dma_wait3A_184 = arith.constant 0 : i32
      %dma_wait3A_185 = tpu.memref_slice %arg8[%add3A_144, %dma_wait3A_184] : memref<64x16xf32, #tpu.memory_space<hbm>> -> memref<1x16xf32, #tpu.memory_space<hbm>>
      %dma_wait3A_186 = tpu.memref_squeeze %dma_wait3A_185 : memref<1x16xf32, #tpu.memory_space<hbm>> -> memref<16xf32, #tpu.memory_space<hbm>>
      tpu.wait_dma2 semaphore(%arg22 : memref<!tpu.dma_semaphore, #tpu.memory_space<semaphore_mem>>) src(%dma_wait3A_186 : memref<16xf32, #tpu.memory_space<hbm>>) dst(%arg18 : memref<16xf32, #tpu.memory_space<vmem>>)
      %dma_wait3A_187 = arith.constant 0 : i32
      %dma_wait3A_188 = tpu.memref_slice %arg8[%add3A_146, %dma_wait3A_187] : memref<64x16xf32, #tpu.memory_space<hbm>> -> memref<1x16xf32, #tpu.memory_space<hbm>>
      %dma_wait3A_189 = tpu.memref_squeeze %dma_wait3A_188 : memref<1x16xf32, #tpu.memory_space<hbm>> -> memref<16xf32, #tpu.memory_space<hbm>>
      %dma_wait3A_190 = arith.constant 0 : i32
      %dma_wait3A_191 = tpu.memref_slice %arg8[%add3A_146, %dma_wait3A_190] : memref<64x16xf32, #tpu.memory_space<hbm>> -> memref<1x16xf32, #tpu.memory_space<hbm>>
      %dma_wait3A_192 = tpu.memref_squeeze %dma_wait3A_191 : memref<1x16xf32, #tpu.memory_space<hbm>> -> memref<16xf32, #tpu.memory_space<hbm>>
      tpu.wait_dma2 semaphore(%arg23 : memref<!tpu.dma_semaphore, #tpu.memory_space<semaphore_mem>>) src(%dma_wait3A_192 : memref<16xf32, #tpu.memory_space<hbm>>) dst(%arg19 : memref<16xf32, #tpu.memory_space<vmem>>)
      %get3A = arith.constant 0 : index
      %get3A_193 = tpu.vector_load %arg16[%get3A] {strides = array<i32>} : memref<16xf32, #tpu.memory_space<vmem>>, vector<16xf32>,
      %get3A_194 = arith.constant 0 : index
      %get3A_195 = tpu.vector_load %arg17[%get3A_194] {strides = array<i32>} : memref<16xf32, #tpu.memory_space<vmem>>, vector<16xf32>,
      %get3A_196 = arith.constant 0 : index
      %get3A_197 = tpu.vector_load %arg18[%get3A_196] {strides = array<i32>} : memref<16xf32, #tpu.memory_space<vmem>>, vector<16xf32>,
      %get3A_198 = arith.constant 0 : index
      %get3A_199 = tpu.vector_load %arg19[%get3A_198] {strides = array<i32>} : memref<16xf32, #tpu.memory_space<vmem>>, vector<16xf32>,
      %while3A:4 = scf.while (%while3A_343 = %get3A_193, %while3A_344 = %get3A_195, %while3A_345 = %get3A_197, %while3A_346 = %get3A_199) : (vector<16xf32>, vector<16xf32>, vector<16xf32>, vector<16xf32>) -> (vector<16xf32>, vector<16xf32>, vector<16xf32>, vector<16xf32>) {
        %slice3A_347 = vector.extract_strided_slice %while3A_343 {offsets = [6], sizes = [1], strides = [1]} : vector<16xf32> to vector<1xf32>
        %squeeze3A_348 = vector.extract %slice3A_347[0] : f32 from vector<1xf32>
        %ne3A_349 = arith.cmpf one, %squeeze3A_348, %add3A_92 : f32
        %slice3A_350 = vector.extract_strided_slice %while3A_344 {offsets = [6], sizes = [1], strides = [1]} : vector<16xf32> to vector<1xf32>
        %squeeze3A_351 = vector.extract %slice3A_350[0] : f32 from vector<1xf32>
        %ne3A_352 = arith.cmpf one, %squeeze3A_351, %add3A_92 : f32
        %or3A_353 = arith.ori %ne3A_349, %ne3A_352 : i1
        %slice3A_354 = vector.extract_strided_slice %while3A_345 {offsets = [6], sizes = [1], strides = [1]} : vector<16xf32> to vector<1xf32>
        %squeeze3A_355 = vector.extract %slice3A_354[0] : f32 from vector<1xf32>
        %ne3A_356 = arith.cmpf one, %squeeze3A_355, %add3A_92 : f32
        %or3A_357 = arith.ori %or3A_353, %ne3A_356 : i1
        %slice3A_358 = vector.extract_strided_slice %while3A_346 {offsets = [6], sizes = [1], strides = [1]} : vector<16xf32> to vector<1xf32>
        %squeeze3A_359 = vector.extract %slice3A_358[0] : f32 from vector<1xf32>
        %ne3A_360 = arith.cmpf one, %squeeze3A_359, %add3A_92 : f32
        %or3A_361 = arith.ori %or3A_357, %ne3A_360 : i1
        scf.condition(%or3A_361) %while3A_343, %while3A_344, %while3A_345, %while3A_346 : vector<16xf32>, vector<16xf32>, vector<16xf32>, vector<16xf32>
      } do {
      ^bb0(%while3A_343: vector<16xf32>, %while3A_344: vector<16xf32>, %while3A_345: vector<16xf32>, %while3A_346: vector<16xf32>):
        %add3A_347 = arith.constant 0 : i32
        %add3A_348 = arith.addi %add3A_137, %add3A_347 : i32
        %add3A_349 = arith.constant 1 : i32
        %add3A_350 = arith.addi %add3A_137, %add3A_349 : i32
        %add3A_351 = arith.constant 2 : i32
        %add3A_352 = arith.addi %add3A_137, %add3A_351 : i32
        %add3A_353 = arith.constant 3 : i32
        %add3A_354 = arith.addi %add3A_137, %add3A_353 : i32
        %dma_start3A_355 = arith.constant 0 : i32
        %dma_start3A_356 = tpu.memref_slice %arg8[%add3A_348, %dma_start3A_355] : memref<64x16xf32, #tpu.memory_space<hbm>> -> memref<1x16xf32, #tpu.memory_space<hbm>>
        %dma_start3A_357 = tpu.memref_squeeze %dma_start3A_356 : memref<1x16xf32, #tpu.memory_space<hbm>> -> memref<16xf32, #tpu.memory_space<hbm>>
        %dma_start3A_358 = arith.constant 0 : i32
        %dma_start3A_359 = tpu.memref_slice %arg8[%add3A_348, %dma_start3A_358] : memref<64x16xf32, #tpu.memory_space<hbm>> -> memref<1x16xf32, #tpu.memory_space<hbm>>
        %dma_start3A_360 = tpu.memref_squeeze %dma_start3A_359 : memref<1x16xf32, #tpu.memory_space<hbm>> -> memref<16xf32, #tpu.memory_space<hbm>>
        tpu.enqueue_dma source(%dma_start3A_360 : memref<16xf32, #tpu.memory_space<hbm>>) target(%arg16 : memref<16xf32, #tpu.memory_space<vmem>>) target_semaphore(%arg20 : memref<!tpu.dma_semaphore, #tpu.memory_space<semaphore_mem>>)
        %dma_start3A_361 = arith.constant 0 : i32
        %dma_start3A_362 = tpu.memref_slice %arg8[%add3A_350, %dma_start3A_361] : memref<64x16xf32, #tpu.memory_space<hbm>> -> memref<1x16xf32, #tpu.memory_space<hbm>>
        %dma_start3A_363 = tpu.memref_squeeze %dma_start3A_362 : memref<1x16xf32, #tpu.memory_space<hbm>> -> memref<16xf32, #tpu.memory_space<hbm>>
        %dma_start3A_364 = arith.constant 0 : i32
        %dma_start3A_365 = tpu.memref_slice %arg8[%add3A_350, %dma_start3A_364] : memref<64x16xf32, #tpu.memory_space<hbm>> -> memref<1x16xf32, #tpu.memory_space<hbm>>
        %dma_start3A_366 = tpu.memref_squeeze %dma_start3A_365 : memref<1x16xf32, #tpu.memory_space<hbm>> -> memref<16xf32, #tpu.memory_space<hbm>>
        tpu.enqueue_dma source(%dma_start3A_366 : memref<16xf32, #tpu.memory_space<hbm>>) target(%arg17 : memref<16xf32, #tpu.memory_space<vmem>>) target_semaphore(%arg21 : memref<!tpu.dma_semaphore, #tpu.memory_space<semaphore_mem>>)
        %dma_start3A_367 = arith.constant 0 : i32
        %dma_start3A_368 = tpu.memref_slice %arg8[%add3A_352, %dma_start3A_367] : memref<64x16xf32, #tpu.memory_space<hbm>> -> memref<1x16xf32, #tpu.memory_space<hbm>>
        %dma_start3A_369 = tpu.memref_squeeze %dma_start3A_368 : memref<1x16xf32, #tpu.memory_space<hbm>> -> memref<16xf32, #tpu.memory_space<hbm>>
        %dma_start3A_370 = arith.constant 0 : i32
        %dma_start3A_371 = tpu.memref_slice %arg8[%add3A_352, %dma_start3A_370] : memref<64x16xf32, #tpu.memory_space<hbm>> -> memref<1x16xf32, #tpu.memory_space<hbm>>
        %dma_start3A_372 = tpu.memref_squeeze %dma_start3A_371 : memref<1x16xf32, #tpu.memory_space<hbm>> -> memref<16xf32, #tpu.memory_space<hbm>>
        tpu.enqueue_dma source(%dma_start3A_372 : memref<16xf32, #tpu.memory_space<hbm>>) target(%arg18 : memref<16xf32, #tpu.memory_space<vmem>>) target_semaphore(%arg22 : memref<!tpu.dma_semaphore, #tpu.memory_space<semaphore_mem>>)
        %dma_start3A_373 = arith.constant 0 : i32
        %dma_start3A_374 = tpu.memref_slice %arg8[%add3A_354, %dma_start3A_373] : memref<64x16xf32, #tpu.memory_space<hbm>> -> memref<1x16xf32, #tpu.memory_space<hbm>>
        %dma_start3A_375 = tpu.memref_squeeze %dma_start3A_374 : memref<1x16xf32, #tpu.memory_space<hbm>> -> memref<16xf32, #tpu.memory_space<hbm>>
        %dma_start3A_376 = arith.constant 0 : i32
        %dma_start3A_377 = tpu.memref_slice %arg8[%add3A_354, %dma_start3A_376] : memref<64x16xf32, #tpu.memory_space<hbm>> -> memref<1x16xf32, #tpu.memory_space<hbm>>
        %dma_start3A_378 = tpu.memref_squeeze %dma_start3A_377 : memref<1x16xf32, #tpu.memory_space<hbm>> -> memref<16xf32, #tpu.memory_space<hbm>>
        tpu.enqueue_dma source(%dma_start3A_378 : memref<16xf32, #tpu.memory_space<hbm>>) target(%arg19 : memref<16xf32, #tpu.memory_space<vmem>>) target_semaphore(%arg23 : memref<!tpu.dma_semaphore, #tpu.memory_space<semaphore_mem>>)
        %dma_wait3A_379 = arith.constant 0 : i32
        %dma_wait3A_380 = tpu.memref_slice %arg8[%add3A_348, %dma_wait3A_379] : memref<64x16xf32, #tpu.memory_space<hbm>> -> memref<1x16xf32, #tpu.memory_space<hbm>>
        %dma_wait3A_381 = tpu.memref_squeeze %dma_wait3A_380 : memref<1x16xf32, #tpu.memory_space<hbm>> -> memref<16xf32, #tpu.memory_space<hbm>>
        %dma_wait3A_382 = arith.constant 0 : i32
        %dma_wait3A_383 = tpu.memref_slice %arg8[%add3A_348, %dma_wait3A_382] : memref<64x16xf32, #tpu.memory_space<hbm>> -> memref<1x16xf32, #tpu.memory_space<hbm>>
        %dma_wait3A_384 = tpu.memref_squeeze %dma_wait3A_383 : memref<1x16xf32, #tpu.memory_space<hbm>> -> memref<16xf32, #tpu.memory_space<hbm>>
        tpu.wait_dma2 semaphore(%arg20 : memref<!tpu.dma_semaphore, #tpu.memory_space<semaphore_mem>>) src(%dma_wait3A_384 : memref<16xf32, #tpu.memory_space<hbm>>) dst(%arg16 : memref<16xf32, #tpu.memory_space<vmem>>)
        %dma_wait3A_385 = arith.constant 0 : i32
        %dma_wait3A_386 = tpu.memref_slice %arg8[%add3A_350, %dma_wait3A_385] : memref<64x16xf32, #tpu.memory_space<hbm>> -> memref<1x16xf32, #tpu.memory_space<hbm>>
        %dma_wait3A_387 = tpu.memref_squeeze %dma_wait3A_386 : memref<1x16xf32, #tpu.memory_space<hbm>> -> memref<16xf32, #tpu.memory_space<hbm>>
        %dma_wait3A_388 = arith.constant 0 : i32
        %dma_wait3A_389 = tpu.memref_slice %arg8[%add3A_350, %dma_wait3A_388] : memref<64x16xf32, #tpu.memory_space<hbm>> -> memref<1x16xf32, #tpu.memory_space<hbm>>
        %dma_wait3A_390 = tpu.memref_squeeze %dma_wait3A_389 : memref<1x16xf32, #tpu.memory_space<hbm>> -> memref<16xf32, #tpu.memory_space<hbm>>
        tpu.wait_dma2 semaphore(%arg21 : memref<!tpu.dma_semaphore, #tpu.memory_space<semaphore_mem>>) src(%dma_wait3A_390 : memref<16xf32, #tpu.memory_space<hbm>>) dst(%arg17 : memref<16xf32, #tpu.memory_space<vmem>>)
        %dma_wait3A_391 = arith.constant 0 : i32
        %dma_wait3A_392 = tpu.memref_slice %arg8[%add3A_352, %dma_wait3A_391] : memref<64x16xf32, #tpu.memory_space<hbm>> -> memref<1x16xf32, #tpu.memory_space<hbm>>
        %dma_wait3A_393 = tpu.memref_squeeze %dma_wait3A_392 : memref<1x16xf32, #tpu.memory_space<hbm>> -> memref<16xf32, #tpu.memory_space<hbm>>
        %dma_wait3A_394 = arith.constant 0 : i32
        %dma_wait3A_395 = tpu.memref_slice %arg8[%add3A_352, %dma_wait3A_394] : memref<64x16xf32, #tpu.memory_space<hbm>> -> memref<1x16xf32, #tpu.memory_space<hbm>>
        %dma_wait3A_396 = tpu.memref_squeeze %dma_wait3A_395 : memref<1x16xf32, #tpu.memory_space<hbm>> -> memref<16xf32, #tpu.memory_space<hbm>>
        tpu.wait_dma2 semaphore(%arg22 : memref<!tpu.dma_semaphore, #tpu.memory_space<semaphore_mem>>) src(%dma_wait3A_396 : memref<16xf32, #tpu.memory_space<hbm>>) dst(%arg18 : memref<16xf32, #tpu.memory_space<vmem>>)
        %dma_wait3A_397 = arith.constant 0 : i32
        %dma_wait3A_398 = tpu.memref_slice %arg8[%add3A_354, %dma_wait3A_397] : memref<64x16xf32, #tpu.memory_space<hbm>> -> memref<1x16xf32, #tpu.memory_space<hbm>>
        %dma_wait3A_399 = tpu.memref_squeeze %dma_wait3A_398 : memref<1x16xf32, #tpu.memory_space<hbm>> -> memref<16xf32, #tpu.memory_space<hbm>>
        %dma_wait3A_400 = arith.constant 0 : i32
        %dma_wait3A_401 = tpu.memref_slice %arg8[%add3A_354, %dma_wait3A_400] : memref<64x16xf32, #tpu.memory_space<hbm>> -> memref<1x16xf32, #tpu.memory_space<hbm>>
        %dma_wait3A_402 = tpu.memref_squeeze %dma_wait3A_401 : memref<1x16xf32, #tpu.memory_space<hbm>> -> memref<16xf32, #tpu.memory_space<hbm>>
        tpu.wait_dma2 semaphore(%arg23 : memref<!tpu.dma_semaphore, #tpu.memory_space<semaphore_mem>>) src(%dma_wait3A_402 : memref<16xf32, #tpu.memory_space<hbm>>) dst(%arg19 : memref<16xf32, #tpu.memory_space<vmem>>)
        %get3A_403 = arith.constant 0 : index
        %get3A_404 = tpu.vector_load %arg16[%get3A_403] {strides = array<i32>} : memref<16xf32, #tpu.memory_space<vmem>>, vector<16xf32>,
        %get3A_405 = arith.constant 0 : index
        %get3A_406 = tpu.vector_load %arg17[%get3A_405] {strides = array<i32>} : memref<16xf32, #tpu.memory_space<vmem>>, vector<16xf32>,
        %get3A_407 = arith.constant 0 : index
        %get3A_408 = tpu.vector_load %arg18[%get3A_407] {strides = array<i32>} : memref<16xf32, #tpu.memory_space<vmem>>, vector<16xf32>,
        %get3A_409 = arith.constant 0 : index
        %get3A_410 = tpu.vector_load %arg19[%get3A_409] {strides = array<i32>} : memref<16xf32, #tpu.memory_space<vmem>>, vector<16xf32>,
        scf.yield %get3A_404, %get3A_406, %get3A_408, %get3A_410 : vector<16xf32>, vector<16xf32>, vector<16xf32>, vector<16xf32>
      }
      %slice3A = vector.extract_strided_slice %while3A#0 {offsets = [0], sizes = [1], strides = [1]} : vector<16xf32> to vector<1xf32>
      %squeeze3A = vector.extract %slice3A[0] : f32 from vector<1xf32>
      %slice3A_200 = vector.extract_strided_slice %while3A#0 {offsets = [1], sizes = [1], strides = [1]} : vector<16xf32> to vector<1xf32>
      %squeeze3A_201 = vector.extract %slice3A_200[0] : f32 from vector<1xf32>
      %slice3A_202 = vector.extract_strided_slice %while3A#0 {offsets = [2], sizes = [1], strides = [1]} : vector<16xf32> to vector<1xf32>
      %squeeze3A_203 = vector.extract %slice3A_202[0] : f32 from vector<1xf32>
      %slice3A_204 = vector.extract_strided_slice %while3A#0 {offsets = [3], sizes = [1], strides = [1]} : vector<16xf32> to vector<1xf32>
      %squeeze3A_205 = vector.extract %slice3A_204[0] : f32 from vector<1xf32>
      %slice3A_206 = vector.extract_strided_slice %while3A#0 {offsets = [4], sizes = [1], strides = [1]} : vector<16xf32> to vector<1xf32>
      %squeeze3A_207 = vector.extract %slice3A_206[0] : f32 from vector<1xf32>
      %slice3A_208 = vector.extract_strided_slice %while3A#0 {offsets = [5], sizes = [1], strides = [1]} : vector<16xf32> to vector<1xf32>
      %squeeze3A_209 = vector.extract %slice3A_208[0] : f32 from vector<1xf32>
      %slice3A_210 = vector.extract_strided_slice %while3A#1 {offsets = [0], sizes = [1], strides = [1]} : vector<16xf32> to vector<1xf32>
      %squeeze3A_211 = vector.extract %slice3A_210[0] : f32 from vector<1xf32>
      %slice3A_212 = vector.extract_strided_slice %while3A#1 {offsets = [1], sizes = [1], strides = [1]} : vector<16xf32> to vector<1xf32>
      %squeeze3A_213 = vector.extract %slice3A_212[0] : f32 from vector<1xf32>
      %gt3A = arith.cmpf ogt, %squeeze3A_211, %squeeze3A : f32
      %eq3A_214 = arith.cmpf oeq, %squeeze3A_211, %squeeze3A : f32
      %lt3A_215 = arith.cmpf olt, %squeeze3A_213, %squeeze3A_201 : f32
      %and3A_216 = arith.andi %eq3A_214, %lt3A_215 : i1
      %or3A = arith.ori %gt3A, %and3A_216 : i1
      %select_n3A_217 = arith.select %or3A, %squeeze3A_211, %squeeze3A : f32
      %select_n3A_218 = arith.select %or3A, %squeeze3A_213, %squeeze3A_201 : f32
      %slice3A_219 = vector.extract_strided_slice %while3A#1 {offsets = [2], sizes = [1], strides = [1]} : vector<16xf32> to vector<1xf32>
      %squeeze3A_220 = vector.extract %slice3A_219[0] : f32 from vector<1xf32>
      %select_n3A_221 = arith.select %or3A, %squeeze3A_220, %squeeze3A_203 : f32
      %slice3A_222 = vector.extract_strided_slice %while3A#1 {offsets = [3], sizes = [1], strides = [1]} : vector<16xf32> to vector<1xf32>
      %squeeze3A_223 = vector.extract %slice3A_222[0] : f32 from vector<1xf32>
      %select_n3A_224 = arith.select %or3A, %squeeze3A_223, %squeeze3A_205 : f32
      %slice3A_225 = vector.extract_strided_slice %while3A#1 {offsets = [4], sizes = [1], strides = [1]} : vector<16xf32> to vector<1xf32>
      %squeeze3A_226 = vector.extract %slice3A_225[0] : f32 from vector<1xf32>
      %select_n3A_227 = arith.select %or3A, %squeeze3A_226, %squeeze3A_207 : f32
      %slice3A_228 = vector.extract_strided_slice %while3A#1 {offsets = [5], sizes = [1], strides = [1]} : vector<16xf32> to vector<1xf32>
      %squeeze3A_229 = vector.extract %slice3A_228[0] : f32 from vector<1xf32>
      %select_n3A_230 = arith.select %or3A, %squeeze3A_229, %squeeze3A_209 : f32
      %slice3A_231 = vector.extract_strided_slice %while3A#2 {offsets = [0], sizes = [1], strides = [1]} : vector<16xf32> to vector<1xf32>
      %squeeze3A_232 = vector.extract %slice3A_231[0] : f32 from vector<1xf32>
      %slice3A_233 = vector.extract_strided_slice %while3A#2 {offsets = [1], sizes = [1], strides = [1]} : vector<16xf32> to vector<1xf32>
      %squeeze3A_234 = vector.extract %slice3A_233[0] : f32 from vector<1xf32>
      %gt3A_235 = arith.cmpf ogt, %squeeze3A_232, %select_n3A_217 : f32
      %eq3A_236 = arith.cmpf oeq, %squeeze3A_232, %select_n3A_217 : f32
      %lt3A_237 = arith.cmpf olt, %squeeze3A_234, %select_n3A_218 : f32
      %and3A_238 = arith.andi %eq3A_236, %lt3A_237 : i1
      %or3A_239 = arith.ori %gt3A_235, %and3A_238 : i1
      %select_n3A_240 = arith.select %or3A_239, %squeeze3A_232, %select_n3A_217 : f32
      %select_n3A_241 = arith.select %or3A_239, %squeeze3A_234, %select_n3A_218 : f32
      %slice3A_242 = vector.extract_strided_slice %while3A#2 {offsets = [2], sizes = [1], strides = [1]} : vector<16xf32> to vector<1xf32>
      %squeeze3A_243 = vector.extract %slice3A_242[0] : f32 from vector<1xf32>
      %select_n3A_244 = arith.select %or3A_239, %squeeze3A_243, %select_n3A_221 : f32
      %slice3A_245 = vector.extract_strided_slice %while3A#2 {offsets = [3], sizes = [1], strides = [1]} : vector<16xf32> to vector<1xf32>
      %squeeze3A_246 = vector.extract %slice3A_245[0] : f32 from vector<1xf32>
      %select_n3A_247 = arith.select %or3A_239, %squeeze3A_246, %select_n3A_224 : f32
      %slice3A_248 = vector.extract_strided_slice %while3A#2 {offsets = [4], sizes = [1], strides = [1]} : vector<16xf32> to vector<1xf32>
      %squeeze3A_249 = vector.extract %slice3A_248[0] : f32 from vector<1xf32>
      %select_n3A_250 = arith.select %or3A_239, %squeeze3A_249, %select_n3A_227 : f32
      %slice3A_251 = vector.extract_strided_slice %while3A#2 {offsets = [5], sizes = [1], strides = [1]} : vector<16xf32> to vector<1xf32>
      %squeeze3A_252 = vector.extract %slice3A_251[0] : f32 from vector<1xf32>
      %select_n3A_253 = arith.select %or3A_239, %squeeze3A_252, %select_n3A_230 : f32
      %slice3A_254 = vector.extract_strided_slice %while3A#3 {offsets = [0], sizes = [1], strides = [1]} : vector<16xf32> to vector<1xf32>
      %squeeze3A_255 = vector.extract %slice3A_254[0] : f32 from vector<1xf32>
      %slice3A_256 = vector.extract_strided_slice %while3A#3 {offsets = [1], sizes = [1], strides = [1]} : vector<16xf32> to vector<1xf32>
      %squeeze3A_257 = vector.extract %slice3A_256[0] : f32 from vector<1xf32>
      %gt3A_258 = arith.cmpf ogt, %squeeze3A_255, %select_n3A_240 : f32
      %eq3A_259 = arith.cmpf oeq, %squeeze3A_255, %select_n3A_240 : f32
      %lt3A_260 = arith.cmpf olt, %squeeze3A_257, %select_n3A_241 : f32
      %and3A_261 = arith.andi %eq3A_259, %lt3A_260 : i1
      %or3A_262 = arith.ori %gt3A_258, %and3A_261 : i1
      %select_n3A_263 = arith.select %or3A_262, %squeeze3A_255, %select_n3A_240 : f32
      %select_n3A_264 = arith.select %or3A_262, %squeeze3A_257, %select_n3A_241 : f32
      %slice3A_265 = vector.extract_strided_slice %while3A#3 {offsets = [2], sizes = [1], strides = [1]} : vector<16xf32> to vector<1xf32>
      %squeeze3A_266 = vector.extract %slice3A_265[0] : f32 from vector<1xf32>
      %select_n3A_267 = arith.select %or3A_262, %squeeze3A_266, %select_n3A_244 : f32
      %slice3A_268 = vector.extract_strided_slice %while3A#3 {offsets = [3], sizes = [1], strides = [1]} : vector<16xf32> to vector<1xf32>
      %squeeze3A_269 = vector.extract %slice3A_268[0] : f32 from vector<1xf32>
      %select_n3A_270 = arith.select %or3A_262, %squeeze3A_269, %select_n3A_247 : f32
      %slice3A_271 = vector.extract_strided_slice %while3A#3 {offsets = [4], sizes = [1], strides = [1]} : vector<16xf32> to vector<1xf32>
      %squeeze3A_272 = vector.extract %slice3A_271[0] : f32 from vector<1xf32>
      %select_n3A_273 = arith.select %or3A_262, %squeeze3A_272, %select_n3A_250 : f32
      %slice3A_274 = vector.extract_strided_slice %while3A#3 {offsets = [5], sizes = [1], strides = [1]} : vector<16xf32> to vector<1xf32>
      %squeeze3A_275 = vector.extract %slice3A_274[0] : f32 from vector<1xf32>
      %select_n3A_276 = arith.select %or3A_262, %squeeze3A_275, %select_n3A_253 : f32
      %gt3A_277 = arith.constant -5.000000e+29 : f32
      %gt3A_278 = arith.cmpf ogt, %select_n3A_263, %gt3A_277 : f32
      %convert_element_type3A_279 = arith.fptosi %select_n3A_264 : f32 to i32
      %sub3A_280 = arith.subi %convert_element_type3A_279, %mul3A_32 : i32
      %jit3A_281 = arith.constant 0 : i32
      %jit3A_282 = arith.constant 5119 : i32
      %max3A = arith.maxsi %jit3A_281, %sub3A_280 : i32
      %min3A = arith.minsi %jit3A_282, %max3A : i32
      %broadcast_in_dim3A_283 = arith.constant 0 : i32
      %broadcast_in_dim3A_284 = vector.broadcast %broadcast_in_dim3A_283 : i32 to vector<16xi32>
      %add3A_285 = vector.broadcast %min3A : i32 to vector<16xi32>
      %add3A_286 = arith.addi %broadcast_in_dim3A_284, %add3A_285 : vector<16xi32>
      %add3A_287 = vector.broadcast %select_n3A_263 : f32 to vector<16xf32>
      %add3A_288 = arith.addf %broadcast_in_dim3A_40, %add3A_287 : vector<16xf32>
      %eq3A_289 = arith.constant 0 : i32
      %eq3A_290 = vector.broadcast %eq3A_289 : i32 to vector<16xi32>
      %eq3A_291 = arith.cmpi eq, %iota3A, %eq3A_290 : vector<16xi32>
      %and3A_292 = vector.broadcast %gt3A_278 : i1 to vector<16xi1>
      %and3A_293 = arith.andi %eq3A_291, %and3A_292 : vector<16xi1>
      %ge3A = arith.constant 0 : i32
      %ge3A_294 = arith.cmpi sge, %sub3A_280, %ge3A : i32
      %and3A_295 = vector.broadcast %ge3A_294 : i1 to vector<16xi1>
      %and3A_296 = arith.andi %and3A_293, %and3A_295 : vector<16xi1>
      %lt3A_297 = arith.constant 5120 : i32
      %lt3A_298 = arith.cmpi slt, %sub3A_280, %lt3A_297 : i32
      %and3A_299 = vector.broadcast %lt3A_298 : i1 to vector<16xi1>
      %and3A_300 = arith.andi %and3A_296, %and3A_299 : vector<16xi1>
      tpu.vector_store_idx %arg14[%add3A_286], %add3A_288 masked %and3A_300 : memref<5120xf32, #tpu.memory_space<vmem>>[vector<16xi32>], vector<16xf32>, vector<16xi1>
      %add3A_301 = vector.broadcast %select_n3A_267 : f32 to vector<16xf32>
      %add3A_302 = arith.addf %broadcast_in_dim3A_40, %add3A_301 : vector<16xf32>
      %select_n3A_303 = arith.select %gt3A_278, %add3A_302, %broadcast_in_dim3A_38 : vector<16xf32>
      %add3A_304 = vector.broadcast %select_n3A_270 : f32 to vector<16xf32>
      %add3A_305 = arith.addf %broadcast_in_dim3A_40, %add3A_304 : vector<16xf32>
      %select_n3A_306 = arith.select %gt3A_278, %add3A_305, %broadcast_in_dim3A_38 : vector<16xf32>
      %add3A_307 = vector.broadcast %select_n3A_273 : f32 to vector<16xf32>
      %add3A_308 = arith.addf %broadcast_in_dim3A_40, %add3A_307 : vector<16xf32>
      %select_n3A_309 = arith.select %gt3A_278, %add3A_308, %broadcast_in_dim3A_38 : vector<16xf32>
      %add3A_310 = vector.broadcast %select_n3A_276 : f32 to vector<16xf32>
      %add3A_311 = arith.addf %broadcast_in_dim3A_40, %add3A_310 : vector<16xf32>
      %select_n3A_312 = arith.select %gt3A_278, %add3A_311, %broadcast_in_dim3A_38 : vector<16xf32>
      %sub3A_313 = arith.subf %select_n3A_309, %select_n3A_303 : vector<16xf32>
      %sub3A_314 = arith.subf %select_n3A_312, %select_n3A_306 : vector<16xf32>
      %mul3A_315 = arith.mulf %sub3A_313, %sub3A_314 : vector<16xf32>
      %jit3A_316 = arith.constant -1 : i32
      %select_n3A_317 = arith.select %gt3A_278, %sub3A_280, %jit3A_316 : i32
      %broadcast_in_dim3A_318 = arith.constant -3.000000e+38 : f32
      %broadcast_in_dim3A_319 = vector.broadcast %broadcast_in_dim3A_318 : f32 to vector<16xf32>
      %broadcast_in_dim3A_320 = arith.constant 5120 : i32
      %broadcast_in_dim3A_321 = vector.broadcast %broadcast_in_dim3A_320 : i32 to vector<16xi32>
      %parallel_loop3A_322 = arith.constant 0 : i32
      %parallel_loop3A_323 = arith.constant 5120 : i32
      %parallel_loop3A_324 = arith.constant 16 : i32
      %parallel_loop3A_325:2 = scf.for %parallel_loop3A_343 = %parallel_loop3A_322 to %parallel_loop3A_323 step %parallel_loop3A_324 iter_args(%parallel_loop3A_344 = %broadcast_in_dim3A_319, %parallel_loop3A_345 = %broadcast_in_dim3A_321) -> (vector<16xf32>, vector<16xi32>)  : i32 {
        %parallel_loop3A_346 = arith.index_cast %parallel_loop3A_343 : i32 to index
        %parallel_loop3A_347 = tpu.vector_load %arg9[%parallel_loop3A_346] {strides = array<i32>} : memref<5120xf32, #tpu.memory_space<vmem>>, vector<16xf32>,
        %parallel_loop3A_348 = arith.index_cast %parallel_loop3A_343 : i32 to index
        %parallel_loop3A_349 = tpu.vector_load %arg10[%parallel_loop3A_348] {strides = array<i32>} : memref<5120xf32, #tpu.memory_space<vmem>>, vector<16xf32>,
        %parallel_loop3A_350 = arith.index_cast %parallel_loop3A_343 : i32 to index
        %parallel_loop3A_351 = tpu.vector_load %arg11[%parallel_loop3A_350] {strides = array<i32>} : memref<5120xf32, #tpu.memory_space<vmem>>, vector<16xf32>,
        %parallel_loop3A_352 = arith.index_cast %parallel_loop3A_343 : i32 to index
        %parallel_loop3A_353 = tpu.vector_load %arg12[%parallel_loop3A_352] {strides = array<i32>} : memref<5120xf32, #tpu.memory_space<vmem>>, vector<16xf32>,
        %parallel_loop3A_354 = arith.index_cast %parallel_loop3A_343 : i32 to index
        %parallel_loop3A_355 = tpu.vector_load %arg13[%parallel_loop3A_354] {strides = array<i32>} : memref<5120xf32, #tpu.memory_space<vmem>>, vector<16xf32>,
        %parallel_loop3A_356 = arith.minimumf %parallel_loop3A_351, %select_n3A_309 : vector<16xf32>
        %parallel_loop3A_357 = arith.maximumf %parallel_loop3A_347, %select_n3A_303 : vector<16xf32>
        %parallel_loop3A_358 = arith.subf %parallel_loop3A_356, %parallel_loop3A_357 : vector<16xf32>
        %parallel_loop3A_359 = arith.constant 0.000000e+00 : f32
        %parallel_loop3A_360 = vector.broadcast %parallel_loop3A_359 : f32 to vector<16xf32>
        %parallel_loop3A_361 = arith.maximumf %parallel_loop3A_358, %parallel_loop3A_360 : vector<16xf32>
        %parallel_loop3A_362 = arith.minimumf %parallel_loop3A_353, %select_n3A_312 : vector<16xf32>
        %parallel_loop3A_363 = arith.maximumf %parallel_loop3A_349, %select_n3A_306 : vector<16xf32>
        %parallel_loop3A_364 = arith.subf %parallel_loop3A_362, %parallel_loop3A_363 : vector<16xf32>
        %parallel_loop3A_365 = arith.constant 0.000000e+00 : f32
        %parallel_loop3A_366 = vector.broadcast %parallel_loop3A_365 : f32 to vector<16xf32>
        %parallel_loop3A_367 = arith.maximumf %parallel_loop3A_364, %parallel_loop3A_366 : vector<16xf32>
        %parallel_loop3A_368 = arith.mulf %parallel_loop3A_361, %parallel_loop3A_367 : vector<16xf32>
        %parallel_loop3A_369 = arith.subf %parallel_loop3A_351, %parallel_loop3A_347 : vector<16xf32>
        %parallel_loop3A_370 = arith.subf %parallel_loop3A_353, %parallel_loop3A_349 : vector<16xf32>
        %parallel_loop3A_371 = arith.mulf %parallel_loop3A_369, %parallel_loop3A_370 : vector<16xf32>
        %parallel_loop3A_372 = arith.addf %parallel_loop3A_371, %mul3A_315 : vector<16xf32>
        %parallel_loop3A_373 = arith.subf %parallel_loop3A_372, %parallel_loop3A_368 : vector<16xf32>
        %parallel_loop3A_374 = arith.constant 9.99999971E-10 : f32
        %parallel_loop3A_375 = vector.broadcast %parallel_loop3A_374 : f32 to vector<16xf32>
        %parallel_loop3A_376 = arith.maximumf %parallel_loop3A_373, %parallel_loop3A_375 : vector<16xf32>
        %parallel_loop3A_377 = arith.divf %parallel_loop3A_368, %parallel_loop3A_376 : vector<16xf32>
        %parallel_loop3A_378 = vector.broadcast %parallel_loop3A_343 : i32 to vector<16xi32>
        %parallel_loop3A_379 = arith.addi %iota3A, %parallel_loop3A_378 : vector<16xi32>
        %parallel_loop3A_380 = arith.constant 4.000000e-01 : f32
        %parallel_loop3A_381 = vector.broadcast %parallel_loop3A_380 : f32 to vector<16xf32>
        %parallel_loop3A_382 = arith.cmpf ogt, %parallel_loop3A_377, %parallel_loop3A_381 : vector<16xf32>
        %parallel_loop3A_383 = vector.broadcast %select_n3A_317 : i32 to vector<16xi32>
        %parallel_loop3A_384 = arith.cmpi eq, %parallel_loop3A_379, %parallel_loop3A_383 : vector<16xi32>
        %parallel_loop3A_385 = arith.ori %parallel_loop3A_382, %parallel_loop3A_384 : vector<16xi1>
        %parallel_loop3A_386 = arith.constant -1.000000e+30 : f32
        %parallel_loop3A_387 = vector.broadcast %parallel_loop3A_386 : f32 to vector<16xf32>
        %parallel_loop3A_388 = arith.select %parallel_loop3A_385, %parallel_loop3A_387, %parallel_loop3A_355 : vector<16xi1>, vector<16xf32>
        %parallel_loop3A_389 = arith.index_cast %parallel_loop3A_343 : i32 to index
        %parallel_loop3A_390 = tpu.vector_load %arg13[%parallel_loop3A_389] {strides = array<i32>} : memref<5120xf32, #tpu.memory_space<vmem>>, vector<16xf32>,
        tpu.vector_store %arg13[%parallel_loop3A_389], %parallel_loop3A_388 {strides = array<i32>} : memref<5120xf32, #tpu.memory_space<vmem>>, vector<16xf32>,
        %parallel_loop3A_391 = arith.cmpf ogt, %parallel_loop3A_388, %parallel_loop3A_344 : vector<16xf32>
        %parallel_loop3A_392 = arith.cmpf oeq, %parallel_loop3A_388, %parallel_loop3A_344 : vector<16xf32>
        %parallel_loop3A_393 = arith.cmpi slt, %parallel_loop3A_379, %parallel_loop3A_345 : vector<16xi32>
        %parallel_loop3A_394 = arith.andi %parallel_loop3A_392, %parallel_loop3A_393 : vector<16xi1>
        %parallel_loop3A_395 = arith.ori %parallel_loop3A_391, %parallel_loop3A_394 : vector<16xi1>
        %parallel_loop3A_396 = arith.select %parallel_loop3A_395, %parallel_loop3A_388, %parallel_loop3A_344 : vector<16xi1>, vector<16xf32>
        %parallel_loop3A_397 = arith.select %parallel_loop3A_395, %parallel_loop3A_379, %parallel_loop3A_345 : vector<16xi1>, vector<16xi32>
        scf.yield %parallel_loop3A_396, %parallel_loop3A_397 : vector<16xf32>, vector<16xi32>
      } {sc.loop_unroll_factor = 64 : i64, sc.parallel_access}
      %reduce_max3A_326 = arith.constant true
      %reduce_max3A_327 = vector.broadcast %reduce_max3A_326 : i1 to vector<16xi1>
      %reduce_max3A_328 = tpu.scan <max>, %parallel_loop3A_325#0 masked %reduce_max3A_327 : vector<16xf32>, vector<16xi1> -> vector<16xf32>
      %reduce_max3A_329 = vector.extract %reduce_max3A_328[15] : f32 from vector<16xf32>
      %eq3A_330 = vector.broadcast %reduce_max3A_329 : f32 to vector<16xf32>
      %eq3A_331 = arith.cmpf oeq, %parallel_loop3A_325#0, %eq3A_330 : vector<16xf32>
      %jit3A_332 = arith.constant 5120 : i32
      %broadcast_in_dim3A_333 = vector.broadcast %jit3A_332 : i32 to vector<16xi32>
      %select_n3A_334 = arith.select %eq3A_331, %parallel_loop3A_325#1, %broadcast_in_dim3A_333 : vector<16xi1>, vector<16xi32>
      %reduce_min3A_335 = arith.constant true
      %reduce_min3A_336 = vector.broadcast %reduce_min3A_335 : i1 to vector<16xi1>
      %reduce_min3A_337 = arith.constant -2147483648 : i32
      %reduce_min3A_338 = vector.broadcast %reduce_min3A_337 : i32 to vector<16xi32>
      %reduce_min3A_339 = arith.xori %select_n3A_334, %reduce_min3A_338 : vector<16xi32>
      %reduce_min3A_340 = tpu.scan <min>, %reduce_min3A_339 masked %reduce_min3A_336 : vector<16xi32>, vector<16xi1> -> vector<16xi32>
      %reduce_min3A_341 = arith.xori %reduce_min3A_340, %reduce_min3A_338 : vector<16xi32>
      %reduce_min3A_342 = vector.extract %reduce_min3A_341[15] : i32 from vector<16xi32>
      scf.yield %reduce_max3A_329, %reduce_min3A_342 : f32, i32
    }
    %scan3A_71 = arith.constant 100 : i32
    "tpu.region"() ({
      %run_scoped3A = tpu.sem_alloc : memref<!tpu.dma_semaphore, #tpu.memory_space<semaphore_mem>>
      %dma_start3A = arith.constant 0 : i32
      %dma_start3A_72 = tpu.memref_slice %arg7[%add3A_35, %dma_start3A] : memref<32x5120xf32, #tpu.memory_space<hbm>> -> memref<1x5120xf32, #tpu.memory_space<hbm>>
      %dma_start3A_73 = tpu.memref_squeeze %dma_start3A_72 : memref<1x5120xf32, #tpu.memory_space<hbm>> -> memref<5120xf32, #tpu.memory_space<hbm>>
      %dma_start3A_74 = arith.constant 0 : i32
      %dma_start3A_75 = tpu.memref_slice %arg7[%add3A_35, %dma_start3A_74] : memref<32x5120xf32, #tpu.memory_space<hbm>> -> memref<1x5120xf32, #tpu.memory_space<hbm>>
      %dma_start3A_76 = tpu.memref_squeeze %dma_start3A_75 : memref<1x5120xf32, #tpu.memory_space<hbm>> -> memref<5120xf32, #tpu.memory_space<hbm>>
      tpu.enqueue_dma source(%arg14 : memref<5120xf32, #tpu.memory_space<vmem>>) target(%dma_start3A_76 : memref<5120xf32, #tpu.memory_space<hbm>>) target_semaphore(%run_scoped3A : memref<!tpu.dma_semaphore, #tpu.memory_space<semaphore_mem>>)
      %dma_wait3A = arith.constant 0 : i32
      %dma_wait3A_77 = tpu.memref_slice %arg7[%add3A_35, %dma_wait3A] : memref<32x5120xf32, #tpu.memory_space<hbm>> -> memref<1x5120xf32, #tpu.memory_space<hbm>>
      %dma_wait3A_78 = tpu.memref_squeeze %dma_wait3A_77 : memref<1x5120xf32, #tpu.memory_space<hbm>> -> memref<5120xf32, #tpu.memory_space<hbm>>
      %dma_wait3A_79 = arith.constant 0 : i32
      %dma_wait3A_80 = tpu.memref_slice %arg7[%add3A_35, %dma_wait3A_79] : memref<32x5120xf32, #tpu.memory_space<hbm>> -> memref<1x5120xf32, #tpu.memory_space<hbm>>
      %dma_wait3A_81 = tpu.memref_squeeze %dma_wait3A_80 : memref<1x5120xf32, #tpu.memory_space<hbm>> -> memref<5120xf32, #tpu.memory_space<hbm>>
      tpu.wait_dma2 semaphore(%run_scoped3A : memref<!tpu.dma_semaphore, #tpu.memory_space<semaphore_mem>>) src(%arg14 : memref<5120xf32, #tpu.memory_space<vmem>>) dst(%dma_wait3A_81 : memref<5120xf32, #tpu.memory_space<hbm>>)
      tpu.yield
    }) : () -> ()
    return
  }
}

</mosaic_0001>

<sc_bundles>
// kernel: _nms_sc.3.cloned.1.call-start
scs
__scs_entry_jumppad:
0x0: {  	(pc) =	sbr.rel $0x88, $3  }
0x1: {  	(tag) =	ssettag $0x0;
	lr =	simm.s32 $0x1  }
0x2: {  	[smem:$0x3F9C] =	sst lr;
	_ =	strace $0xD0000000  }
0x3: {  	_ = 	snop  }
0x4: {  	_ = 	snop  }
0x5: {  	_ = 	snop  }
0x6: {  	_ = 	snop  }
0x7: {  	_ = 	snop  }
__scs_overlays_trampoline_lowered:
0x8: {  	[smem:$0x3FAB] =	sst s0  }
0x9: {  	[smem:$0x3FAC] =	sst s1  }
0xa: {  	[smem:$0x3FAD] =	sst s2  }
0xb: {  	[smem:$0x3FAE] =	sst s3  }
0xc: {  	[smem:$0x3FAF] =	sst s4  }
0xd: {  	[smem:$0x3FB0] =	sst s5  }
0xe: {  	[smem:$0x3FB1] =	sst s6  }
0xf: {  	[smem:$0x3FB2] =	sst s7  }
0x10: {  	[smem:$0x3FB3] =	sst s8  }
0x11: {  	[smem:$0x3FB4] =	sst s9;
	s0 =	simm.s32 @!p0 $0x0  }
0x12: {  	s1 =	sld [smem:$0x3F9A];
	s0 =	simm.s32 @p0 $0x1  }
0x13: {  	[smem:$0x3FB5] =	sst s0;
	s0 =	simm.s32 @!p1 $0x0  }
0x14: {  	s2 =	sld [smem:$0x3F99];
	s0 =	simm.s32 @p1 $0x1  }
0x15: {  	[smem:$0x3FB6] =	sst s0;
	s0 =	simm.s32 @!p2 $0x0  }
0x16: {  	s3 =	sld [smem:$0x3FDB];
	s0 =	simm.s32 @p2 $0x1  }
0x17: {  	s4 =	simm.s32 $0x1BF5;
	[smem:$0x3FB8] =	sst s0  }
0x18: {  	s0 =	sld [smem:$0x3F9B];
	_ =	swait.ge [sflag:s4], $0x0  }
0x19: {  	s7 =	sld [smem:$0x3F9C]  }
0x1a: {  	s8 =	sadd.s32 $0xFFFFE003, lr  }
0x1b: {  	s9 =	sadd.s32 $0xFFFFFEF7, lr;
	s5 =	simm.s32 $0xFFFFFFFF;
	p2 =	slt.u32 s8, $0xFFFFF086  }
0x1c: {  	p1 =	slt.u32 s9, $0xF7A;
	s5 =	simm.s32 @!p2 $0x0  }
0x1d: {  	s5 =	simm.s32 @p1 $0x1;
	p0 =	seq.s32 s7, s2  }
0x1e: {  	s7 =	smul.u32 @!p0 $0xF7A, s2;
	p2 =	seq.s32 @!p0 s5, $0x0  }
0x1f: {  	s9 =	smul.u32 $0xF7A, s1;
	s8 =	simm.s32 @!p0 $0x1BF5;
	p2 =	por !p2, p0  }
0x20: {  	[sflag:s8] =	ssyncset.s32 @!p0 $0xFFFFF086;
	s6 =	sadd.s32 @!p0 s3, s7;
	s7 =	simm.s32 @!p0 $0x108  }
0x21: {  	s3 =	sadd.s32 s3, s9;
	s6 =	sadd.s32 @!p0 $0x88, s6;
	s7 =	simm.s32 @p2 $0x1082  }
0x22: {  	[simem:s7], [sflag:s8] =	dma.local @!p0 [hbm:s6], $0xF7A  }
0x23: {  	s9 =	sor.u32 $0xD0000000, s2;
	s6 =	simm.s32 $0x108;
	_ =	swait.ge @!p0 [sflag:s8], $0x0  }
0x24: {  	s3 =	sadd.s32 $0x88, s3;
	s6 =	simm.s32 @!p1 $0x1082;
	[sflag:s4] =	ssyncset.s32 $0xFFFFF086  }
0x25: {  	[simem:s6], [sflag:s4] =	dma.local [hbm:s3], $0xF7A  }
0x26: {  	[smem:$0x3F9C] =	sst s1;
	(tag) =	ssettag s2;
	_ =	strace s9  }
0x27: {  	s1 =	sld [smem:$0x3FAC]  }
0x28: {  	s2 =	sld [smem:$0x3FAD]  }
0x29: {  	s4 =	sld [smem:$0x3FAF]  }
0x2a: {  	p0 =	seq.s32 s5, $0x0;
	s5 =	sld [smem:$0x3FB0]  }
0x2b: {  	s6 =	sld [smem:$0x3FB1]  }
0x2c: {  	s7 =	sld [smem:$0x3FB2]  }
0x2d: {  	s3 =	simm.s32 $0x108;
	s8 =	sld [smem:$0x3FB3]  }
0x2e: {  	s3 =	simm.s32 @!p0 $0x1082;
	s9 =	sld [smem:$0x3FB4]  }
0x2f: {  	lr =	sadd.s32 s0, s3;
	s0 =	sld [smem:$0x3FAB]  }
0x30: {  	s3 =	sld [smem:$0x3FAE]  }
0x31: {  	[smem:$0x3FB7] =	sst s10  }
0x32: {  	s10 =	sld [smem:$0x3FB5];
	_ =	sdelay $0x3  }
0x33: {  	p0 =	seq.s32 s10, $0x1;
	s10 =	sld [smem:$0x3FB7];
	_ =	sdelay $0x3  }
0x34: {  	[smem:$0x3FB7] =	sst s10  }
0x35: {  	s10 =	sld [smem:$0x3FB6];
	_ =	sdelay $0x3  }
0x36: {  	p1 =	seq.s32 s10, $0x1;
	s10 =	sld [smem:$0x3FB7];
	_ =	sdelay $0x3  }
0x37: {  	[smem:$0x3FB7] =	sst s10  }
0x38: {  	s10 =	sld [smem:$0x3FB8]  }
0x39: {  	_ = 	snop;
	(pc) =	sbr.ind lr, $3  }
0x3a: {  	_ = 	snop  }
0x3b: {  	_ = 	snop  }
0x3c: {  	p2 =	seq.s32 s10, $0x1;
	s10 =	sld [smem:$0x3FB7]  }
0x3d: {  	_ =	shalt  }
0x3e: {  	_ =	shalt  }
0x3f: {  	_ =	shalt  }
0x40: {  	_ =	shalt  }
0x41: {  	_ =	shalt  }
0x42: {  	_ =	shalt  }
0x43: {  	_ =	shalt  }
0x44: {  	_ =	shalt  }
0x45: {  	_ =	shalt  }
0x46: {  	_ =	shalt  }
0x47: {  	_ =	shalt  }
0x48: {  	_ =	shalt  }
0x49: {  	_ =	shalt  }
0x4a: {  	_ =	shalt  }
0x4b: {  	_ =	shalt  }
0x4c: {  	_ =	shalt  }
0x4d: {  	_ =	shalt  }
0x4e: {  	_ =	shalt  }
0x4f: {  	_ =	shalt  }
0x50: {  	_ =	shalt  }
0x51: {  	_ =	shalt  }
0x52: {  	_ =	shalt  }
0x53: {  	_ =	shalt  }
0x54: {  	_ =	shalt  }
0x55: {  	_ =	shalt  }
0x56: {  	_ =	shalt  }
0x57: {  	_ =	shalt  }
0x58: {  	_ =	shalt  }
0x59: {  	_ =	shalt  }
0x5a: {  	_ =	shalt  }
0x5b: {  	_ =	shalt  }
0x5c: {  	_ =	shalt  }
0x5d: {  	_ =	shalt  }
0x5e: {  	_ =	shalt  }
0x5f: {  	_ =	shalt  }
0x60: {  	_ =	shalt  }
0x61: {  	_ =	shalt  }
0x62: {  	_ =	shalt  }
0x63: {  	_ =	shalt  }
0x64: {  	_ =	shalt  }
0x65: {  	_ =	shalt  }
0x66: {  	_ =	shalt  }
0x67: {  	_ =	shalt  }
0x68: {  	_ =	shalt  }
0x69: {  	_ =	shalt  }
0x6a: {  	_ =	shalt  }
0x6b: {  	_ =	shalt  }
0x6c: {  	_ =	shalt  }
0x6d: {  	_ =	shalt  }
0x6e: {  	_ =	shalt  }
0x6f: {  	_ =	shalt  }
0x70: {  	_ =	shalt  }
0x71: {  	_ =	shalt  }
0x72: {  	_ =	shalt  }
0x73: {  	_ =	shalt  }
0x74: {  	_ =	shalt  }
0x75: {  	_ =	shalt  }
0x76: {  	_ =	shalt  }
0x77: {  	_ =	shalt  }
0x78: {  	_ =	shalt  }
0x79: {  	_ =	shalt  }
0x7a: {  	_ =	shalt  }
0x7b: {  	_ =	shalt  }
0x7c: {  	_ =	shalt  }
0x7d: {  	_ =	shalt  }
0x7e: {  	_ =	shalt  }
0x7f: {  	_ =	shalt  }
0x80: {  	_ =	shalt  }
0x81: {  	_ =	shalt  }
0x82: {  	_ =	shalt  }
0x83: {  	_ =	shalt  }
0x84: {  	_ =	shalt  }
0x85: {  	_ =	shalt  }
0x86: {  	_ =	shalt  }
0x87: {  	_ =	shalt  }
.Lfunc_end0:
.L_simem_size_0:
called_computation_lowered:
.L_overlay_start_0:
0x88: {  	s2 =	sld [smem:$0x3FD9]  }
0x89: {  	s3 =	sld [smem:$0x3FFE];
	_ =	sdelay $0x1  }
0x8a: {  	s1 =	srdreg.scid  }
0x8b: {  	s0 =	sand.u32 $0x1, s1  }
0x8c: {  	s17 =	sshll.u32 s0, $0xA;
	s2 =	sadd.s32 s3, s2  }
0x8d: {  	s2 =	sadd.s32 s2, s17  }
0x8e: {  	[smem:$0x3FC3] =	sst s2  }
0x8f: {  	_ = 	snop  }
0x90: {  	s2 =	sld [smem:$0x3FD0];
	(tm) =	ssettm $0x1  }
0x91: {  	s18 =	sld [smem:$0x3FFB];
	_ =	sdelay $0x3  }
0x92: {  	_ =	strace s18  }
0x93: {  	s3 =	sld [smem:$0x3FFC];
	_ =	sdelay $0x3  }
0x94: {  	_ =	strace s3  }
0x95: {  	s3 =	sld [smem:$0x3FFD];
	_ =	sdelay $0x3  }
0x96: {  	_ =	strace s3  }
0x97: {  	_ =	strace $0x8FFFFFFF  }
0x98: {  	s19 =	sld [smem:$0x3FDB];
	_ =	sdelay $0x1  }
0x99: {  	s4 =	simm.s32 $_scs_section_size  }
0x9a: {  	s5 =	simm.s32 $_size__tile_overlayer_lowered;
	s6 =	simm.s32 $_tile_overlayer_lowered  }
0x9b: {  	s22 =	simm.s32 $0x1BFF;
	s21 =	sshll.u32 s6, $0x1;
	s3 =	sadd.s32 s4, s19  }
0x9c: {  	s7 =	simm.s32 $0x0;
	s20 =	sshll.u32 s5, $0x1;
	s5 =	sadd.s32 s21, s3  }
0x9d: {  	[timem:s7], [sflag:s22] =	dma.local [hbm:s5], s20  }
0x9e: {  	_ =	swait.ge [sflag:s22], s20  }
0x9f: {  	s4 =	ssub.s32 $0x0, s20;
	[sflag:s22] =	ssyncset.done $0x0  }
0xa0: {  	[sflag:s22] =	ssyncadd.s32 s4;
	_ =	sdelay $0x1  }
0xa1: {  	s23 =	simm.s32 $0x1B8B  }
0xa2: {  	_ =	swait.ge [sflag:s23], $0x1  }
0xa3: {  	[sflag:s23] =	ssyncset.done $0x0  }
0xa4: {  	s25 =	simm.s32 $0x1B8E;
	s24 =	sld [smem:$0x3FFE];
	[sflag:s23] =	ssyncadd.s32 $0xFFFFFFFF  }
0xa5: {  	s26 =	simm.s32 $execute0_lowered;
	[smem:$0x3FD2] =	sst s25  }
0xa6: {  	s5 =	sshll.u32 s26, $0x1;
	_ =	strace $0x80000046;
	[dreg:$0x1] =	wrdreg $0xFFFFFFFF  }
0xa7: {  	s28 =	simm.s32 $_size_execute0_lowered;
	s3 =	sadd.s32 s3, s5;
	[dreg:$0x0] =	wrdreg $0x0  }
0xa8: {  	s5 =	sshll.u32 s28, $0x1;
	[dreg:$0x2] =	wrdreg s3  }
0xa9: {  	[dreg:$0x3] =	wrdreg s5  }
0xaa: {  	[dreg:$0x4] =	wrdreg $0xC0  }
0xab: {  	_ =	task [dreg:s7], $0x5FFFF  }
0xac: {  	[dreg:$0x1] =	wrdreg $0xFFFFFFFF  }
0xad: {  	[dreg:$0x0] =	wrdreg $0x60  }
0xae: {  	[dreg:$0x2] =	wrdreg s2  }
0xaf: {  	[dreg:$0x3] =	wrdreg s24  }
0xb0: {  	[dreg:$0x4] =	wrdreg $0x9  }
0xb1: {  	_ =	task.clear_ibuf [dreg:s7], $0x5FFFF;
	_ =	strace $0x90000046  }
0xb2: {  	s29 =	simm.s32 $0x9;
	_ =	strace $0x80000048  }
0xb3: {  	_ =	swait.ge [sflag:s29], $0x1  }
0xb4: {  	[sflag:s29] =	ssyncadd.s32 $0xFFFFFFFF  }
0xb5: {  	_ =	strace $0x90000048  }
0xb6: {  	_ =	sfence  }
0xb7: {  	s30 =	sld [smem:$0x0];
	_ =	sdelay $0x2  }
0xb8: {  	s31 =	sshll.u32 s1, $0xD;
	s1 =	sshrl.u32 s1, $0x2  }
0xb9: {  	s3 =	sand.u32 $0x4000, s31;
	s1 =	sadd.s32 s1, s30  }
0xba: {  	s0 =	sor.u32 s3, s0;
	s1 =	sshll.u32 s1, $0x11  }
0xbb: {  	s0 =	sor.u32 s1, s0  }
0xbc: {  	s0 =	sadd.s32 $0x8F2B, s0  }
0xbd: {  	[sflag:s0] =	ssyncadd.remote.s32 $0x1  }
0xbe: {  	_ =	sfence.sel $0xFFFF  }
0xbf: {  	[dreg:$0x0] =	wrdreg $0xFFFFFFFF;
	(pc) =	sbr.abs _section_cstart, $3  }
0xc0: {  	[dreg:$0x1] =	wrdreg $0xFFFFFFFF  }
0xc1: {  	_ =	task.clear_ibuf [dreg:s7], $0x2FFFF;
	_ =	strace $0x9FFFFFFF  }
0xc2: {  	(tm) =	ssettm $0x7FFFFFFF  }
0xc3: {  	_ =	shalt  }
tec
execute0_lowered:
.L_overlay_start_1:
0x0: {  	(tag) =	ssettag $0x1  }
0x1: {  	s0 =	srdreg.scid;
	s6 =	rddreg [dreg:$0x0]  }
0x2: {  	s1 =	stileid.u32;
	s9 =	rddreg [dreg:$0x1]  }
0x3: {  	s3 =	simm.s32 $0x0;
	s28 =	simm.s32 $0x7900;
	s29 =	simm.s32 $0x7980  }
0x4: {  	s30 =	simm.s32 $0x7A00;
	s0 =	sand.u32 $0x1, s0;
	s5 =	sshll.u32 s1, $0x7  }
0x5: {  	[smem:$0x7FF] =	sst s3;
	s8 =	sand.u32 $0x3, s1;
	s2 =	sshll.u32 s0, $0x4  }
0x6: {  	s22 =	sshll.u32 s1, $0x4;
	s4 =	smov.u32 s2;
	s2 =	sor.u32 s1, s2  }
0x7: {  	s26 =	sand.u32 $0xC, s1;
	s0 =	ssub.s32 $0x2, s0;
	s2 =	sshrl.u32 s2, $0x3  }
0x8: {  	s18 =	sand.u32 $0x7, s1;
	s20 =	sshrl.u32 s0, $0x1;
	s2 =	smul.u32 $0xA000, s2  }
0x9: {  	s5 =	sand.u32 $0x380, s5;
	_ =	strace $0x80000047;
	s0 =	ssub.s32 s0, s20  }
0xa: {  	[dreg:$0x8] =	wrdreg s26;
	s0 =	smax.u32 s0, $0x1;
	s2 =	sor.u32 s5, s2  }
0xb: {  	[dreg:$0xa] =	wrdreg s0;
	s0 =	simm.s32 $0x2;
	s2 =	sshrl.u32 s2, $0x3  }
0xc: {  	s5 =	smul.u32 $0x1400, s8;
	s8 =	simm.s32 $0x400;
	s7 =	sadd.s32 s2, s9  }
0xd: {  	s9 =	sadd.s32 $0x15000, s9;
	s2 =	sadd.s32 s6, s2;
	s6 =	simm.s32 $0x4  }
0xe: {  	[dreg:$0x3] =	wrdreg s2;
	s21 =	sadd.s32 $0x1000, s7;
	s23 =	sadd.s32 $0x6000, s7  }
0xf: {  	s24 =	sadd.s32 $0xB000, s7;
	s2 =	sand.u32 $0x40, s22;
	[dreg:$0x4] =	wrdreg s21  }
0x10: {  	s25 =	sadd.s32 $0x10000, s7;
	s11 =	smov.u32 s9;
	[dreg:$0x5] =	wrdreg s23  }
.Ltmp0:
0x11: {  	s31 =	sadd.s32 $0x15400, s7;
	[dreg:$0x6] =	wrdreg s24;
	(pc) =	sbr.rel .LBB2_1-.Ltmp0, $4  }
0x12: {  	s7 =	simm.s32 $0x80;
	[dreg:$0x7] =	wrdreg s25;
	s12 =	sadd.s32 s9, s2  }
0x13: {  	v0 =	vimm.f32 $0.0e+00;
	[dreg:$0x9] =	wrdreg s31;
	s21 =	simm.s32 $0x5;
	s24 =	simm.s32 $0x7880  }
0x14: {  	v17 =	vlaneseq.u32;
	vm0 =	vcmask $0x3F18;
	vm1 =	vcmask $0x3F14;
	s2 =	simm.s32 $0x1;
	s25 =	simm.s32 $0x3;
	s9 =	simm.s32 $0x0  }
0x15: {  	vm2 =	vcmask $0x3F10;
	vm3 =	vcmask $0x3F0C;
	vm4 =	vmxor vm4, vm4;
	s13 =	sadd.s32 $0x10, s12;
	s14 =	sadd.s32 $0x20, s12;
	s15 =	sadd.s32 $0x30, s12  }
.LBB2_11:
0x16: {  	s1 =	rddreg [dreg:$0x9]  }
0x17: {  	s7 =	simm.s32 $0x80;
	s8 =	simm.s32 $0x400;
	s9 =	simm.s32 $0x6400  }
0x18: {  	[hbm4b:s1+s7] =	stream.strided.scatter [tilespmem:s9], [sflag:$0x5], $0x1400, s8, s7, $0x38;
	[tilespmem:$0x7A80] =	vst v63  }
0x19: {  	_ =	swait.ge [sflag:s21], $0x1400  }
0x1a: {  	s26 =	rddreg [dreg:$0xb]  }
0x1b: {  	s31 =	rddreg [dreg:$0xa];
	s9 =	sadd.s32 $0x1, s26  }
0x1c: {  	p0 =	sne.s32 s9, s31  }
.Ltmp1:
0x1d: {  	_ = 	snop;
	(pc) =	sbr.rel @!p0 .LBB2_12-.Ltmp1, $3  }
0x1e: {  	_ =	sdelay $0x1  }
0x1f: {  	[sflag:s21] =	ssyncset.done $0x0  }
0x20: {  	v0 =	vimm.f32 $0.0e+00;
	[sflag:s21] =	ssyncadd.s32 $0xFFFFEC00  }
.LBB2_1:
0x21: {  	[dreg:$0xb] =	wrdreg s9  }
0x22: {  	s1 =	rddreg [dreg:$0x3]  }
0x23: {  	[tilespmem:s3], [sflag:$0x5] =	stream.strided.gather [hbm4b:s1+s7], $0x1400, s8, s7, $0x38;
	[tilespmem:$0x7A80] =	vst v63  }
0x24: {  	_ =	swait.ge [sflag:s21], $0x1400  }
0x25: {  	[sflag:s21] =	ssyncset.done $0x0  }
0x26: {  	s17 =	simm.s32 $0x1400;
	s16 =	rddreg [dreg:$0x4];
	[sflag:s21] =	ssyncadd.s32 $0xFFFFEC00  }
0x27: {  	[tilespmem:s17], [sflag:$0x5] =	stream.strided.gather [hbm4b:s16+s7], $0x1400, s8, s7, $0x38;
	[tilespmem:$0x7A80] =	vst v63  }
0x28: {  	_ =	swait.ge [sflag:s21], $0x1400  }
0x29: {  	[sflag:s21] =	ssyncset.done $0x0  }
0x2a: {  	s20 =	simm.s32 $0x2800;
	s19 =	rddreg [dreg:$0x5];
	[sflag:s21] =	ssyncadd.s32 $0xFFFFEC00  }
0x2b: {  	[tilespmem:s20], [sflag:$0x5] =	stream.strided.gather [hbm4b:s19+s7], $0x1400, s8, s7, $0x38;
	[tilespmem:$0x7A80] =	vst v63  }
0x2c: {  	_ =	swait.ge [sflag:s21], $0x1400  }
0x2d: {  	[sflag:s21] =	ssyncset.done $0x0  }
0x2e: {  	s23 =	simm.s32 $0x3C00;
	s22 =	rddreg [dreg:$0x6];
	[sflag:s21] =	ssyncadd.s32 $0xFFFFEC00  }
0x2f: {  	[tilespmem:s23], [sflag:$0x5] =	stream.strided.gather [hbm4b:s22+s7], $0x1400, s8, s7, $0x38;
	[tilespmem:$0x7A80] =	vst v63  }
0x30: {  	_ =	swait.ge [sflag:s21], $0x1400  }
0x31: {  	[sflag:s21] =	ssyncset.done $0x0  }
0x32: {  	s31 =	simm.s32 $0x5000;
	s26 =	rddreg [dreg:$0x7];
	[sflag:s21] =	ssyncadd.s32 $0xFFFFEC00  }
0x33: {  	[tilespmem:s31], [sflag:$0x5] =	stream.strided.gather [hbm4b:s26+s7], $0x1400, s8, s7, $0x38;
	[tilespmem:$0x7A80] =	vst v63  }
0x34: {  	_ =	swait.ge [sflag:s21], $0x1400  }
0x35: {  	[sflag:s21] =	ssyncset.done $0x0  }
0x36: {  	s8 =	simm.s32 $0x6440;
	[sflag:s21] =	ssyncadd.s32 $0xFFFFEC00  }
0x37: {  	[tilespmem:s8+$0xFFFFFFC0] =	vst v0  }
0x38: {  	[tilespmem:s8+$0x30] =	vst v0  }
0x39: {  	[tilespmem:s8+$0x20] =	vst v0  }
0x3a: {  	[tilespmem:s8+$0x10] =	vst v0  }
0x3b: {  	[tilespmem:s8+$0x0] =	vst v0  }
0x3c: {  	[tilespmem:s8+$0xFFFFFFF0] =	vst v0  }
0x3d: {  	s9 =	simm.s32 $0x0;
	[tilespmem:s8+$0xFFFFFFE0] =	vst v0  }
.LBB2_2:
0x3e: {  	s9 =	sadd.s32 $0x8, s9;
	[tilespmem:s8+$0xFFFFFFD0] =	vst v0;
	s8 =	sadd.s32 $0x80, s8;
	v3 =	vimm.f32 $-3.000000010e+38;
	v2 =	vimm.s32 $0x1400  }
0x3f: {  	[tilespmem:s8+$0xFFFFFFC0] =	vst v0;
	p0 =	slt.u32 s9, $0x138  }
0x40: {  	[tilespmem:s8+$0x30] =	vst v0  }
.Ltmp2:
0x41: {  	[tilespmem:s8+$0x20] =	vst v0;
	(pc) =	sbr.rel @p0 .LBB2_2-.Ltmp2, $4  }
0x42: {  	[tilespmem:s8+$0x10] =	vst v0  }
0x43: {  	[tilespmem:s8+$0x0] =	vst v0  }
0x44: {  	[tilespmem:s8+$0xFFFFFFF0] =	vst v0  }
0x45: {  	[tilespmem:s8+$0xFFFFFFE0] =	vst v0  }
0x46: {  	[tilespmem:s8+$0xFFFFFFD0] =	vst v0;
	s9 =	simm.s32 $0x0  }
.LBB2_4:
0x47: {  	v4 =	vld [tilespmem:s9+$0x0]  }
0x48: {  	v5 =	vld [tilespmem:s9+$0x2800]  }
0x49: {  	v6 =	vld [tilespmem:s9+$0x3C00]  }
0x4a: {  	v7 =	vld [tilespmem:s9+$0x1400]  }
0x4b: {  	v35 =	vld [tilespmem:s9+$0x2810]  }
0x4c: {  	v36 =	vld [tilespmem:s9+$0x3C10]  }
0x4d: {  	v37 =	vld [tilespmem:s9+$0x1410]  }
0x4e: {  	v43 =	vld [tilespmem:s9+$0x2820]  }
0x4f: {  	s10 =	sor.u32 $0x10, s9;
	v44 =	vld [tilespmem:s9+$0x3C20];
	v8 =	vmin.f32 v5, $3.000000010e+38;
	v9 =	vmax.f32 v4, $3.000000010e+38;
	v10 =	vmin.f32 v6, $3.000000010e+38  }
0x50: {  	v33 =	vld [tilespmem:s10+$0x0];
	v11 =	vmax.f32 v7, $3.000000010e+38;
	v4 =	vsub.f32 v5, v4;
	v5 =	vsub.f32 v6, v7  }
0x51: {  	s8 =	sor.u32 $0x20, s9;
	v45 =	vld [tilespmem:s9+$0x1420];
	v38 =	vmin.f32 v35, $3.000000010e+38;
	v30 =	vsub.f32 v8, v9;
	v31 =	vsub.f32 v10, v11  }
0x52: {  	v40 =	vld [tilespmem:s8+$0x0];
	v12 =	vmin.f32 v36, $3.000000010e+38;
	v13 =	vmax.f32 v37, $3.000000010e+38;
	v4 =	vmul.f32 v5, v4  }
0x53: {  	v7 =	vsub.f32 v36, v37;
	v5 =	vmax.f32 v30, $0.0e+00;
	v32 =	vmax.f32 v31, $0.0e+00  }
0x54: {  	v46 =	vmin.f32 v43, $3.000000010e+38;
	v5 =	vmul.f32 v32, v5;
	v4 =	vadd.f32 $0.0e+00, v4  }
0x55: {  	v39 =	vmax.f32 v33, $3.000000010e+38;
	v6 =	vsub.f32 v35, v33;
	v42 =	vsub.f32 v12, v13  }
0x56: {  	v14 =	vmin.f32 v44, $3.000000010e+38;
	v41 =	vsub.f32 v38, v39;
	v4 =	vsub.f32 v4, v5  }
0x57: {  	v15 =	vmax.f32 v45, $3.000000010e+38;
	v8 =	vsub.f32 v43, v40;
	v6 =	vmul.f32 v7, v6  }
0x58: {  	v10 =	vmax.f32 v42, $0.0e+00;
	v9 =	vmax.f32 v41, $0.0e+00;
	v4 =	vmax.f32 v4, $9.999999710e-10  }
0x59: {  	v9 =	vmul.f32 v10, v9;
	v6 =	vadd.f32 $0.0e+00, v6;
	(erf) = vrcp.f32 v4  }
0x5a: {  	v47 =	vmax.f32 v40, $3.000000010e+38;
	v48 =	vsub.f32 v14, v15;
	v7 =	vsub.f32 v44, v45  }
0x5b: {  	v10 =	vsub.f32 v46, v47;
	v6 =	vsub.f32 v6, v9  }
0x5c: {  	v7 =	vmul.f32 v7, v8  }
0x5d: {  	v52 =	vld [tilespmem:s9+$0x2830];
	v50 =	vmax.f32 v48, $0.0e+00;
	v49 =	vmax.f32 v10, $0.0e+00;
	v6 =	vmax.f32 v6, $9.999999710e-10  }
0x5e: {  	v53 =	vld [tilespmem:s9+$0x3C30];
	v7 =	vadd.f32 $0.0e+00, v7;
	(erf) = vrcp.f32 v6;
	v6 =	vmul.f32 v50, v49  }
0x5f: {  	s16 =	sor.u32 $0x30, s9;
	v54 =	vld [tilespmem:s9+$0x1430]  }
0x60: {  	v51 =	vld [tilespmem:s16+$0x0];
	v7 =	vsub.f32 v7, v6  }
0x61: {  	v4 =	vld [tilespmem:s9+$0x5000]  }
0x62: {  	v7 =	vmax.f32 v7, $9.999999710e-10;
	v34 =	vpop (erf)  }
0x63: {  	(erf) = vrcp.f32 v7;
	v5 =	vmul.f32 v34, v5  }
0x64: {  	v55 =	vor.u32 s9, v17;
	v1 =	vlaneseq.u32  }
0x65: {  	v16 =	vmax.f32 v54, $3.000000010e+38;
	v58 =	vsub.f32 v53, v54;
	vm5 =	vgt.f32 v5, $4.000000060e-01  }
0x66: {  	v15 =	vmin.f32 v53, $3.000000010e+38;
	v8 =	vsub.f32 v52, v51;
	v4 =	vsel vm5, $0xF149F2CA, v4  }
0x67: {  	s17 =	sor.u32 $0x40, s9;
	vm7 =	vlt.s32 v55, v2;
	v23 =	vor.u32 s10, v17;
	v60 =	vsub.f32 v15, v16;
	v59 =	vpop (erf);
	v5 =	vld [tilespmem:s9+$0x5010];
	[tilespmem:s9+$0x5000] =	vst v4  }
0x68: {  	v56 =	vmin.f32 v52, $3.000000010e+38;
	v36 =	vor.u32 s8, v1;
	v8 =	vmul.f32 v58, v8;
	v61 =	vld [tilespmem:s17+$0x0]  }
0x69: {  	v57 =	vmax.f32 v51, $3.000000010e+38;
	v62 =	vmax.f32 v60, $0.0e+00;
	v46 =	vor.u32 s16, v1;
	v63 =	vld [tilespmem:s9+$0x2840]  }
0x6a: {  	s22 =	sor.u32 $0x50, s9;
	v20 =	vadd.f32 $0.0e+00, v8;
	v9 =	vmul.f32 v59, v9;
	vm6 =	veq.f32 v4, v3;
	v21 =	vld [tilespmem:s9+$0x3C40]  }
0x6b: {  	v7 =	vsub.f32 v56, v57;
	vm5 =	vgt.f32 v4, v3;
	vm6 =	vmand vm7, vm6;
	v27 =	vld [tilespmem:s22+$0x0]  }
0x6c: {  	v56 =	vor.u32 s17, v1;
	v24 =	vpop (erf);
	v30 =	vld [tilespmem:s9+$0x2850];
	vm5 =	vmor vm5, vm6;
	vm6 =	vgt.f32 v9, $4.000000060e-01  }
0x6d: {  	v34 =	vld [tilespmem:s9+$0x1450];
	v6 =	vmul.f32 v24, v6;
	v3 =	vsel vm5, v4, v3;
	v4 =	vmax.f32 v7, $0.0e+00  }
0x6e: {  	v53 =	vld [tilespmem:s9+$0x2870];
	v22 =	vsel vm5, v55, v2;
	v0 =	vsel vm6, $0xF149F2CA, v5;
	v4 =	vmul.f32 v62, v4  }
0x6f: {  	v25 =	vld [tilespmem:s9+$0x5020];
	vm5 =	veq.f32 v0, v3;
	vm6 =	vlt.s32 v23, v22;
	vm7 =	vgt.f32 v0, v3  }
0x70: {  	v5 =	vld [tilespmem:s9+$0x1440];
	vm5 =	vmand vm6, vm5;
	vm6 =	vgt.f32 v6, $4.000000060e-01;
	v7 =	vsub.f32 v20, v4  }
0x71: {  	vm5 =	vmor vm7, vm5;
	v26 =	vmin.f32 v63, $3.000000010e+38;
	v15 =	vmax.f32 v61, $3.000000010e+38  }
0x72: {  	v16 =	vmin.f32 v21, $3.000000010e+38;
	v10 =	vsub.f32 v63, v61;
	v38 =	vmin.f32 v30, $3.000000010e+38  }
0x73: {  	v31 =	vld [tilespmem:s9+$0x3C50];
	v18 =	vmax.f32 v34, $3.000000010e+38;
	v8 =	vsub.f32 v30, v27;
	v57 =	vmin.f32 v53, $3.000000010e+38  }
0x74: {  	[tilespmem:$0x1FFA0] =	vst v0;
	v62 =	vld [tilespmem:s9+$0x3C80];
	v28 =	vsub.f32 v26, v15;
	v15 =	vsel vm5, v0, v3;
	v0 =	vsel vm6, $0xF149F2CA, v25  }
0x75: {  	s23 =	sor.u32 $0x60, s9;
	v35 =	vsel vm5, v23, v22;
	v7 =	vmax.f32 v7, $9.999999710e-10;
	v17 =	vmax.f32 v5, $3.000000010e+38  }
0x76: {  	v39 =	vld [tilespmem:s23+$0x0];
	v5 =	vsub.f32 v21, v5;
	vm5 =	vgt.f32 v0, v15;
	vm6 =	veq.f32 v0, v15  }
0x77: {  	s1 =	sor.u32 $0x90, s9;
	v44 =	vld [tilespmem:s9+$0x1460];
	vm7 =	vlt.s32 v36, v35;
	(erf) = vrcp.f32 v7;
	v29 =	vsub.f32 v16, v17  }
0x78: {  	v24 =	vld [tilespmem:s1+$0x0];
	v32 =	vmax.f32 v28, $0.0e+00;
	v16 =	vmax.f32 v27, $3.000000010e+38;
	v17 =	vmin.f32 v31, $3.000000010e+38  }
0x79: {  	v63 =	vld [tilespmem:s9+$0x1480];
	vm6 =	vmand vm7, vm6;
	v20 =	vmin.f32 v62, $3.000000010e+38;
	v5 =	vmul.f32 v5, v10  }
0x7a: {  	v28 =	vor.u32 s23, v1;
	v13 =	vsub.f32 v38, v16;
	v16 =	vld [tilespmem:s9+$0x2860];
	v33 =	vmax.f32 v29, $0.0e+00  }
0x7b: {  	v10 =	vsub.f32 v31, v34;
	v6 =	vmul.f32 v33, v32;
	v5 =	vadd.f32 $0.0e+00, v5  }
0x7c: {  	v40 =	vsub.f32 v17, v18;
	vm5 =	vmor vm5, vm6;
	v18 =	vmax.f32 v44, $3.000000010e+38  }
0x7d: {  	v41 =	vld [tilespmem:s9+$0x3C60];
	v45 =	vsel vm5, v0, v15;
	v7 =	vsel vm5, v36, v35;
	v5 =	vsub.f32 v5, v6  }
0x7e: {  	s26 =	sor.u32 $0x70, s9;
	v15 =	vmax.f32 v39, $3.000000010e+38;
	v21 =	vmax.f32 v63, $3.000000010e+38;
	v29 =	vmax.f32 v24, $3.000000010e+38  }
0x7f: {  	v54 =	vld [tilespmem:s9+$0x3C70];
	v35 =	vor.u32 s26, v1;
	v47 =	vmin.f32 v16, $3.000000010e+38;
	v5 =	vmax.f32 v5, $9.999999710e-10  }
0x80: {  	v11 =	vsub.f32 v16, v39;
	v16 =	vld [tilespmem:s9+$0x1470];
	(erf) = vrcp.f32 v5;
	v5 =	vmul.f32 v10, v8  }
0x81: {  	v37 =	vld [tilespmem:s9+$0x5030];
	v42 =	vmax.f32 v13, $0.0e+00;
	v43 =	vmax.f32 v40, $0.0e+00;
	vm6 =	vlt.s32 v46, v7  }
0x82: {  	v34 =	vld [tilespmem:s9+$0x3CA0];
	v10 =	vmul.f32 v43, v42;
	v8 =	vsub.f32 v41, v44;
	v17 =	vpop (erf);
	v5 =	vadd.f32 $0.0e+00, v5  }
0x83: {  	v12 =	vsub.f32 v47, v15;
	v4 =	vmul.f32 v17, v4;
	v17 =	vmin.f32 v41, $3.000000010e+38  }
0x84: {  	v8 =	vmul.f32 v8, v11;
	v48 =	vsub.f32 v17, v18;
	v5 =	vsub.f32 v5, v10  }
0x85: {  	v51 =	vld [tilespmem:s26+$0x0];
	v17 =	vmin.f32 v54, $3.000000010e+38;
	v19 =	vmax.f32 v16, $3.000000010e+38;
	vm5 =	vgt.f32 v4, $4.000000060e-01  }
0x86: {  	[tilespmem:$0x1FFB0] =	vst v0;
	v0 =	vsel vm5, $0xF149F2CA, v37;
	v50 =	vmax.f32 v48, $0.0e+00;
	v5 =	vmax.f32 v5, $9.999999710e-10  }
0x87: {  	v41 =	vld [tilespmem:s9+$0x14B0];
	v37 =	vmin.f32 v34, $3.000000010e+38;
	vm5 =	veq.f32 v0, v45;
	(erf) = vrcp.f32 v5  }
0x88: {  	vm7 =	vgt.f32 v0, v45;
	v5 =	vmax.f32 v12, $0.0e+00;
	vm5 =	vmand vm6, vm5  }
0x89: {  	v15 =	vld [tilespmem:s9+$0x5040];
	v12 =	vsub.f32 v54, v16;
	v52 =	vmul.f32 v50, v5;
	v5 =	vadd.f32 $0.0e+00, v8  }
0x8a: {  	v16 =	vor.u32 s22, v1;
	vm5 =	vmor vm7, vm5;
	v8 =	vsub.f32 v53, v51;
	v49 =	vpop (erf)  }
0x8b: {  	v7 =	vsel vm5, v46, v7;
	v6 =	vmul.f32 v49, v6;
	v55 =	vsub.f32 v5, v52  }
0x8c: {  	s31 =	sor.u32 $0x80, s9;
	v23 =	vmax.f32 v41, $3.000000010e+38;
	v13 =	vsel vm5, v0, v45;
	vm7 =	vlt.s32 v56, v7  }
0x8d: {  	v59 =	vld [tilespmem:s31+$0x0];
	v8 =	vmul.f32 v12, v8;
	vm6 =	vgt.f32 v6, $4.000000060e-01;
	v6 =	vmax.f32 v55, $9.999999710e-10  }
0x8e: {  	[tilespmem:$0x1FFC0] =	vst v0;
	v0 =	vsel vm6, $0xF149F2CA, v15;
	(erf) = vrcp.f32 v6;
	v15 =	vmax.f32 v51, $3.000000010e+38  }
0x8f: {  	v18 =	vld [tilespmem:s9+$0x5050];
	vm6 =	veq.f32 v0, v13;
	v6 =	vsub.f32 v57, v15;
	v15 =	vsub.f32 v17, v19  }
0x90: {  	v8 =	vadd.f32 $0.0e+00, v8;
	vm5 =	vgt.f32 v0, v13;
	vm6 =	vmand vm7, vm6;
	v58 =	vpop (erf)  }
0x91: {  	v6 =	vmax.f32 v6, $0.0e+00;
	v60 =	vmax.f32 v15, $0.0e+00;
	v15 =	vld [tilespmem:s9+$0x2880];
	v10 =	vmul.f32 v58, v10  }
0x92: {  	v19 =	vmax.f32 v59, $3.000000010e+38;
	vm5 =	vmor vm5, vm6;
	v61 =	vmul.f32 v60, v6  }
0x93: {  	v55 =	vld [tilespmem:s9+$0x28D0];
	v13 =	vsel vm5, v0, v13;
	v9 =	vsel vm5, v56, v7;
	vm6 =	vgt.f32 v10, $4.000000060e-01  }
0x94: {  	v47 =	vld [tilespmem:s9+$0x3CC0];
	[tilespmem:$0x1FFD0] =	vst v0;
	v7 =	vsub.f32 v62, v63;
	v8 =	vsub.f32 v8, v61;
	v0 =	vsel vm6, $0xF149F2CA, v18  }
0x95: {  	v48 =	vld [tilespmem:s9+$0x14C0];
	vm6 =	vlt.s32 v16, v9;
	vm5 =	veq.f32 v0, v13;
	vm7 =	vgt.f32 v0, v13  }
0x96: {  	v57 =	vld [tilespmem:s9+$0x14D0];
	v8 =	vmax.f32 v8, $9.999999710e-10;
	v18 =	vmin.f32 v15, $3.000000010e+38;
	v12 =	vsub.f32 v15, v59  }
0x97: {  	v15 =	vsub.f32 v20, v21;
	vm5 =	vmand vm6, vm5;
	v25 =	vsub.f32 v18, v19;
	v18 =	vld [tilespmem:s9+$0x2890]  }
0x98: {  	v60 =	vmin.f32 v55, $3.000000010e+38;
	v17 =	vpop (erf);
	(erf) = vrcp.f32 v8;
	v19 =	vld [tilespmem:s9+$0x3C90];
	vm5 =	vmor vm7, vm5  }
0x99: {  	v11 =	vmul.f32 v17, v52;
	v17 =	vld [tilespmem:s9+$0x5060];
	v12 =	vmul.f32 v7, v12;
	v26 =	vmax.f32 v15, $0.0e+00  }
0x9a: {  	v15 =	vld [tilespmem:s9+$0x1490];
	v13 =	vsel vm5, v0, v13;
	v8 =	vmax.f32 v25, $0.0e+00;
	v9 =	vsel vm5, v16, v9  }
0x9b: {  	vm6 =	vgt.f32 v11, $4.000000060e-01;
	v11 =	vmul.f32 v26, v8;
	v27 =	vadd.f32 $0.0e+00, v12  }
0x9c: {  	v25 =	vmax.f32 v48, $3.000000010e+38;
	vm7 =	vlt.s32 v28, v9;
	v26 =	vmax.f32 v57, $3.000000010e+38  }
0x9d: {  	s23 =	sor.u32 $0xE0, s9;
	v8 =	vsub.f32 v27, v11;
	v30 =	vmin.f32 v19, $3.000000010e+38;
	v14 =	vsub.f32 v18, v24  }
0x9e: {  	v31 =	vld [tilespmem:s9+$0x28A0];
	[tilespmem:$0x1FFE0] =	vst v0;
	v24 =	vmin.f32 v47, $3.000000010e+38;
	v0 =	vsel vm6, $0xF149F2CA, v17;
	v17 =	vmin.f32 v18, $3.000000010e+38  }
0x9f: {  	v63 =	vld [tilespmem:s23+$0x0];
	v22 =	vmax.f32 v15, $3.000000010e+38;
	v15 =	vsub.f32 v19, v15;
	v54 =	vsub.f32 v24, v25  }
0xa0: {  	s7 =	sor.u32 $0xA0, s9;
	v7 =	vld [tilespmem:s9+$0x28E0];
	vm5 =	vgt.f32 v0, v13;
	vm6 =	veq.f32 v0, v13;
	v17 =	vsub.f32 v17, v29  }
0xa1: {  	v18 =	vld [tilespmem:s7+$0x0];
	v8 =	vmax.f32 v8, $9.999999710e-10;
	v19 =	vsub.f32 v30, v22;
	vm6 =	vmand vm7, vm6  }
0xa2: {  	v16 =	vld [tilespmem:s9+$0x5070];
	(erf) = vrcp.f32 v8;
	v33 =	vmul.f32 v15, v14;
	v32 =	vpop (erf);
	v15 =	vmax.f32 v17, $0.0e+00  }
0xa3: {  	v17 =	vmax.f32 v19, $0.0e+00;
	v19 =	vld [tilespmem:s9+$0x14A0];
	vm5 =	vmor vm5, vm6;
	v10 =	vmul.f32 v32, v61  }
0xa4: {  	v15 =	vmul.f32 v17, v15;
	v17 =	vadd.f32 $0.0e+00, v33;
	v9 =	vsel vm5, v28, v9  }
0xa5: {  	v22 =	vsub.f32 v7, v63;
	v13 =	vsel vm5, v0, v13;
	vm6 =	vlt.s32 v35, v9  }
0xa6: {  	vm5 =	vgt.f32 v10, $4.000000060e-01;
	v36 =	vsub.f32 v17, v15;
	v17 =	vmax.f32 v18, $3.000000010e+38  }
0xa7: {  	v18 =	vsub.f32 v31, v18;
	v8 =	vsel vm5, $0xF149F2CA, v16;
	v16 =	vmin.f32 v31, $3.000000010e+38  }
0xa8: {  	v38 =	vmax.f32 v19, $3.000000010e+38;
	v14 =	vsub.f32 v34, v19;
	vm5 =	veq.f32 v8, v13  }
0xa9: {  	v31 =	vld [tilespmem:s9+$0x14E0];
	v16 =	vsub.f32 v16, v17;
	v12 =	vmax.f32 v36, $9.999999710e-10;
	v17 =	vsub.f32 v37, v38  }
0xaa: {  	s19 =	sor.u32 $0xB0, s9;
	v19 =	vld [tilespmem:s9+$0x5080];
	vm7 =	vgt.f32 v8, v13;
	(erf) = vrcp.f32 v12;
	v14 =	vmul.f32 v14, v18  }
0xab: {  	vm5 =	vmand vm6, vm5;
	v39 =	vmax.f32 v16, $0.0e+00;
	v18 =	vpop (erf);
	v16 =	vmax.f32 v17, $0.0e+00;
	v17 =	vld [tilespmem:s19+$0x0]  }
0xac: {  	v11 =	vmul.f32 v18, v11;
	v12 =	vmul.f32 v16, v39;
	v14 =	vadd.f32 $0.0e+00, v14;
	v16 =	vld [tilespmem:s9+$0x28B0]  }
0xad: {  	v20 =	vmax.f32 v54, $0.0e+00;
	v33 =	vmax.f32 v63, $3.000000010e+38;
	vm5 =	vmor vm7, vm5;
	v18 =	vld [tilespmem:s9+$0x3CB0]  }
0xae: {  	v13 =	vsel vm5, v8, v13;
	vm6 =	vgt.f32 v11, $4.000000060e-01;
	v40 =	vsub.f32 v14, v12  }
0xaf: {  	s26 =	sor.u32 $0xF0, s9;
	v10 =	vsel vm5, v35, v9;
	v35 =	vmax.f32 v31, $3.000000010e+38;
	v9 =	vsel vm6, $0xF149F2CA, v19  }
0xb0: {  	v39 =	vld [tilespmem:s26+$0x0];
	v19 =	vor.u32 s31, v1;
	vm5 =	vgt.f32 v9, v13;
	v11 =	vmax.f32 v40, $9.999999710e-10  }
0xb1: {  	vm6 =	veq.f32 v9, v13;
	vm7 =	vlt.s32 v19, v10;
	v43 =	vmax.f32 v17, $3.000000010e+38  }
0xb2: {  	(erf) = vrcp.f32 v11;
	v42 =	vmin.f32 v16, $3.000000010e+38;
	v44 =	vmin.f32 v18, $3.000000010e+38  }
0xb3: {  	v45 =	vld [tilespmem:s9+$0x5090];
	v16 =	vsub.f32 v16, v17;
	v14 =	vsub.f32 v18, v41;
	vm6 =	vmand vm7, vm6  }
0xb4: {  	v40 =	vld [tilespmem:s9+$0x3CF0];
	v17 =	vpop (erf);
	v11 =	vsub.f32 v42, v43;
	v18 =	vsub.f32 v44, v23;
	vm5 =	vmor vm5, vm6  }
0xb5: {  	v41 =	vld [tilespmem:s9+$0x14F0];
	v43 =	vmax.f32 v39, $3.000000010e+38;
	v15 =	vmul.f32 v17, v15;
	v14 =	vmul.f32 v14, v16  }
0xb6: {  	s20 =	sor.u32 $0xC0, s9;
	v13 =	vsel vm5, v9, v13;
	v11 =	vmax.f32 v11, $0.0e+00;
	v17 =	vmax.f32 v18, $0.0e+00  }
0xb7: {  	v16 =	vld [tilespmem:s20+$0x0];
	vm6 =	vgt.f32 v15, $4.000000060e-01;
	v15 =	vmul.f32 v17, v11;
	v46 =	vadd.f32 $0.0e+00, v14  }
0xb8: {  	v18 =	vld [tilespmem:s9+$0x28C0];
	v17 =	vsel vm5, v19, v10;
	v19 =	vor.u32 s1, v1;
	v14 =	vsub.f32 v47, v48  }
0xb9: {  	v44 =	vmin.f32 v40, $3.000000010e+38;
	v10 =	vsel vm6, $0xF149F2CA, v45;
	vm6 =	vlt.s32 v19, v17  }
0xba: {  	v27 =	vmax.f32 v41, $3.000000010e+38;
	vm5 =	veq.f32 v10, v13;
	v11 =	vsub.f32 v46, v15  }
0xbb: {  	v50 =	vld [tilespmem:s9+$0x50A0];
	s31 =	sor.u32 $0x100, s9;
	vm7 =	vgt.f32 v10, v13;
	v47 =	vsub.f32 v44, v27;
	vm5 =	vmand vm6, vm5  }
0xbc: {  	s22 =	sor.u32 $0xD0, s9;
	v48 =	vld [tilespmem:s31+$0x0];
	v52 =	vmax.f32 v16, $3.000000010e+38;
	vm5 =	vmor vm7, vm5;
	v11 =	vmax.f32 v11, $9.999999710e-10  }
0xbd: {  	v51 =	vmin.f32 v18, $3.000000010e+38;
	v16 =	vsub.f32 v18, v16;
	v18 =	vld [tilespmem:s22+$0x0];
	(erf) = vrcp.f32 v11  }
0xbe: {  	v49 =	vpop (erf);
	v53 =	vsub.f32 v51, v52;
	v13 =	vsel vm5, v10, v13;
	v59 =	vsel vm5, v19, v17  }
0xbf: {  	v17 =	vor.u32 s7, v1;
	v12 =	vmul.f32 v49, v12;
	v14 =	vmul.f32 v14, v16;
	v16 =	vld [tilespmem:s9+$0x3CD0]  }
0xc0: {  	v52 =	vor.u32 s22, v1;
	vm7 =	vlt.s32 v17, v59;
	v56 =	vmax.f32 v53, $0.0e+00  }
0xc1: {  	vm6 =	vgt.f32 v12, $4.000000060e-01;
	v20 =	vmul.f32 v20, v56;
	v58 =	vadd.f32 $0.0e+00, v14  }
0xc2: {  	v56 =	vmax.f32 v48, $3.000000010e+38;
	v11 =	vsel vm6, $0xF149F2CA, v50;
	v61 =	vmax.f32 v18, $3.000000010e+38  }
0xc3: {  	v18 =	vsub.f32 v55, v18;
	v50 =	vld [tilespmem:s9+$0x2900];
	vm5 =	vgt.f32 v11, v13;
	v12 =	vsub.f32 v58, v20  }
0xc4: {  	vm6 =	veq.f32 v11, v13;
	v21 =	vsub.f32 v60, v61;
	v58 =	vld [tilespmem:s9+$0x2910];
	v62 =	vmin.f32 v16, $3.000000010e+38  }
0xc5: {  	v60 =	vld [tilespmem:s9+$0x1510];
	v16 =	vsub.f32 v16, v57;
	vm6 =	vmand vm7, vm6;
	v12 =	vmax.f32 v12, $9.999999710e-10  }
0xc6: {  	v19 =	vld [tilespmem:s9+$0x50B0];
	v6 =	vsub.f32 v62, v26;
	vm5 =	vmor vm5, vm6;
	v62 =	vor.u32 s23, v1  }
0xc7: {  	(erf) = vrcp.f32 v12;
	v29 =	vmul.f32 v16, v18;
	v16 =	vld [tilespmem:s9+$0x3CE0];
	v18 =	vmax.f32 v21, $0.0e+00  }
0xc8: {  	v13 =	vsel vm5, v11, v13;
	v14 =	vsel vm5, v17, v59;
	v59 =	vld [tilespmem:s9+$0x3D10];
	v28 =	vpop (erf);
	v30 =	vmax.f32 v6, $0.0e+00  }
0xc9: {  	v15 =	vmul.f32 v28, v15;
	v18 =	vmul.f32 v30, v18;
	v32 =	vadd.f32 $0.0e+00, v29  }
0xca: {  	v55 =	vmin.f32 v50, $3.000000010e+38;
	v6 =	vmin.f32 v58, $3.000000010e+38;
	v30 =	vmax.f32 v60, $3.000000010e+38  }
0xcb: {  	vm5 =	vgt.f32 v15, $4.000000060e-01;
	v15 =	vor.u32 s19, v1;
	v17 =	vsub.f32 v32, v18  }
0xcc: {  	v12 =	vsel vm5, $0xF149F2CA, v19;
	v19 =	vmin.f32 v7, $3.000000010e+38;
	v34 =	vmin.f32 v16, $3.000000010e+38  }
0xcd: {  	v16 =	vsub.f32 v16, v31;
	vm6 =	vlt.s32 v15, v14;
	v23 =	vsub.f32 v59, v60  }
0xce: {  	vm5 =	veq.f32 v12, v13;
	v19 =	vsub.f32 v19, v33;
	v36 =	vsub.f32 v34, v35  }
0xcf: {  	v17 =	vmax.f32 v17, $9.999999710e-10;
	vm7 =	vgt.f32 v12, v13;
	v33 =	vmin.f32 v59, $3.000000010e+38  }
0xd0: {  	v37 =	vld [tilespmem:s9+$0x50C0];
	s7 =	sor.u32 $0x120, s9;
	v16 =	vmul.f32 v16, v22;
	(erf) = vrcp.f32 v17;
	vm5 =	vmand vm6, vm5  }
0xd1: {  	v34 =	vld [tilespmem:s7+$0x0];
	v22 =	vmax.f32 v47, $0.0e+00;
	v17 =	vmax.f32 v19, $0.0e+00;
	v19 =	vmax.f32 v36, $0.0e+00  }
0xd2: {  	vm5 =	vmor vm7, vm5;
	v36 =	vld [tilespmem:s9+$0x2920];
	v38 =	vpop (erf);
	v17 =	vmul.f32 v19, v17;
	v16 =	vadd.f32 $0.0e+00, v16  }
0xd3: {  	v35 =	vsub.f32 v33, v30;
	v19 =	vld [tilespmem:s9+$0x28F0];
	v42 =	vsel vm5, v12, v13;
	v20 =	vmul.f32 v38, v20  }
0xd4: {  	v14 =	vsel vm5, v15, v14;
	v15 =	vor.u32 s20, v1;
	v16 =	vsub.f32 v16, v17  }
0xd5: {  	vm7 =	vlt.s32 v15, v14;
	vm6 =	vgt.f32 v20, $4.000000060e-01;
	v20 =	vsub.f32 v40, v41  }
0xd6: {  	v41 =	vor.u32 s26, v1;
	v13 =	vsel vm6, $0xF149F2CA, v37;
	v16 =	vmax.f32 v16, $9.999999710e-10  }
0xd7: {  	v26 =	vsub.f32 v36, v34;
	vm5 =	vgt.f32 v13, v42;
	vm6 =	veq.f32 v13, v42  }
0xd8: {  	(erf) = vrcp.f32 v16;
	v16 =	vmin.f32 v19, $3.000000010e+38;
	v19 =	vsub.f32 v19, v39  }
0xd9: {  	v45 =	vld [tilespmem:s9+$0x50D0];
	v39 =	vmax.f32 v35, $0.0e+00;
	vm6 =	vmand vm7, vm6;
	v16 =	vsub.f32 v16, v43  }
0xda: {  	v40 =	vld [tilespmem:s9+$0x1520];
	v43 =	vmax.f32 v34, $3.000000010e+38;
	v46 =	vpop (erf);
	vm5 =	vmor vm5, vm6;
	v19 =	vmul.f32 v20, v19  }
0xdb: {  	v20 =	vsub.f32 v50, v48;
	v18 =	vmul.f32 v46, v18;
	v51 =	vsel vm5, v15, v14;
	v15 =	vld [tilespmem:s9+$0x1500]  }
0xdc: {  	v49 =	vsel vm5, v13, v42;
	v16 =	vmax.f32 v16, $0.0e+00;
	v42 =	vmin.f32 v36, $3.000000010e+38;
	v36 =	vld [tilespmem:s9+$0x1540]  }
0xdd: {  	v16 =	vmul.f32 v22, v16;
	vm6 =	vgt.f32 v18, $4.000000060e-01;
	v18 =	vadd.f32 $0.0e+00, v19;
	v19 =	vld [tilespmem:s9+$0x3D00]  }
0xde: {  	v24 =	vsub.f32 v42, v43;
	v14 =	vsel vm6, $0xF149F2CA, v45;
	vm6 =	vlt.s32 v52, v51  }
0xdf: {  	v45 =	vmax.f32 v40, $3.000000010e+38;
	vm5 =	veq.f32 v14, v49;
	v18 =	vsub.f32 v18, v16  }
0xe0: {  	vm7 =	vgt.f32 v14, v49;
	vm5 =	vmand vm6, vm5;
	v29 =	vmax.f32 v15, $3.000000010e+38  }
0xe1: {  	v54 =	vld [tilespmem:s9+$0x50E0];
	s19 =	sor.u32 $0x130, s9;
	v33 =	vmax.f32 v36, $3.000000010e+38;
	v53 =	vpop (erf);
	vm5 =	vmor vm7, vm5;
	v18 =	vmax.f32 v18, $9.999999710e-10  }
0xe2: {  	s1 =	sor.u32 $0x110, s9;
	v50 =	vld [tilespmem:s19+$0x0];
	v17 =	vmul.f32 v53, v17;
	v28 =	vmin.f32 v19, $3.000000010e+38;
	v15 =	vsub.f32 v19, v15  }
0xe3: {  	v19 =	vld [tilespmem:s1+$0x0];
	(erf) = vrcp.f32 v18;
	v18 =	vsub.f32 v55, v56;
	v21 =	vsel vm5, v14, v49  }
0xe4: {  	v61 =	vsel vm5, v52, v51;
	v51 =	vld [tilespmem:s9+$0x3D30];
	v53 =	vor.u32 s31, v1;
	v57 =	vsub.f32 v28, v29  }
0xe5: {  	vm7 =	vlt.s32 v62, v61;
	v20 =	vmul.f32 v15, v20;
	vm6 =	vgt.f32 v17, $4.000000060e-01  }
0xe6: {  	v52 =	vld [tilespmem:s9+$0x1530];
	v17 =	vmax.f32 v18, $0.0e+00;
	v18 =	vmax.f32 v57, $0.0e+00;
	v15 =	vsel vm6, $0xF149F2CA, v54  }
0xe7: {  	v54 =	vmax.f32 v50, $3.000000010e+38;
	v17 =	vmul.f32 v18, v17;
	v18 =	vadd.f32 $0.0e+00, v20  }
0xe8: {  	vm5 =	vgt.f32 v15, v21;
	vm6 =	veq.f32 v15, v21;
	v7 =	vmax.f32 v19, $3.000000010e+38  }
0xe9: {  	v63 =	vld [tilespmem:s9+$0x50F0];
	v19 =	vsub.f32 v58, v19;
	vm6 =	vmand vm7, vm6;
	v55 =	vmin.f32 v51, $3.000000010e+38  }
0xea: {  	v18 =	vsub.f32 v18, v17;
	v25 =	vsub.f32 v6, v7;
	vm5 =	vmor vm5, vm6;
	v6 =	vld [tilespmem:s9+$0x3D40]  }
0xeb: {  	s20 =	sor.u32 $0x140, s9;
	v31 =	vmax.f32 v52, $3.000000010e+38;
	v57 =	vsub.f32 v51, v52;
	v20 =	vsel vm5, v62, v61;
	v62 =	vld [tilespmem:s9+$0x2940]  }
0xec: {  	v60 =	vld [tilespmem:s20+$0x0];
	v59 =	vsub.f32 v55, v31;
	v7 =	vor.u32 s1, v1;
	v18 =	vmax.f32 v18, $9.999999710e-10  }
0xed: {  	v21 =	vsel vm5, v15, v21;
	v37 =	vpop (erf);
	(erf) = vrcp.f32 v18;
	v18 =	vmul.f32 v23, v19;
	v19 =	vld [tilespmem:s9+$0x3D20]  }
0xee: {  	v38 =	vmax.f32 v25, $0.0e+00;
	vm6 =	vlt.s32 v41, v20;
	v16 =	vmul.f32 v37, v16  }
0xef: {  	v61 =	vmax.f32 v59, $0.0e+00;
	v23 =	vmul.f32 v39, v38;
	v18 =	vadd.f32 $0.0e+00, v18  }
0xf0: {  	v32 =	vmin.f32 v6, $3.000000010e+38;
	vm5 =	vgt.f32 v16, $4.000000060e-01;
	v39 =	vmin.f32 v62, $3.000000010e+38  }
0xf1: {  	v25 =	vsub.f32 v62, v60;
	v42 =	vsub.f32 v32, v33;
	v16 =	vsel vm5, $0xF149F2CA, v63  }
0xf2: {  	v18 =	vsub.f32 v18, v23;
	v44 =	vmin.f32 v19, $3.000000010e+38;
	v19 =	vsub.f32 v19, v40  }
0xf3: {  	v47 =	vld [tilespmem:s9+$0x5100];
	vm5 =	veq.f32 v16, v21;
	vm7 =	vgt.f32 v16, v21;
	v46 =	vsub.f32 v44, v45  }
0xf4: {  	v43 =	vld [tilespmem:s9+$0x2950];
	v18 =	vmax.f32 v18, $9.999999710e-10;
	vm5 =	vmand vm6, vm5;
	v19 =	vmul.f32 v19, v26  }
0xf5: {  	s22 =	sor.u32 $0x150, s9;
	v44 =	vld [tilespmem:s9+$0x3D50];
	(erf) = vrcp.f32 v18;
	v18 =	vmax.f32 v24, $0.0e+00;
	vm5 =	vmor vm7, vm5  }
0xf6: {  	v26 =	vsub.f32 v6, v36;
	v49 =	vmax.f32 v46, $0.0e+00;
	v20 =	vsel vm5, v41, v20;
	v41 =	vld [tilespmem:s22+$0x0]  }
0xf7: {  	v40 =	vmax.f32 v60, $3.000000010e+38;
	v46 =	vld [tilespmem:s9+$0x1550];
	v48 =	vpop (erf);
	v24 =	vmul.f32 v49, v18;
	v18 =	vadd.f32 $0.0e+00, v19  }
0xf8: {  	v28 =	vmax.f32 v42, $0.0e+00;
	v25 =	vmul.f32 v26, v25;
	v17 =	vmul.f32 v48, v17  }
0xf9: {  	v21 =	vsel vm5, v16, v21;
	v19 =	vld [tilespmem:s9+$0x2930];
	vm7 =	vlt.s32 v53, v20;
	v18 =	vsub.f32 v18, v24  }
0xfa: {  	v49 =	vmin.f32 v43, $3.000000010e+38;
	v25 =	vadd.f32 $0.0e+00, v25;
	vm6 =	vgt.f32 v17, $4.000000060e-01  }
0xfb: {  	v51 =	vmin.f32 v44, $3.000000010e+38;
	v17 =	vsel vm6, $0xF149F2CA, v47;
	v18 =	vmax.f32 v18, $9.999999710e-10  }
0xfc: {  	v47 =	vor.u32 s7, v1;
	v34 =	vmax.f32 v46, $3.000000010e+38;
	v27 =	vsub.f32 v43, v41  }
0xfd: {  	v26 =	vsub.f32 v44, v46;
	vm5 =	vgt.f32 v17, v21;
	vm6 =	veq.f32 v17, v21  }
0xfe: {  	v56 =	vld [tilespmem:s9+$0x5110];
	(erf) = vrcp.f32 v18;
	v18 =	vmin.f32 v19, $3.000000010e+38;
	v19 =	vsub.f32 v19, v50  }
0xff: {  	s26 =	sor.u32 $0x170, s9;
	v43 =	vld [tilespmem:s9+$0x3D70];
	v50 =	vmax.f32 v41, $3.000000010e+38;
	vm6 =	vmand vm7, vm6;
	v18 =	vsub.f32 v18, v54  }
0x100: {  	s23 =	sor.u32 $0x160, s9;
	v41 =	vld [tilespmem:s26+$0x0];
	v29 =	vsub.f32 v49, v50;
	v58 =	vpop (erf);
	vm5 =	vmor vm5, vm6;
	v19 =	vmul.f32 v57, v19  }
0x101: {  	v52 =	vld [tilespmem:s23+$0x0];
	v23 =	vmul.f32 v58, v23;
	v21 =	vsel vm5, v17, v21;
	v18 =	vmax.f32 v18, $0.0e+00  }
0x102: {  	v54 =	vld [tilespmem:s9+$0x2960];
	v20 =	vsel vm5, v53, v20;
	v53 =	vsub.f32 v51, v34;
	v58 =	vmax.f32 v29, $0.0e+00  }
0x103: {  	v57 =	vld [tilespmem:s9+$0x3D60];
	v63 =	vmul.f32 v61, v18;
	v19 =	vadd.f32 $0.0e+00, v19;
	v61 =	vor.u32 s19, v1  }
0x104: {  	v60 =	vld [tilespmem:s9+$0x1560];
	v50 =	vmin.f32 v43, $3.000000010e+38;
	vm6 =	vgt.f32 v23, $4.000000060e-01;
	v59 =	vmax.f32 v53, $0.0e+00  }
0x105: {  	v49 =	vmax.f32 v41, $3.000000010e+38;
	v18 =	vsel vm6, $0xF149F2CA, v56;
	vm6 =	vlt.s32 v7, v20  }
0x106: {  	v19 =	vsub.f32 v19, v63;
	v56 =	vmul.f32 v26, v27;
	v27 =	vmul.f32 v59, v58  }
0x107: {  	v62 =	vmin.f32 v54, $3.000000010e+38;
	v30 =	vsub.f32 v54, v52;
	v59 =	vor.u32 s22, v1  }
0x108: {  	vm5 =	veq.f32 v18, v21;
	vm7 =	vgt.f32 v18, v21;
	v6 =	vmin.f32 v57, $3.000000010e+38  }
0x109: {  	s31 =	sor.u32 $0x180, s9;
	v38 =	vld [tilespmem:s9+$0x5120];
	v26 =	vsub.f32 v57, v60;
	vm5 =	vmand vm6, vm5;
	v19 =	vmax.f32 v19, $9.999999710e-10  }
0x10a: {  	v54 =	vld [tilespmem:s31+$0x0];
	v37 =	vpop (erf);
	vm5 =	vmor vm7, vm5;
	(erf) = vrcp.f32 v19;
	v19 =	vsub.f32 v39, v40  }
0x10b: {  	v26 =	vmul.f32 v26, v30;
	v24 =	vmul.f32 v37, v24;
	v21 =	vsel vm5, v18, v21  }
0x10c: {  	v57 =	vld [tilespmem:s9+$0x3D80];
	v20 =	vsel vm5, v7, v20;
	v7 =	vmax.f32 v60, $3.000000010e+38;
	v45 =	vmax.f32 v19, $0.0e+00  }
0x10d: {  	vm7 =	vlt.s32 v47, v20;
	vm6 =	vgt.f32 v24, $4.000000060e-01;
	v24 =	vmul.f32 v28, v45;
	v45 =	vld [tilespmem:s9+$0x1570]  }
0x10e: {  	v36 =	vsub.f32 v6, v7;
	v26 =	vadd.f32 $0.0e+00, v26;
	v19 =	vsel vm6, $0xF149F2CA, v38  }
0x10f: {  	v6 =	vmax.f32 v54, $3.000000010e+38;
	vm6 =	veq.f32 v19, v21;
	v25 =	vsub.f32 v25, v24  }
0x110: {  	v40 =	vmax.f32 v36, $0.0e+00;
	vm5 =	vgt.f32 v19, v21;
	vm6 =	vmand vm7, vm6  }
0x111: {  	v48 =	vld [tilespmem:s9+$0x5130];
	v36 =	vmin.f32 v57, $3.000000010e+38;
	v25 =	vmax.f32 v25, $9.999999710e-10;
	vm5 =	vmor vm5, vm6  }
0x112: {  	v60 =	vld [tilespmem:s9+$0x1580];
	(erf) = vrcp.f32 v25;
	v25 =	vadd.f32 $0.0e+00, v56;
	v35 =	vmax.f32 v45, $3.000000010e+38  }
0x113: {  	v42 =	vld [tilespmem:s9+$0x2970];
	v21 =	vsel vm5, v19, v21;
	v22 =	vsel vm5, v47, v20;
	v55 =	vpop (erf);
	v53 =	vsub.f32 v50, v35  }
0x114: {  	v56 =	vld [tilespmem:s9+$0x2980];
	v23 =	vmul.f32 v55, v63;
	v25 =	vsub.f32 v25, v27;
	v63 =	vmax.f32 v52, $3.000000010e+38  }
0x115: {  	v47 =	vor.u32 s20, v1;
	vm6 =	vlt.s32 v61, v22;
	v28 =	vsub.f32 v62, v63  }
0x116: {  	v30 =	vmax.f32 v53, $0.0e+00;
	vm5 =	vgt.f32 v23, $4.000000060e-01;
	v25 =	vmax.f32 v25, $9.999999710e-10  }
0x117: {  	v23 =	vsub.f32 v57, v60;
	v20 =	vsel vm5, $0xF149F2CA, v48;
	(erf) = vrcp.f32 v25  }
0x118: {  	v39 =	vmax.f32 v28, $0.0e+00;
	v48 =	vmin.f32 v42, $3.000000010e+38;
	v28 =	vsub.f32 v42, v41  }
0x119: {  	v63 =	vmin.f32 v56, $3.000000010e+38;
	vm5 =	veq.f32 v20, v21;
	v25 =	vmul.f32 v40, v39  }
0x11a: {  	vm7 =	vgt.f32 v20, v21;
	v40 =	vsub.f32 v63, v6;
	vm5 =	vmand vm6, vm5  }
0x11b: {  	v37 =	vld [tilespmem:s9+$0x5140];
	vm5 =	vmor vm7, vm5;
	v44 =	vsub.f32 v26, v25;
	v26 =	vsub.f32 v43, v45;
	v38 =	vpop (erf)  }
0x11c: {  	s1 =	sor.u32 $0x190, s9;
	v63 =	vor.u32 s26, v1;
	v43 =	vld [tilespmem:s9+$0x3D90];
	v46 =	vsel vm5, v20, v21;
	v24 =	vmul.f32 v38, v24  }
0x11d: {  	s7 =	sor.u32 $0x1A0, s9;
	v7 =	vld [tilespmem:s1+$0x0];
	v22 =	vsel vm5, v61, v22;
	v26 =	vmul.f32 v26, v28;
	v28 =	vsub.f32 v56, v54  }
0x11e: {  	vm7 =	vlt.s32 v47, v22;
	v54 =	vld [tilespmem:s7+$0x0];
	vm6 =	vgt.f32 v24, $4.000000060e-01;
	v24 =	vmax.f32 v44, $9.999999710e-10  }
0x11f: {  	v56 =	vld [tilespmem:s9+$0x29A0];
	v26 =	vadd.f32 $0.0e+00, v26;
	v28 =	vmul.f32 v23, v28;
	v44 =	vmax.f32 v40, $0.0e+00  }
0x120: {  	v21 =	vsel vm6, $0xF149F2CA, v37;
	(erf) = vrcp.f32 v24;
	v24 =	vsub.f32 v48, v49  }
0x121: {  	v37 =	vmax.f32 v60, $3.000000010e+38;
	v49 =	vor.u32 s23, v1;
	v53 =	vmin.f32 v43, $3.000000010e+38  }
0x122: {  	v42 =	vld [tilespmem:s9+$0x2990];
	vm5 =	vgt.f32 v21, v46;
	vm6 =	veq.f32 v21, v46;
	v52 =	vpop (erf);
	v41 =	vsub.f32 v36, v37  }
0x123: {  	v51 =	vld [tilespmem:s9+$0x5150];
	vm6 =	vmand vm7, vm6;
	v27 =	vmul.f32 v52, v27;
	v24 =	vmax.f32 v24, $0.0e+00  }
0x124: {  	v52 =	vmax.f32 v7, $3.000000010e+38;
	v6 =	vmin.f32 v56, $3.000000010e+38;
	v34 =	vsub.f32 v56, v54  }
0x125: {  	vm5 =	vmor vm5, vm6;
	v24 =	vmul.f32 v30, v24;
	v45 =	vmax.f32 v41, $0.0e+00  }
0x126: {  	v55 =	vsel vm5, v21, v46;
	vm6 =	vgt.f32 v27, $4.000000060e-01;
	v58 =	vsel vm5, v47, v22  }
0x127: {  	v47 =	vadd.f32 $0.0e+00, v28;
	v27 =	vsub.f32 v42, v7;
	v7 =	vmax.f32 v54, $3.000000010e+38  }
0x128: {  	v46 =	vld [tilespmem:s9+$0x1590];
	v22 =	vsel vm6, $0xF149F2CA, v51;
	vm6 =	vlt.s32 v59, v58;
	v26 =	vsub.f32 v26, v24  }
0x129: {  	v51 =	vmin.f32 v42, $3.000000010e+38;
	v32 =	vsub.f32 v6, v7;
	v6 =	vor.u32 s1, v1  }
0x12a: {  	vm5 =	veq.f32 v22, v55;
	v33 =	vsub.f32 v51, v52;
	v26 =	vmax.f32 v26, $9.999999710e-10  }
0x12b: {  	vm7 =	vgt.f32 v22, v55;
	v51 =	vld [tilespmem:s9+$0x15B0];
	vm5 =	vmand vm6, vm5;
	(erf) = vrcp.f32 v26  }
0x12c: {  	v62 =	vld [tilespmem:s9+$0x5160];
	v52 =	vor.u32 s31, v1;
	vm5 =	vmor vm7, vm5;
	v60 =	vmax.f32 v33, $0.0e+00;
	v61 =	vpop (erf)  }
0x12d: {  	v29 =	vsel vm5, v22, v55;
	v38 =	vmax.f32 v46, $3.000000010e+38;
	v25 =	vmul.f32 v61, v25  }
0x12e: {  	v48 =	vsel vm5, v59, v58;
	v31 =	vsub.f32 v43, v46;
	v59 =	vld [tilespmem:s9+$0x3DA0];
	v55 =	vsub.f32 v53, v38  }
0x12f: {  	vm7 =	vlt.s32 v49, v48;
	vm6 =	vgt.f32 v25, $4.000000060e-01;
	v25 =	vmul.f32 v45, v44  }
0x130: {  	v58 =	vmul.f32 v31, v27;
	v39 =	vmax.f32 v51, $3.000000010e+38;
	v61 =	vmax.f32 v55, $0.0e+00  }
0x131: {  	s19 =	sor.u32 $0x1B0, s9;
	v45 =	vmax.f32 v32, $0.0e+00;
	v23 =	vsel vm6, $0xF149F2CA, v62;
	v62 =	vld [tilespmem:s9+$0x15A0];
	v26 =	vsub.f32 v47, v25  }
0x132: {  	v31 =	vmul.f32 v61, v60;
	vm5 =	vgt.f32 v23, v29;
	vm6 =	veq.f32 v23, v29;
	v47 =	vld [tilespmem:s19+$0x0]  }
0x133: {  	v7 =	vld [tilespmem:s9+$0x15C0];
	v40 =	vmin.f32 v59, $3.000000010e+38;
	vm6 =	vmand vm7, vm6;
	v26 =	vmax.f32 v26, $9.999999710e-10  }
0x134: {  	s20 =	sor.u32 $0x1C0, s9;
	v50 =	vld [tilespmem:s9+$0x5170];
	vm5 =	vmor vm5, vm6;
	v57 =	vpop (erf);
	(erf) = vrcp.f32 v26;
	v26 =	vadd.f32 $0.0e+00, v58  }
0x135: {  	v60 =	vld [tilespmem:s20+$0x0];
	v29 =	vsel vm5, v23, v29;
	v28 =	vsel vm5, v49, v48;
	v24 =	vmul.f32 v57, v24  }
0x136: {  	v49 =	vld [tilespmem:s9+$0x29B0];
	v41 =	vmax.f32 v62, $3.000000010e+38;
	v27 =	vsub.f32 v59, v62;
	vm6 =	vlt.s32 v63, v28  }
0x137: {  	v62 =	vld [tilespmem:s9+$0x29C0];
	v26 =	vsub.f32 v26, v31;
	v42 =	vsub.f32 v40, v41;
	v54 =	vmax.f32 v47, $3.000000010e+38  }
0x138: {  	v41 =	vmax.f32 v7, $3.000000010e+38;
	vm5 =	vgt.f32 v24, $4.000000060e-01;
	v27 =	vmul.f32 v27, v34  }
0x139: {  	v24 =	vsel vm5, $0xF149F2CA, v50;
	v26 =	vmax.f32 v26, $9.999999710e-10;
	v46 =	vmax.f32 v42, $0.0e+00  }
0x13a: {  	vm5 =	veq.f32 v24, v29;
	(erf) = vrcp.f32 v26;
	v32 =	vmul.f32 v46, v45  }
0x13b: {  	v50 =	vld [tilespmem:s9+$0x3DB0];
	v48 =	vadd.f32 $0.0e+00, v27;
	vm7 =	vgt.f32 v24, v29;
	v27 =	vsub.f32 v49, v47  }
0x13c: {  	s23 =	sor.u32 $0x1E0, s9;
	v47 =	vmax.f32 v60, $3.000000010e+38;
	vm5 =	vmand vm6, vm5;
	v46 =	vmin.f32 v62, $3.000000010e+38  }
0x13d: {  	v33 =	vsub.f32 v62, v60;
	v60 =	vld [tilespmem:s23+$0x0];
	vm5 =	vmor vm7, vm5;
	v26 =	vsub.f32 v48, v32  }
0x13e: {  	v53 =	vmin.f32 v49, $3.000000010e+38;
	v62 =	vld [tilespmem:s9+$0x29E0];
	v49 =	vsub.f32 v46, v47;
	v28 =	vsel vm5, v63, v28  }
0x13f: {  	v43 =	vld [tilespmem:s9+$0x5180];
	v29 =	vsel vm5, v24, v29;
	v44 =	vpop (erf);
	v26 =	vmax.f32 v26, $9.999999710e-10;
	vm7 =	vlt.s32 v52, v28  }
0x140: {  	s22 =	sor.u32 $0x1D0, s9;
	v63 =	vld [tilespmem:s9+$0x3DC0];
	v55 =	vmin.f32 v50, $3.000000010e+38;
	v57 =	vsub.f32 v50, v51;
	v25 =	vmul.f32 v44, v25  }
0x141: {  	v48 =	vld [tilespmem:s22+$0x0];
	(erf) = vrcp.f32 v26;
	v26 =	vsub.f32 v53, v54;
	v59 =	vsub.f32 v55, v39  }
0x142: {  	v51 =	vld [tilespmem:s9+$0x29D0];
	v53 =	vmax.f32 v49, $0.0e+00;
	v55 =	vor.u32 s7, v1;
	v27 =	vmul.f32 v57, v27  }
0x143: {  	v49 =	vmin.f32 v62, $3.000000010e+38;
	v38 =	vsub.f32 v62, v60;
	vm6 =	vgt.f32 v25, $4.000000060e-01  }
0x144: {  	v54 =	vld [tilespmem:s9+$0x15D0];
	v26 =	vmax.f32 v26, $0.0e+00;
	v61 =	vmax.f32 v59, $0.0e+00;
	v25 =	vsel vm6, $0xF149F2CA, v43  }
0x145: {  	v27 =	vadd.f32 $0.0e+00, v27;
	v40 =	vmin.f32 v63, $3.000000010e+38;
	v34 =	vsub.f32 v63, v7  }
0x146: {  	v62 =	vld [tilespmem:s9+$0x15F0];
	vm5 =	vgt.f32 v25, v29;
	vm6 =	veq.f32 v25, v29;
	v50 =	vsub.f32 v40, v41  }
0x147: {  	v56 =	vld [tilespmem:s9+$0x5190];
	v58 =	vpop (erf);
	v57 =	vmin.f32 v51, $3.000000010e+38;
	v35 =	vsub.f32 v51, v48;
	vm6 =	vmand vm7, vm6  }
0x148: {  	v31 =	vmul.f32 v58, v31;
	v33 =	vmul.f32 v34, v33;
	v58 =	vmax.f32 v48, $3.000000010e+38  }
0x149: {  	v42 =	vmax.f32 v54, $3.000000010e+38;
	v48 =	vor.u32 s19, v1;
	vm5 =	vmor vm5, vm6  }
0x14a: {  	v36 =	vmax.f32 v50, $0.0e+00;
	v37 =	vsub.f32 v57, v58;
	v50 =	vmax.f32 v60, $3.000000010e+38  }
0x14b: {  	v7 =	vld [tilespmem:s9+$0x3DE0];
	v43 =	vmax.f32 v62, $3.000000010e+38;
	vm6 =	vgt.f32 v31, $4.000000060e-01;
	v31 =	vmul.f32 v61, v26  }
0x14c: {  	v47 =	vld [tilespmem:s9+$0x15E0];
	v29 =	vsel vm5, v25, v29;
	v28 =	vsel vm5, v52, v28;
	v26 =	vsel vm6, $0xF149F2CA, v56  }
0x14d: {  	v52 =	vld [tilespmem:s9+$0x3DD0];
	vm6 =	vlt.s32 v6, v28;
	vm5 =	veq.f32 v26, v29;
	v27 =	vsub.f32 v27, v31  }
0x14e: {  	v45 =	vld [tilespmem:s9+$0x51A0];
	v33 =	vadd.f32 $0.0e+00, v33;
	vm7 =	vgt.f32 v26, v29;
	v44 =	vpop (erf);
	vm5 =	vmand vm6, vm5  }
0x14f: {  	v32 =	vmul.f32 v44, v32;
	vm5 =	vmor vm7, vm5;
	v27 =	vmax.f32 v27, $9.999999710e-10  }
0x150: {  	v51 =	vmin.f32 v7, $3.000000010e+38;
	(erf) = vrcp.f32 v27;
	v29 =	vsel vm5, v26, v29  }
0x151: {  	vm6 =	vgt.f32 v32, $4.000000060e-01;
	v32 =	vmul.f32 v36, v53;
	v28 =	vsel vm5, v6, v28  }
0x152: {  	v59 =	vmin.f32 v52, $3.000000010e+38;
	v34 =	vsub.f32 v52, v54;
	v52 =	vmax.f32 v47, $3.000000010e+38  }
0x153: {  	s26 =	sor.u32 $0x1F0, s9;
	v36 =	vsub.f32 v49, v50;
	v27 =	vsel vm6, $0xF149F2CA, v45;
	vm7 =	vlt.s32 v55, v28  }
0x154: {  	v58 =	vld [tilespmem:s26+$0x0];
	v61 =	vsub.f32 v59, v42;
	v45 =	vmax.f32 v37, $0.0e+00;
	v33 =	vsub.f32 v33, v32  }
0x155: {  	v60 =	vld [tilespmem:s9+$0x3DF0];
	v53 =	vsub.f32 v51, v52;
	vm5 =	vgt.f32 v27, v29;
	vm6 =	veq.f32 v27, v29  }
0x156: {  	v6 =	vmul.f32 v34, v35;
	v34 =	vsub.f32 v7, v47;
	v33 =	vmax.f32 v33, $9.999999710e-10  }
0x157: {  	vm6 =	vmand vm7, vm6;
	v46 =	vmax.f32 v61, $0.0e+00;
	(erf) = vrcp.f32 v33  }
0x158: {  	v59 =	vld [tilespmem:s9+$0x29F0];
	v57 =	vmax.f32 v53, $0.0e+00;
	vm5 =	vmor vm5, vm6;
	v35 =	vmul.f32 v46, v45  }
0x159: {  	v53 =	vld [tilespmem:s9+$0x3E00];
	v34 =	vmul.f32 v34, v38;
	v45 =	vmax.f32 v58, $3.000000010e+38;
	v33 =	vadd.f32 $0.0e+00, v6  }
0x15a: {  	v56 =	vld [tilespmem:s9+$0x51B0];
	v46 =	vmin.f32 v60, $3.000000010e+38;
	v29 =	vsel vm5, v27, v29;
	v30 =	vsel vm5, v55, v28  }
0x15b: {  	v52 =	vld [tilespmem:s9+$0x2A00];
	v6 =	vor.u32 s20, v1;
	v49 =	vsub.f32 v46, v43;
	v33 =	vsub.f32 v33, v35;
	v63 =	vpop (erf)  }
0x15c: {  	vm6 =	vlt.s32 v48, v30;
	v34 =	vadd.f32 $0.0e+00, v34;
	v31 =	vmul.f32 v63, v31  }
0x15d: {  	s31 =	sor.u32 $0x200, s9;
	v7 =	vmin.f32 v59, $3.000000010e+38;
	v38 =	vmax.f32 v49, $0.0e+00;
	v33 =	vmax.f32 v33, $9.999999710e-10  }
0x15e: {  	v50 =	vld [tilespmem:s31+$0x0];
	v44 =	vmin.f32 v53, $3.000000010e+38;
	(erf) = vrcp.f32 v33;
	vm5 =	vgt.f32 v31, $4.000000060e-01  }
0x15f: {  	v28 =	vsel vm5, $0xF149F2CA, v56;
	v56 =	vmax.f32 v36, $0.0e+00;
	v36 =	vsub.f32 v59, v58  }
0x160: {  	v54 =	vld [tilespmem:s9+$0x51C0];
	v59 =	vmin.f32 v52, $3.000000010e+38;
	vm5 =	veq.f32 v28, v29;
	v55 =	vpop (erf);
	v33 =	vmul.f32 v57, v56  }
0x161: {  	vm7 =	vgt.f32 v28, v29;
	v32 =	vmul.f32 v55, v32;
	vm5 =	vmand vm6, vm5  }
0x162: {  	v55 =	vor.u32 s22, v1;
	vm5 =	vmor vm7, vm5;
	v61 =	vsub.f32 v34, v33  }
0x163: {  	v56 =	vld [tilespmem:s9+$0x1600];
	v34 =	vsub.f32 v60, v62;
	v60 =	vmax.f32 v50, $3.000000010e+38;
	vm6 =	vgt.f32 v32, $4.000000060e-01  }
0x164: {  	v63 =	vsel vm5, v28, v29;
	v30 =	vsel vm5, v48, v30;
	v62 =	vsub.f32 v59, v60  }
0x165: {  	v29 =	vsel vm6, $0xF149F2CA, v54;
	v32 =	vmax.f32 v61, $9.999999710e-10;
	vm7 =	vlt.s32 v6, v30  }
0x166: {  	v34 =	vmul.f32 v34, v36;
	v36 =	vsub.f32 v52, v50;
	vm5 =	vgt.f32 v29, v63  }
0x167: {  	v47 =	vld [tilespmem:s9+$0x51D0];
	vm6 =	veq.f32 v29, v63;
	(erf) = vrcp.f32 v32;
	v32 =	vsub.f32 v7, v45  }
0x168: {  	s1 =	sor.u32 $0x210, s9;
	v48 =	vpop (erf);
	v45 =	vmax.f32 v56, $3.000000010e+38;
	v31 =	vsub.f32 v53, v56;
	v46 =	vmax.f32 v62, $0.0e+00  }
0x169: {  	v61 =	vld [tilespmem:s1+$0x0];
	vm6 =	vmand vm7, vm6;
	v35 =	vmul.f32 v48, v35;
	v34 =	vadd.f32 $0.0e+00, v34  }
0x16a: {  	v7 =	vld [tilespmem:s9+$0x3E10];
	vm5 =	vmor vm5, vm6;
	v32 =	vmax.f32 v32, $0.0e+00;
	v36 =	vmul.f32 v31, v36  }
0x16b: {  	vm6 =	vgt.f32 v35, $4.000000060e-01;
	v32 =	vmul.f32 v38, v32;
	v54 =	vsel vm5, v6, v30;
	v6 =	vld [tilespmem:s9+$0x2A10]  }
0x16c: {  	v48 =	vld [tilespmem:s9+$0x1610];
	v51 =	vsel vm5, v29, v63;
	v63 =	vsub.f32 v44, v45;
	v30 =	vsel vm6, $0xF149F2CA, v47  }
0x16d: {  	vm6 =	vlt.s32 v55, v54;
	vm5 =	veq.f32 v30, v51;
	v34 =	vsub.f32 v34, v32  }
0x16e: {  	v49 =	vadd.f32 $0.0e+00, v36;
	vm7 =	vgt.f32 v30, v51;
	vm5 =	vmand vm6, vm5  }
0x16f: {  	v58 =	vld [tilespmem:s9+$0x51E0];
	v47 =	vmax.f32 v63, $0.0e+00;
	vm5 =	vmor vm7, vm5;
	v34 =	vmax.f32 v34, $9.999999710e-10  }
0x170: {  	v50 =	vsel vm5, v55, v54;
	v54 =	vmax.f32 v61, $3.000000010e+38;
	v35 =	vsub.f32 v6, v61;
	v61 =	vld [tilespmem:s9+$0x3E20]  }
0x171: {  	v39 =	vsub.f32 v7, v48;
	(erf) = vrcp.f32 v34;
	v53 =	vmin.f32 v6, $3.000000010e+38;
	v6 =	vld [tilespmem:s9+$0x1620]  }
0x172: {  	s7 =	sor.u32 $0x220, s9;
	v37 =	vsel vm5, v30, v51;
	v51 =	vor.u32 s23, v1;
	v57 =	vpop (erf);
	v41 =	vsub.f32 v53, v54  }
0x173: {  	v56 =	vld [tilespmem:s7+$0x0];
	v55 =	vmin.f32 v7, $3.000000010e+38;
	v7 =	vor.u32 s26, v1;
	v33 =	vmul.f32 v57, v33  }
0x174: {  	vm7 =	vlt.s32 v51, v50;
	v60 =	vmul.f32 v39, v35;
	v62 =	vmax.f32 v41, $0.0e+00  }
0x175: {  	vm6 =	vgt.f32 v33, $4.000000060e-01;
	v33 =	vmul.f32 v47, v46;
	v46 =	vmax.f32 v48, $3.000000010e+38  }
0x176: {  	v31 =	vsel vm6, $0xF149F2CA, v58;
	v57 =	vsub.f32 v55, v46;
	v35 =	vsub.f32 v61, v6  }
0x177: {  	v58 =	vld [tilespmem:s9+$0x2A20];
	vm5 =	vgt.f32 v31, v37;
	vm6 =	veq.f32 v31, v37;
	v34 =	vsub.f32 v49, v33  }
0x178: {  	v49 =	vmax.f32 v56, $3.000000010e+38;
	vm6 =	vmand vm7, vm6;
	v63 =	vmax.f32 v57, $0.0e+00  }
0x179: {  	s19 =	sor.u32 $0x230, s9;
	v52 =	vld [tilespmem:s9+$0x51F0];
	v34 =	vmax.f32 v34, $9.999999710e-10;
	vm5 =	vmor vm5, vm6;
	v39 =	vmul.f32 v63, v62  }
0x17a: {  	v57 =	vld [tilespmem:s19+$0x0];
	v62 =	vor.u32 s31, v1;
	(erf) = vrcp.f32 v34;
	v34 =	vadd.f32 $0.0e+00, v60  }
0x17b: {  	v59 =	vpop (erf);
	v37 =	vsel vm5, v31, v37;
	v36 =	vsel vm5, v51, v50;
	v50 =	vmin.f32 v61, $3.000000010e+38  }
0x17c: {  	v51 =	vmax.f32 v6, $3.000000010e+38;
	v60 =	vld [tilespmem:s9+$0x3E30];
	v32 =	vmul.f32 v59, v32;
	v42 =	vsub.f32 v58, v56  }
0x17d: {  	v61 =	vld [tilespmem:s9+$0x1630];
	v48 =	vmin.f32 v58, $3.000000010e+38;
	vm6 =	vlt.s32 v7, v36;
	v34 =	vsub.f32 v34, v39  }
0x17e: {  	v59 =	vld [tilespmem:s9+$0x2A30];
	v40 =	vsub.f32 v48, v49;
	vm5 =	vgt.f32 v32, $4.000000060e-01;
	v35 =	vmul.f32 v35, v42  }
0x17f: {  	v6 =	vmax.f32 v57, $3.000000010e+38;
	v32 =	vsel vm5, $0xF149F2CA, v52;
	v52 =	vsub.f32 v50, v51  }
0x180: {  	v34 =	vmax.f32 v34, $9.999999710e-10;
	v55 =	vmax.f32 v40, $0.0e+00;
	vm5 =	veq.f32 v32, v37  }
0x181: {  	s20 =	sor.u32 $0x240, s9;
	(erf) = vrcp.f32 v34;
	v58 =	vadd.f32 $0.0e+00, v35;
	vm7 =	vgt.f32 v32, v37  }
0x182: {  	v47 =	vmax.f32 v61, $3.000000010e+38;
	v49 =	vsub.f32 v60, v61;
	v56 =	vmax.f32 v52, $0.0e+00;
	v52 =	vld [tilespmem:s20+$0x0]  }
0x183: {  	vm5 =	vmand vm6, vm5;
	v63 =	vmin.f32 v59, $3.000000010e+38;
	v35 =	vsub.f32 v59, v57;
	v57 =	vld [tilespmem:s9+$0x1640]  }
0x184: {  	v53 =	vld [tilespmem:s9+$0x5200];
	v40 =	vmul.f32 v56, v55;
	vm5 =	vmor vm7, vm5;
	v56 =	vor.u32 s1, v1  }
0x185: {  	v55 =	vld [tilespmem:s9+$0x3E40];
	v37 =	vsel vm5, v32, v37;
	v36 =	vsel vm5, v7, v36;
	v35 =	vmul.f32 v49, v35  }
0x186: {  	v7 =	vmin.f32 v60, $3.000000010e+38;
	v54 =	vpop (erf);
	v34 =	vsub.f32 v58, v40;
	vm7 =	vlt.s32 v62, v36  }
0x187: {  	v51 =	vsub.f32 v7, v47;
	v7 =	vld [tilespmem:s9+$0x2A50];
	v33 =	vmul.f32 v54, v33;
	v35 =	vadd.f32 $0.0e+00, v35  }
0x188: {  	v54 =	vld [tilespmem:s9+$0x2A40];
	v34 =	vmax.f32 v34, $9.999999710e-10;
	v61 =	vmax.f32 v52, $3.000000010e+38;
	v49 =	vmax.f32 v57, $3.000000010e+38  }
0x189: {  	vm6 =	vgt.f32 v33, $4.000000060e-01;
	(erf) = vrcp.f32 v34;
	v34 =	vsub.f32 v63, v6  }
0x18a: {  	v42 =	vsub.f32 v55, v57;
	v33 =	vsel vm6, $0xF149F2CA, v53;
	v53 =	vmax.f32 v51, $0.0e+00  }
0x18b: {  	v48 =	vld [tilespmem:s9+$0x5210];
	vm5 =	vgt.f32 v33, v37;
	vm6 =	veq.f32 v33, v37;
	v50 =	vpop (erf);
	v34 =	vmax.f32 v34, $0.0e+00  }
0x18c: {  	v57 =	vmin.f32 v7, $3.000000010e+38;
	vm6 =	vmand vm7, vm6;
	v39 =	vmul.f32 v50, v39  }
0x18d: {  	v60 =	vmin.f32 v54, $3.000000010e+38;
	v41 =	vsub.f32 v54, v52;
	vm5 =	vmor vm5, vm6  }
0x18e: {  	v54 =	vld [tilespmem:s9+$0x1650];
	v63 =	vsub.f32 v60, v61;
	v37 =	vsel vm5, v33, v37;
	vm6 =	vgt.f32 v39, $4.000000060e-01  }
0x18f: {  	v52 =	vld [tilespmem:s9+$0x3E50];
	v39 =	vmul.f32 v53, v34;
	v36 =	vsel vm5, v62, v36;
	v41 =	vmul.f32 v42, v41  }
0x190: {  	s22 =	sor.u32 $0x250, s9;
	v34 =	vsel vm6, $0xF149F2CA, v48;
	vm6 =	vlt.s32 v56, v36;
	v48 =	vmin.f32 v55, $3.000000010e+38  }
0x191: {  	v62 =	vld [tilespmem:s22+$0x0];
	v53 =	vmax.f32 v63, $0.0e+00;
	v55 =	vor.u32 s7, v1;
	vm5 =	veq.f32 v34, v37  }
0x192: {  	v35 =	vsub.f32 v35, v39;
	vm7 =	vgt.f32 v34, v37;
	v6 =	vsub.f32 v48, v49  }
0x193: {  	v59 =	vld [tilespmem:s9+$0x5220];
	v41 =	vadd.f32 $0.0e+00, v41;
	vm5 =	vmand vm6, vm5;
	v50 =	vmax.f32 v54, $3.000000010e+38  }
0x194: {  	v42 =	vsub.f32 v52, v54;
	v58 =	vpop (erf);
	vm5 =	vmor vm7, vm5;
	v35 =	vmax.f32 v35, $9.999999710e-10  }
0x195: {  	v44 =	vmax.f32 v6, $0.0e+00;
	v40 =	vmul.f32 v58, v40;
	(erf) = vrcp.f32 v35  }
0x196: {  	s23 =	sor.u32 $0x260, s9;
	v36 =	vsel vm5, v56, v36;
	v58 =	vmax.f32 v62, $3.000000010e+38;
	v43 =	vsub.f32 v7, v62;
	v62 =	vld [tilespmem:s9+$0x2A60]  }
0x197: {  	v60 =	vld [tilespmem:s23+$0x0];
	v37 =	vsel vm5, v34, v37;
	vm7 =	vlt.s32 v55, v36;
	vm6 =	vgt.f32 v40, $4.000000060e-01  }
0x198: {  	v45 =	vsub.f32 v57, v58;
	v40 =	vmul.f32 v44, v53;
	v35 =	vsel vm6, $0xF149F2CA, v59  }
0x199: {  	v7 =	vld [tilespmem:s9+$0x3E60];
	v6 =	vmul.f32 v42, v43;
	v59 =	vmin.f32 v52, $3.000000010e+38;
	vm5 =	vgt.f32 v35, v37  }
0x19a: {  	v52 =	vld [tilespmem:s9+$0x1660];
	vm6 =	veq.f32 v35, v37;
	v41 =	vsub.f32 v41, v40;
	v61 =	vsub.f32 v59, v50  }
0x19b: {  	v50 =	vmax.f32 v45, $0.0e+00;
	vm6 =	vmand vm7, vm6;
	v54 =	vmin.f32 v62, $3.000000010e+38  }
0x19c: {  	v46 =	vsub.f32 v62, v60;
	v41 =	vmax.f32 v41, $9.999999710e-10;
	v51 =	vmax.f32 v61, $0.0e+00  }
0x19d: {  	vm5 =	vmor vm5, vm6;
	(erf) = vrcp.f32 v41;
	v43 =	vmul.f32 v51, v50  }
0x19e: {  	v56 =	vld [tilespmem:s9+$0x5230];
	v41 =	vadd.f32 $0.0e+00, v6;
	v38 =	vsel vm5, v55, v36;
	v55 =	vmax.f32 v60, $3.000000010e+38  }
0x19f: {  	v48 =	vor.u32 s22, v1;
	v42 =	vsub.f32 v7, v52;
	v44 =	vsub.f32 v54, v55;
	v55 =	vld [tilespmem:s9+$0x1670]  }
0x1a0: {  	s26 =	sor.u32 $0x270, s9;
	v53 =	vor.u32 s19, v1;
	v37 =	vsel vm5, v35, v37;
	v6 =	vld [tilespmem:s9+$0x2A70];
	v63 =	vpop (erf);
	v41 =	vsub.f32 v41, v43  }
0x1a1: {  	v57 =	vmax.f32 v52, $3.000000010e+38;
	v39 =	vmul.f32 v63, v39;
	v42 =	vmul.f32 v42, v46;
	v63 =	vld [tilespmem:s26+$0x0]  }
0x1a2: {  	vm6 =	vlt.s32 v53, v38;
	v61 =	vmax.f32 v44, $0.0e+00;
	v41 =	vmax.f32 v41, $9.999999710e-10  }
0x1a3: {  	vm5 =	vgt.f32 v39, $4.000000060e-01;
	(erf) = vrcp.f32 v41;
	v42 =	vadd.f32 $0.0e+00, v42  }
0x1a4: {  	v36 =	vsel vm5, $0xF149F2CA, v56;
	v56 =	vmin.f32 v7, $3.000000010e+38;
	v7 =	vld [tilespmem:s9+$0x3E70];
	v51 =	vmax.f32 v55, $3.000000010e+38  }
0x1a5: {  	vm5 =	veq.f32 v36, v37;
	v58 =	vsub.f32 v56, v57;
	vm7 =	vgt.f32 v36, v37  }
0x1a6: {  	v59 =	vld [tilespmem:s9+$0x5240];
	v57 =	vor.u32 s20, v1;
	vm5 =	vmand vm6, vm5;
	v44 =	vsub.f32 v6, v63  }
0x1a7: {  	v60 =	vpop (erf);
	v62 =	vmax.f32 v58, $0.0e+00;
	vm5 =	vmor vm7, vm5;
	v58 =	vmin.f32 v6, $3.000000010e+38  }
0x1a8: {  	v40 =	vmul.f32 v60, v40;
	v41 =	vmul.f32 v62, v61;
	v38 =	vsel vm5, v53, v38  }
0x1a9: {  	v56 =	vsel vm5, v36, v37;
	vm7 =	vlt.s32 v57, v38;
	v60 =	vmin.f32 v7, $3.000000010e+38  }
0x1aa: {  	vm6 =	vgt.f32 v40, $4.000000060e-01;
	v54 =	vsub.f32 v42, v41;
	v42 =	vsub.f32 v7, v55  }
0x1ab: {  	v7 =	vld [tilespmem:s9+$0x2A80];
	v37 =	vsel vm6, $0xF149F2CA, v59;
	v59 =	vmax.f32 v63, $3.000000010e+38;
	v63 =	vsub.f32 v60, v51  }
0x1ac: {  	s31 =	sor.u32 $0x280, s9;
	v61 =	vld [tilespmem:s9+$0x5250];
	vm5 =	vgt.f32 v37, v56;
	v40 =	vmax.f32 v54, $9.999999710e-10;
	vm6 =	veq.f32 v37, v56  }
0x1ad: {  	v6 =	vld [tilespmem:s31+$0x0];
	v62 =	vpop (erf);
	v42 =	vmul.f32 v42, v44;
	(erf) = vrcp.f32 v40;
	vm6 =	vmand vm7, vm6  }
0x1ae: {  	v40 =	vsub.f32 v58, v59;
	v43 =	vmul.f32 v62, v43;
	vm5 =	vmor vm5, vm6  }
0x1af: {  	v46 =	vmax.f32 v63, $0.0e+00;
	v42 =	vadd.f32 $0.0e+00, v42;
	v45 =	vsel vm5, v37, v56  }
0x1b0: {  	v40 =	vmax.f32 v40, $0.0e+00;
	vm6 =	vgt.f32 v43, $4.000000060e-01;
	v56 =	vld [tilespmem:s9+$0x3E80];
	v60 =	vmin.f32 v7, $3.000000010e+38  }
0x1b1: {  	s1 =	sor.u32 $0x290, s9;
	v40 =	vmul.f32 v46, v40;
	v46 =	vsel vm5, v57, v38;
	v38 =	vsel vm6, $0xF149F2CA, v61;
	v57 =	vld [tilespmem:s9+$0x1680]  }
0x1b2: {  	v44 =	vsub.f32 v7, v6;
	v43 =	vld [tilespmem:s1+$0x0];
	v61 =	vmax.f32 v6, $3.000000010e+38;
	vm5 =	veq.f32 v38, v45  }
0x1b3: {  	v7 =	vld [tilespmem:s9+$0x3E90];
	vm6 =	vlt.s32 v48, v46;
	v62 =	vsub.f32 v60, v61;
	v42 =	vsub.f32 v42, v40  }
0x1b4: {  	v6 =	vld [tilespmem:s9+$0x2A90];
	vm7 =	vgt.f32 v38, v45;
	vm5 =	vmand vm6, vm5  }
0x1b5: {  	vm5 =	vmor vm7, vm5;
	v55 =	vmax.f32 v62, $0.0e+00;
	v42 =	vmax.f32 v42, $9.999999710e-10  }
0x1b6: {  	v59 =	vld [tilespmem:s9+$0x5260];
	v52 =	vmin.f32 v56, $3.000000010e+38;
	v53 =	vmax.f32 v57, $3.000000010e+38;
	v39 =	vsub.f32 v56, v57  }
0x1b7: {  	v45 =	vsel vm5, v38, v45;
	v60 =	vmax.f32 v43, $3.000000010e+38;
	v57 =	vld [tilespmem:s9+$0x1690];
	v58 =	vpop (erf);
	v63 =	vsub.f32 v52, v53  }
0x1b8: {  	s7 =	sor.u32 $0x2A0, s9;
	v61 =	vmin.f32 v7, $3.000000010e+38;
	v41 =	vmul.f32 v58, v41;
	v44 =	vmul.f32 v39, v44  }
0x1b9: {  	v50 =	vld [tilespmem:s7+$0x0];
	(erf) = vrcp.f32 v42;
	v43 =	vsub.f32 v6, v43;
	v56 =	vmax.f32 v63, $0.0e+00  }
0x1ba: {  	v52 =	vld [tilespmem:s9+$0x2AA0];
	vm6 =	vgt.f32 v41, $4.000000060e-01;
	v41 =	vmul.f32 v56, v55;
	v58 =	vadd.f32 $0.0e+00, v44  }
0x1bb: {  	v44 =	vsel vm5, v48, v46;
	v46 =	vor.u32 s23, v1;
	v39 =	vsel vm6, $0xF149F2CA, v59  }
0x1bc: {  	vm7 =	vlt.s32 v46, v44;
	v59 =	vmin.f32 v6, $3.000000010e+38;
	v54 =	vmax.f32 v57, $3.000000010e+38  }
0x1bd: {  	v47 =	vsub.f32 v7, v57;
	vm5 =	vgt.f32 v39, v45;
	v42 =	vsub.f32 v58, v41  }
0x1be: {  	vm6 =	veq.f32 v39, v45;
	v49 =	vsub.f32 v59, v60;
	v62 =	vsub.f32 v61, v54  }
0x1bf: {  	v7 =	vld [tilespmem:s9+$0x3EA0];
	v60 =	vmin.f32 v52, $3.000000010e+38;
	v61 =	vmax.f32 v50, $3.000000010e+38;
	v50 =	vsub.f32 v52, v50  }
0x1c0: {  	v59 =	vld [tilespmem:s9+$0x16A0];
	vm6 =	vmand vm7, vm6;
	v6 =	vmul.f32 v47, v43;
	v42 =	vmax.f32 v42, $9.999999710e-10  }
0x1c1: {  	v48 =	vld [tilespmem:s9+$0x5270];
	v57 =	vmax.f32 v49, $0.0e+00;
	v58 =	vmax.f32 v62, $0.0e+00;
	vm5 =	vmor vm5, vm6  }
0x1c2: {  	s19 =	sor.u32 $0x2B0, s9;
	v63 =	vpop (erf);
	(erf) = vrcp.f32 v42;
	v47 =	vmul.f32 v58, v57;
	v42 =	vadd.f32 $0.0e+00, v6  }
0x1c3: {  	v49 =	vld [tilespmem:s19+$0x0];
	v45 =	vsel vm5, v39, v45;
	v44 =	vsel vm5, v46, v44;
	v40 =	vmul.f32 v63, v40  }
0x1c4: {  	v46 =	vor.u32 s26, v1;
	v62 =	vmin.f32 v7, $3.000000010e+38;
	v42 =	vsub.f32 v42, v47  }
0x1c5: {  	v58 =	vld [tilespmem:s9+$0x2AB0];
	v63 =	vmax.f32 v59, $3.000000010e+38;
	v43 =	vsub.f32 v7, v59;
	vm5 =	vgt.f32 v40, $4.000000060e-01  }
0x1c6: {  	vm6 =	vlt.s32 v46, v44;
	v6 =	vsub.f32 v62, v63;
	v40 =	vsel vm5, $0xF149F2CA, v48  }
0x1c7: {  	v59 =	vld [tilespmem:s9+$0x3EB0];
	v48 =	vsub.f32 v60, v61;
	v42 =	vmax.f32 v42, $9.999999710e-10;
	v43 =	vmul.f32 v43, v50  }
0x1c8: {  	v61 =	vor.u32 s31, v1;
	v63 =	vmax.f32 v49, $3.000000010e+38;
	vm5 =	veq.f32 v40, v45  }
0x1c9: {  	v60 =	vld [tilespmem:s9+$0x16B0];
	(erf) = vrcp.f32 v42;
	v56 =	vmax.f32 v6, $0.0e+00;
	vm7 =	vgt.f32 v40, v45  }
0x1ca: {  	v62 =	vmin.f32 v58, $3.000000010e+38;
	v55 =	vmax.f32 v48, $0.0e+00;
	vm5 =	vmand vm6, vm5  }
0x1cb: {  	v51 =	vld [tilespmem:s9+$0x2AC0];
	v57 =	vadd.f32 $0.0e+00, v43;
	v48 =	vmul.f32 v56, v55;
	vm5 =	vmor vm7, vm5  }
0x1cc: {  	v7 =	vld [tilespmem:s9+$0x5280];
	v43 =	vsub.f32 v58, v49;
	v6 =	vmin.f32 v59, $3.000000010e+38;
	v45 =	vsel vm5, v40, v45  }
0x1cd: {  	v44 =	vsel vm5, v46, v44;
	v46 =	vor.u32 s1, v1;
	v54 =	vpop (erf);
	v42 =	vsub.f32 v57, v48  }
0x1ce: {  	v55 =	vmax.f32 v60, $3.000000010e+38;
	v56 =	vsub.f32 v59, v60;
	v41 =	vmul.f32 v54, v41  }
0x1cf: {  	vm7 =	vlt.s32 v61, v44;
	v60 =	vld [tilespmem:s9+$0x3EC0];
	v58 =	vsub.f32 v6, v55;
	v42 =	vmax.f32 v42, $9.999999710e-10  }
0x1d0: {  	s20 =	sor.u32 $0x2C0, s9;
	v43 =	vmul.f32 v56, v43;
	vm6 =	vgt.f32 v41, $4.000000060e-01;
	(erf) = vrcp.f32 v42  }
0x1d1: {  	v6 =	vmin.f32 v51, $3.000000010e+38;
	v42 =	vsub.f32 v62, v63;
	v41 =	vsel vm6, $0xF149F2CA, v7;
	v7 =	vld [tilespmem:s9+$0x5290]  }
0x1d2: {  	v49 =	vld [tilespmem:s20+$0x0];
	v59 =	vmax.f32 v58, $0.0e+00;
	v43 =	vadd.f32 $0.0e+00, v43;
	vm6 =	veq.f32 v41, v45;
	v57 =	vpop (erf)  }
0x1d3: {  	vm5 =	vgt.f32 v41, v45;
	vm6 =	vmand vm7, vm6;
	v47 =	vmul.f32 v57, v47  }
0x1d4: {  	v42 =	vmax.f32 v42, $0.0e+00;
	v56 =	vmin.f32 v60, $3.000000010e+38;
	vm5 =	vmor vm5, vm6  }
0x1d5: {  	vm6 =	vgt.f32 v47, $4.000000060e-01;
	v47 =	vmul.f32 v59, v42;
	v44 =	vsel vm5, v61, v44;
	v61 =	vld [tilespmem:s9+$0x16C0]  }
0x1d6: {  	v45 =	vsel vm5, v41, v45;
	v42 =	vsel vm6, $0xF149F2CA, v7;
	vm6 =	vlt.s32 v46, v44  }
0x1d7: {  	s22 =	sor.u32 $0x2D0, s9;
	v54 =	vld [tilespmem:s9+$0x2AD0];
	v7 =	vmax.f32 v49, $3.000000010e+38;
	vm5 =	veq.f32 v42, v45;
	v43 =	vsub.f32 v43, v47  }
0x1d8: {  	v49 =	vsub.f32 v51, v49;
	v51 =	vld [tilespmem:s22+$0x0];
	vm7 =	vgt.f32 v42, v45;
	vm5 =	vmand vm6, vm5  }
0x1d9: {  	v58 =	vsub.f32 v6, v7;
	v62 =	vpop (erf);
	vm5 =	vmor vm7, vm5;
	v43 =	vmax.f32 v43, $9.999999710e-10  }
0x1da: {  	v63 =	vld [tilespmem:s9+$0x52A0];
	v48 =	vmul.f32 v62, v48;
	v57 =	vmax.f32 v61, $3.000000010e+38;
	v50 =	vsub.f32 v60, v61  }
0x1db: {  	(erf) = vrcp.f32 v43;
	v45 =	vsel vm5, v42, v45;
	v60 =	vld [tilespmem:s9+$0x3ED0];
	v61 =	vmax.f32 v58, $0.0e+00  }
0x1dc: {  	v62 =	vld [tilespmem:s9+$0x16D0];
	v44 =	vsel vm5, v46, v44;
	v46 =	vor.u32 s7, v1;
	v59 =	vsub.f32 v56, v57  }
0x1dd: {  	vm7 =	vlt.s32 v46, v44;
	v6 =	vmax.f32 v51, $3.000000010e+38;
	v51 =	vsub.f32 v54, v51  }
0x1de: {  	v49 =	vmul.f32 v50, v49;
	vm6 =	vgt.f32 v48, $4.000000060e-01;
	v52 =	vmax.f32 v59, $0.0e+00  }
0x1df: {  	v43 =	vsel vm6, $0xF149F2CA, v63;
	v63 =	vmin.f32 v54, $3.000000010e+38;
	v48 =	vmul.f32 v52, v61  }
0x1e0: {  	v49 =	vadd.f32 $0.0e+00, v49;
	vm5 =	vgt.f32 v43, v45;
	vm6 =	veq.f32 v43, v45  }
0x1e1: {  	s23 =	sor.u32 $0x2E0, s9;
	v56 =	vld [tilespmem:s9+$0x2AE0];
	v53 =	vsub.f32 v63, v6;
	v7 =	vmin.f32 v60, $3.000000010e+38;
	v58 =	vmax.f32 v62, $3.000000010e+38  }
0x1e2: {  	v54 =	vld [tilespmem:s23+$0x0];
	v50 =	vsub.f32 v60, v62;
	vm6 =	vmand vm7, vm6;
	v49 =	vsub.f32 v49, v48  }
0x1e3: {  	v60 =	vsub.f32 v7, v58;
	v63 =	vmax.f32 v53, $0.0e+00;
	v7 =	vld [tilespmem:s9+$0x16E0];
	vm5 =	vmor vm5, vm6  }
0x1e4: {  	v62 =	vmul.f32 v50, v51;
	v50 =	vld [tilespmem:s9+$0x3EE0];
	v45 =	vsel vm5, v43, v45;
	v49 =	vmax.f32 v49, $9.999999710e-10  }
0x1e5: {  	v52 =	vld [tilespmem:s9+$0x52B0];
	v46 =	vsel vm5, v46, v44;
	v6 =	vmax.f32 v60, $0.0e+00;
	v61 =	vpop (erf);
	(erf) = vrcp.f32 v49  }
0x1e6: {  	v51 =	vmul.f32 v6, v63;
	v49 =	vadd.f32 $0.0e+00, v62;
	v47 =	vmul.f32 v61, v47  }
0x1e7: {  	v60 =	vmin.f32 v56, $3.000000010e+38;
	v61 =	vmax.f32 v54, $3.000000010e+38;
	v54 =	vsub.f32 v56, v54  }
0x1e8: {  	v49 =	vsub.f32 v49, v51;
	v63 =	vmax.f32 v7, $3.000000010e+38;
	vm5 =	vgt.f32 v47, $4.000000060e-01  }
0x1e9: {  	s26 =	sor.u32 $0x2F0, s9;
	v47 =	vor.u32 s19, v1;
	v62 =	vmin.f32 v50, $3.000000010e+38;
	v50 =	vsub.f32 v50, v7  }
0x1ea: {  	v53 =	vld [tilespmem:s26+$0x0];
	v44 =	vsel vm5, $0xF149F2CA, v52;
	v52 =	vsub.f32 v60, v61;
	v49 =	vmax.f32 v49, $9.999999710e-10  }
0x1eb: {  	v6 =	vsub.f32 v62, v63;
	vm6 =	vlt.s32 v47, v46;
	v63 =	vld [tilespmem:s9+$0x16F0];
	(erf) = vrcp.f32 v49  }
0x1ec: {  	vm5 =	veq.f32 v44, v45;
	v50 =	vmul.f32 v50, v54;
	vm7 =	vgt.f32 v44, v45;
	v54 =	vld [tilespmem:s9+$0x3EF0]  }
0x1ed: {  	v60 =	vmax.f32 v52, $0.0e+00;
	v61 =	vmax.f32 v6, $0.0e+00;
	v52 =	vld [tilespmem:s9+$0x2AF0];
	vm5 =	vmand vm6, vm5  }
0x1ee: {  	v49 =	vmul.f32 v61, v60;
	v50 =	vadd.f32 $0.0e+00, v50;
	vm5 =	vmor vm7, vm5  }
0x1ef: {  	v7 =	vld [tilespmem:s9+$0x52C0];
	v46 =	vsel vm5, v47, v46;
	v47 =	vor.u32 s20, v1  }
0x1f0: {  	v56 =	vsel vm5, v44, v45;
	v59 =	vpop (erf);
	v62 =	vsub.f32 v50, v49;
	vm7 =	vlt.s32 v47, v46  }
0x1f1: {  	v48 =	vmul.f32 v59, v48;
	v60 =	vmin.f32 v54, $3.000000010e+38;
	v59 =	vmax.f32 v63, $3.000000010e+38  }
0x1f2: {  	v50 =	vsub.f32 v54, v63;
	v6 =	vmin.f32 v52, $3.000000010e+38;
	v52 =	vsub.f32 v52, v53  }
0x1f3: {  	v63 =	vsub.f32 v60, v59;
	vm6 =	vgt.f32 v48, $4.000000060e-01;
	v48 =	vmax.f32 v62, $9.999999710e-10  }
0x1f4: {  	v61 =	vld [tilespmem:s9+$0x52D0];
	v45 =	vsel vm6, $0xF149F2CA, v7;
	(erf) = vrcp.f32 v48;
	v7 =	vmax.f32 v53, $3.000000010e+38;
	v62 =	vpop (erf)  }
0x1f5: {  	vm6 =	veq.f32 v45, v56;
	v48 =	vsub.f32 v6, v7;
	v51 =	vmul.f32 v62, v51  }
0x1f6: {  	v55 =	vld [tilespmem:s9+$0x2B00];
	v54 =	vmax.f32 v63, $0.0e+00;
	vm5 =	vgt.f32 v45, v56;
	vm6 =	vmand vm7, vm6  }
0x1f7: {  	vm5 =	vmor vm5, vm6;
	v48 =	vmax.f32 v48, $0.0e+00;
	vm6 =	vgt.f32 v51, $4.000000060e-01;
	v51 =	vld [tilespmem:s9+$0x3F00]  }
0x1f8: {  	s31 =	sor.u32 $0x300, s9;
	v50 =	vmul.f32 v50, v52;
	v48 =	vmul.f32 v54, v48;
	v54 =	vsel vm5, v47, v46;
	v47 =	vld [tilespmem:s9+$0x1700]  }
0x1f9: {  	v52 =	vld [tilespmem:s31+$0x0];
	v53 =	vsel vm5, v45, v56;
	v56 =	vor.u32 s22, v1;
	v46 =	vsel vm6, $0xF149F2CA, v61  }
0x1fa: {  	v50 =	vadd.f32 $0.0e+00, v50;
	vm6 =	vlt.s32 v56, v54;
	vm5 =	veq.f32 v46, v53  }
0x1fb: {  	v57 =	vld [tilespmem:s9+$0x52E0];
	vm7 =	vgt.f32 v46, v53;
	vm5 =	vmand vm6, vm5  }
0x1fc: {  	v58 =	vld [tilespmem:s9+$0x2B10];
	v7 =	vmin.f32 v55, $3.000000010e+38;
	v50 =	vsub.f32 v50, v48;
	vm5 =	vmor vm7, vm5  }
0x1fd: {  	v59 =	vld [tilespmem:s9+$0x3F10];
	v6 =	vpop (erf);
	v60 =	vmin.f32 v51, $3.000000010e+38;
	v61 =	vmax.f32 v47, $3.000000010e+38;
	v47 =	vsub.f32 v51, v47  }
0x1fe: {  	v49 =	vmul.f32 v6, v49;
	v6 =	vmax.f32 v52, $3.000000010e+38;
	v52 =	vsub.f32 v55, v52  }
0x1ff: {  	s1 =	sor.u32 $0x310, s9;
	v50 =	vmax.f32 v50, $9.999999710e-10;
	v60 =	vsub.f32 v60, v61;
	v7 =	vsub.f32 v7, v6  }
0x200: {  	v51 =	vld [tilespmem:s1+$0x0];
	(erf) = vrcp.f32 v50;
	v53 =	vsel vm5, v46, v53;
	v52 =	vmul.f32 v47, v52  }
0x201: {  	v55 =	vld [tilespmem:s9+$0x1710];
	vm6 =	vgt.f32 v49, $4.000000060e-01;
	v62 =	vmax.f32 v60, $0.0e+00;
	v61 =	vmax.f32 v7, $0.0e+00  }
0x202: {  	v47 =	vsel vm6, $0xF149F2CA, v57;
	v57 =	vmin.f32 v58, $3.000000010e+38;
	v7 =	vmin.f32 v59, $3.000000010e+38  }
0x203: {  	v49 =	vmul.f32 v62, v61;
	v63 =	vadd.f32 $0.0e+00, v52;
	v52 =	vsel vm5, v56, v54  }
0x204: {  	v54 =	vor.u32 s23, v1;
	vm5 =	vgt.f32 v47, v53;
	vm6 =	veq.f32 v47, v53  }
0x205: {  	v60 =	vld [tilespmem:s9+$0x2B20];
	v6 =	vmax.f32 v51, $3.000000010e+38;
	v51 =	vsub.f32 v58, v51;
	vm7 =	vlt.s32 v54, v52  }
0x206: {  	s7 =	sor.u32 $0x320, s9;
	v56 =	vld [tilespmem:s9+$0x52F0];
	v62 =	vmax.f32 v55, $3.000000010e+38;
	v55 =	vsub.f32 v59, v55;
	v57 =	vsub.f32 v57, v6  }
0x207: {  	v58 =	vld [tilespmem:s7+$0x0];
	v50 =	vsub.f32 v63, v49;
	v59 =	vsub.f32 v7, v62;
	vm6 =	vmand vm7, vm6  }
0x208: {  	v7 =	vmul.f32 v55, v51;
	v51 =	vld [tilespmem:s9+$0x3F20];
	v62 =	vmax.f32 v57, $0.0e+00;
	vm5 =	vmor vm5, vm6  }
0x209: {  	v50 =	vmax.f32 v50, $9.999999710e-10;
	v6 =	vpop (erf);
	v63 =	vmax.f32 v59, $0.0e+00;
	v59 =	vld [tilespmem:s9+$0x1720];
	v53 =	vsel vm5, v47, v53  }
0x20a: {  	v52 =	vsel vm5, v54, v52;
	(erf) = vrcp.f32 v50;
	v48 =	vmul.f32 v6, v48  }
0x20b: {  	v54 =	vor.u32 s26, v1;
	v55 =	vmul.f32 v63, v62;
	v50 =	vadd.f32 $0.0e+00, v7  }
0x20c: {  	v57 =	vmax.f32 v58, $3.000000010e+38;
	v58 =	vsub.f32 v60, v58;
	vm5 =	vgt.f32 v48, $4.000000060e-01  }
0x20d: {  	vm6 =	vlt.s32 v54, v52;
	v50 =	vsub.f32 v50, v55;
	v48 =	vsel vm5, $0xF149F2CA, v56  }
0x20e: {  	s20 =	sor.u32 $0x330, s9;
	v56 =	vmin.f32 v60, $3.000000010e+38;
	v6 =	vmin.f32 v51, $3.000000010e+38;
	v7 =	vmax.f32 v59, $3.000000010e+38  }
0x20f: {  	v51 =	vsub.f32 v51, v59;
	v56 =	vsub.f32 v56, v57;
	v50 =	vmax.f32 v50, $9.999999710e-10;
	v57 =	vld [tilespmem:s20+$0x0]  }
0x210: {  	vm5 =	veq.f32 v48, v53;
	v60 =	vsub.f32 v6, v7;
	(erf) = vrcp.f32 v50;
	v7 =	vld [tilespmem:s9+$0x1730]  }
0x211: {  	vm7 =	vgt.f32 v48, v53;
	vm5 =	vmand vm6, vm5;
	v51 =	vmul.f32 v51, v58;
	v58 =	vld [tilespmem:s9+$0x3F30]  }
0x212: {  	v59 =	vld [tilespmem:s9+$0x5300];
	v62 =	vmax.f32 v56, $0.0e+00;
	vm5 =	vmor vm7, vm5;
	v63 =	vmax.f32 v60, $0.0e+00  }
0x213: {  	v53 =	vsel vm5, v48, v53;
	v56 =	vmul.f32 v63, v62;
	v6 =	vadd.f32 $0.0e+00, v51;
	v51 =	vld [tilespmem:s9+$0x2B30];
	v61 =	vpop (erf)  }
0x214: {  	v52 =	vsel vm5, v54, v52;
	v54 =	vor.u32 s31, v1;
	v49 =	vmul.f32 v61, v49  }
0x215: {  	vm7 =	vlt.s32 v54, v52;
	v50 =	vsub.f32 v6, v56;
	v61 =	vmax.f32 v57, $3.000000010e+38  }
0x216: {  	v63 =	vmax.f32 v7, $3.000000010e+38;
	v6 =	vmin.f32 v58, $3.000000010e+38;
	vm6 =	vgt.f32 v49, $4.000000060e-01  }
0x217: {  	v50 =	vmax.f32 v50, $9.999999710e-10;
	v6 =	vsub.f32 v6, v63;
	v49 =	vsel vm6, $0xF149F2CA, v59  }
0x218: {  	v62 =	vld [tilespmem:s9+$0x2B40];
	(erf) = vrcp.f32 v50;
	v59 =	vmin.f32 v51, $3.000000010e+38;
	v51 =	vsub.f32 v51, v57  }
0x219: {  	s17 =	sor.u32 $0x340, s9;
	v50 =	vld [tilespmem:s9+$0x5310];
	v57 =	vsub.f32 v58, v7;
	vm5 =	vgt.f32 v49, v53;
	vm6 =	veq.f32 v49, v53;
	v7 =	vpop (erf)  }
0x21a: {  	v58 =	vld [tilespmem:s17+$0x0];
	v59 =	vsub.f32 v59, v61;
	vm6 =	vmand vm7, vm6;
	v55 =	vmul.f32 v7, v55  }
0x21b: {  	v51 =	vmul.f32 v57, v51;
	v57 =	vld [tilespmem:s9+$0x3F40];
	v7 =	vmax.f32 v6, $0.0e+00;
	vm5 =	vmor vm5, vm6  }
0x21c: {  	v6 =	vld [tilespmem:s9+$0x1740];
	v59 =	vmax.f32 v59, $0.0e+00;
	v53 =	vsel vm5, v49, v53;
	vm6 =	vgt.f32 v55, $4.000000060e-01  }
0x21d: {  	v55 =	vmul.f32 v7, v59;
	v51 =	vadd.f32 $0.0e+00, v51;
	v52 =	vsel vm5, v54, v52  }
0x21e: {  	v54 =	vor.u32 s1, v1;
	v59 =	vmin.f32 v62, $3.000000010e+38;
	v50 =	vsel vm6, $0xF149F2CA, v50  }
0x21f: {  	v60 =	vmax.f32 v58, $3.000000010e+38;
	v58 =	vsub.f32 v62, v58;
	vm7 =	vlt.s32 v54, v52  }
0x220: {  	vm5 =	vgt.f32 v50, v53;
	vm6 =	veq.f32 v50, v53;
	v51 =	vsub.f32 v51, v55  }
0x221: {  	[tilespmem:$0x1FFF0] =	vst v0;
	v7 =	vmin.f32 v57, $3.000000010e+38;
	v0 =	vmax.f32 v6, $3.000000010e+38;
	v57 =	vsub.f32 v57, v6  }
0x222: {  	v59 =	vsub.f32 v59, v60;
	v0 =	vsub.f32 v7, v0;
	v7 =	vld [tilespmem:s9+$0x5320];
	v51 =	vmax.f32 v51, $9.999999710e-10  }
0x223: {  	v60 =	vld [tilespmem:s9+$0x1750];
	vm6 =	vmand vm7, vm6;
	v6 =	vpop (erf);
	v57 =	vmul.f32 v57, v58;
	(erf) = vrcp.f32 v51  }
0x224: {  	v61 =	vmax.f32 v59, $0.0e+00;
	v59 =	vld [tilespmem:s9+$0x3F50];
	v56 =	vmul.f32 v6, v56;
	v0 =	vmax.f32 v0, $0.0e+00  }
0x225: {  	s19 =	sor.u32 $0x350, s9;
	vm5 =	vmor vm5, vm6;
	v6 =	vld [tilespmem:s9+$0x2B50];
	v2 =	vmul.f32 v0, v61;
	v62 =	vadd.f32 $0.0e+00, v57  }
0x226: {  	v53 =	vsel vm5, v50, v53;
	v52 =	vsel vm5, v54, v52;
	v57 =	vld [tilespmem:s19+$0x0];
	vm6 =	vgt.f32 v56, $4.000000060e-01  }
0x227: {  	v54 =	vor.u32 s7, v1;
	v63 =	vsub.f32 v62, v2;
	v51 =	vsel vm6, $0xF149F2CA, v7  }
0x228: {  	vm6 =	vlt.s32 v54, v52;
	vm5 =	veq.f32 v51, v53  }
0x229: {  	vm7 =	vgt.f32 v51, v53;
	v56 =	vmax.f32 v63, $9.999999710e-10;
	vm5 =	vmand vm6, vm5  }
0x22a: {  	v61 =	vmin.f32 v6, $3.000000010e+38;
	v63 =	vmin.f32 v59, $3.000000010e+38;
	(erf) = vrcp.f32 v56  }
0x22b: {  	s22 =	sor.u32 $0x360, s9;
	v59 =	vsub.f32 v59, v60;
	v56 =	vld [tilespmem:s9+$0x5330];
	v7 =	vmax.f32 v57, $3.000000010e+38;
	v57 =	vsub.f32 v6, v57  }
0x22c: {  	vm5 =	vmor vm7, vm5;
	v6 =	vmax.f32 v60, $3.000000010e+38;
	v60 =	vld [tilespmem:s22+$0x0];
	v7 =	vsub.f32 v61, v7;
	v0 =	vpop (erf)  }
0x22d: {  	v58 =	vsub.f32 v63, v6;
	v57 =	vmul.f32 v59, v57;
	v59 =	vld [tilespmem:s9+$0x2B60];
	v0 =	vmul.f32 v0, v55  }
0x22e: {  	v62 =	vor.u32 s20, v1;
	v53 =	vsel vm5, v51, v53;
	v54 =	vsel vm5, v54, v52  }
0x22f: {  	v6 =	vmax.f32 v58, $0.0e+00;
	v58 =	vld [tilespmem:s9+$0x3F60];
	vm5 =	vgt.f32 v0, $4.000000060e-01;
	v0 =	vmax.f32 v7, $0.0e+00  }
0x230: {  	v61 =	vld [tilespmem:s9+$0x1760];
	v7 =	vadd.f32 $0.0e+00, v57;
	v52 =	vsel vm5, $0xF149F2CA, v56;
	v4 =	vmul.f32 v6, v0  }
0x231: {  	s23 =	sor.u32 $0x370, s9;
	vm7 =	vlt.s32 v62, v54;
	vm5 =	vgt.f32 v52, v53;
	vm6 =	veq.f32 v52, v53  }
0x232: {  	v56 =	vld [tilespmem:s23+$0x0];
	v6 =	vmin.f32 v59, $3.000000010e+38;
	v55 =	vsub.f32 v7, v4;
	v7 =	vmax.f32 v60, $3.000000010e+38  }
0x233: {  	v0 =	vld [tilespmem:s9+$0x2B70];
	v59 =	vsub.f32 v59, v60;
	vm6 =	vmand vm7, vm6;
	v63 =	vpop (erf);
	v57 =	vsub.f32 v6, v7  }
0x234: {  	vm5 =	vmor vm5, vm6;
	v3 =	vmul.f32 v63, v2;
	v2 =	vmin.f32 v58, $3.000000010e+38  }
0x235: {  	v60 =	vld [tilespmem:s9+$0x1770];
	v58 =	vsub.f32 v58, v61;
	v61 =	vmax.f32 v61, $3.000000010e+38;
	v6 =	vmax.f32 v55, $9.999999710e-10  }
0x236: {  	v54 =	vsel vm5, v62, v54;
	v2 =	vsub.f32 v2, v61;
	v61 =	vld [tilespmem:s9+$0x3F70];
	(erf) = vrcp.f32 v6  }
0x237: {  	v55 =	vld [tilespmem:s9+$0x5340];
	v7 =	vmax.f32 v56, $3.000000010e+38;
	v58 =	vmul.f32 v58, v59;
	v59 =	vsel vm5, v52, v53  }
0x238: {  	vm5 =	vgt.f32 v3, $4.000000060e-01;
	v3 =	vmax.f32 v57, $0.0e+00;
	v53 =	vmin.f32 v0, $3.000000010e+38  }
0x239: {  	v0 =	vsub.f32 v0, v56;
	v2 =	vmax.f32 v2, $0.0e+00;
	v57 =	vadd.f32 $0.0e+00, v58  }
0x23a: {  	v2 =	vmul.f32 v2, v3;
	v3 =	vsub.f32 v53, v7;
	v7 =	vor.u32 s17, v1  }
0x23b: {  	v6 =	vmin.f32 v61, $3.000000010e+38;
	v61 =	vsub.f32 v61, v60;
	v60 =	vmax.f32 v60, $3.000000010e+38  }
0x23c: {  	v53 =	vsel vm5, $0xF149F2CA, v55;
	v56 =	vsub.f32 v6, v60;
	v6 =	vsub.f32 v57, v2  }
0x23d: {  	s26 =	sor.u32 $0x380, s9;
	vm7 =	vlt.s32 v7, v54;
	v3 =	vmax.f32 v3, $0.0e+00;
	v0 =	vmul.f32 v61, v0  }
0x23e: {  	vm6 =	veq.f32 v53, v59;
	v57 =	vld [tilespmem:s26+$0x0];
	v56 =	vmax.f32 v56, $0.0e+00;
	v55 =	vmax.f32 v6, $9.999999710e-10  }
0x23f: {  	v60 =	vld [tilespmem:s9+$0x2B80];
	v3 =	vmul.f32 v56, v3;
	v0 =	vadd.f32 $0.0e+00, v0;
	(erf) = vrcp.f32 v55  }
0x240: {  	vm5 =	vgt.f32 v53, v59;
	vm6 =	vmand vm7, vm6;
	v56 =	vld [tilespmem:s9+$0x1780]  }
0x241: {  	vm5 =	vmor vm5, vm6;
	v55 =	vld [tilespmem:s9+$0x3F80];
	v0 =	vsub.f32 v0, v3  }
0x242: {  	v58 =	vsel vm5, v7, v54;
	v54 =	vld [tilespmem:s9+$0x5350];
	v7 =	vpop (erf)  }
0x243: {  	v4 =	vmul.f32 v7, v4;
	v0 =	vmax.f32 v0, $9.999999710e-10  }
0x244: {  	v59 =	vsel vm5, v53, v59;
	v6 =	vmax.f32 v57, $3.000000010e+38;
	(erf) = vrcp.f32 v0  }
0x245: {  	v57 =	vsub.f32 v60, v57;
	vm5 =	vgt.f32 v4, $4.000000060e-01;
	v0 =	vmin.f32 v60, $3.000000010e+38  }
0x246: {  	v7 =	vmin.f32 v55, $3.000000010e+38;
	v55 =	vsub.f32 v55, v56;
	v56 =	vmax.f32 v56, $3.000000010e+38  }
0x247: {  	v62 =	vld [tilespmem:s9+$0x2B90];
	v54 =	vsel vm5, $0xF149F2CA, v54;
	v0 =	vsub.f32 v0, v6;
	v4 =	vsub.f32 v7, v56  }
0x248: {  	v63 =	vld [tilespmem:s9+$0x3F90];
	vm5 =	veq.f32 v54, v59;
	v56 =	vor.u32 s19, v1;
	v55 =	vmul.f32 v55, v57;
	v61 =	vpop (erf)  }
0x249: {  	s31 =	sor.u32 $0x390, s9;
	v60 =	vld [tilespmem:s9+$0x5360];
	v0 =	vmax.f32 v0, $0.0e+00;
	v4 =	vmax.f32 v4, $0.0e+00;
	v2 =	vmul.f32 v61, v2  }
0x24a: {  	v57 =	vld [tilespmem:s31+$0x0];
	vm6 =	vlt.s32 v56, v58;
	v7 =	vmul.f32 v4, v0;
	v4 =	vadd.f32 $0.0e+00, v55  }
0x24b: {  	vm7 =	vgt.f32 v54, v59;
	vm5 =	vmand vm6, vm5;
	v61 =	vld [tilespmem:s9+$0x1790]  }
0x24c: {  	vm5 =	vmor vm7, vm5;
	v4 =	vsub.f32 v4, v7  }
0x24d: {  	v56 =	vsel vm5, v56, v58;
	v58 =	vsel vm5, v54, v59;
	vm5 =	vgt.f32 v2, $4.000000060e-01;
	v2 =	vpop (erf)  }
0x24e: {  	s1 =	sor.u32 $0x3A0, s9;
	v0 =	vld [tilespmem:s9+$0x2BA0];
	v55 =	vsel vm5, $0xF149F2CA, v60;
	v6 =	vmul.f32 v2, v3;
	v3 =	vmax.f32 v4, $9.999999710e-10  }
0x24f: {  	v59 =	vld [tilespmem:s1+$0x0];
	v4 =	vmax.f32 v57, $3.000000010e+38;
	(erf) = vrcp.f32 v3;
	v3 =	vmin.f32 v62, $3.000000010e+38  }
0x250: {  	v60 =	vld [tilespmem:s9+$0x17A0];
	v2 =	vmax.f32 v61, $3.000000010e+38;
	v5 =	vsub.f32 v3, v4;
	v3 =	vmin.f32 v63, $3.000000010e+38  }
0x251: {  	vm5 =	veq.f32 v55, v58;
	v4 =	vor.u32 s22, v1;
	v2 =	vsub.f32 v3, v2;
	v3 =	vld [tilespmem:s9+$0x3FA0]  }
0x252: {  	v57 =	vsub.f32 v62, v57;
	v61 =	vsub.f32 v63, v61;
	vm6 =	vlt.s32 v4, v56  }
0x253: {  	vm5 =	vmand vm6, vm5;
	vm6 =	vgt.f32 v6, $4.000000060e-01  }
0x254: {  	v6 =	vmul.f32 v61, v57;
	v5 =	vmax.f32 v5, $0.0e+00;
	v57 =	vmin.f32 v0, $3.000000010e+38  }
0x255: {  	v0 =	vsub.f32 v0, v59;
	v59 =	vmax.f32 v59, $3.000000010e+38;
	v2 =	vmax.f32 v2, $0.0e+00  }
0x256: {  	v61 =	vmin.f32 v3, $3.000000010e+38;
	v3 =	vsub.f32 v3, v60;
	v60 =	vmax.f32 v60, $3.000000010e+38  }
0x257: {  	v5 =	vmul.f32 v2, v5;
	v2 =	vsub.f32 v57, v59;
	v62 =	vsub.f32 v61, v60  }
0x258: {  	vm7 =	vgt.f32 v55, v58;
	v0 =	vmul.f32 v3, v0  }
0x259: {  	v6 =	vadd.f32 $0.0e+00, v6;
	v2 =	vmax.f32 v2, $0.0e+00;
	v3 =	vmax.f32 v62, $0.0e+00  }
0x25a: {  	vm5 =	vmor vm7, vm5;
	v59 =	vmul.f32 v3, v2;
	v0 =	vadd.f32 $0.0e+00, v0  }
0x25b: {  	v4 =	vsel vm5, v4, v56;
	v56 =	vld [tilespmem:s9+$0x5370];
	v3 =	vsub.f32 v6, v5  }
0x25c: {  	s7 =	sor.u32 $0x3B0, s9;
	v0 =	vsub.f32 v0, v59  }
0x25d: {  	v57 =	vld [tilespmem:s7+$0x0];
	v3 =	vmax.f32 v3, $9.999999710e-10  }
0x25e: {  	v60 =	vld [tilespmem:s9+$0x2BB0];
	(erf) = vrcp.f32 v3;
	v0 =	vmax.f32 v0, $9.999999710e-10  }
0x25f: {  	v58 =	vsel vm5, v55, v58;
	v2 =	vpop (erf);
	(erf) = vrcp.f32 v0;
	v0 =	vld [tilespmem:$0x1FFB0]  }
0x260: {  	v61 =	vld [tilespmem:s9+$0x3FB0];
	v56 =	vsel vm6, $0xF149F2CA, v56;
	v2 =	vmul.f32 v2, v7;
	v7 =	vor.u32 s23, v1  }
0x261: {  	v6 =	vld [tilespmem:s9+$0x17B0];
	vm5 =	veq.f32 v56, v58;
	vm6 =	vlt.s32 v7, v4  }
0x262: {  	[tilespmem:s9+$0x5110] =	vst v18;
	v18 =	vld [tilespmem:s9+$0x2BD0];
	vm5 =	vmand vm6, vm5;
	vm6 =	vgt.f32 v56, v58  }
0x263: {  	[tilespmem:s9+$0x5070] =	vst v8;
	v62 =	vld [tilespmem:$0x1FFA0];
	vm5 =	vmor vm6, vm5  }
0x264: {  	v3 =	vld [tilespmem:s9+$0x5380];
	vm6 =	vgt.f32 v2, $4.000000060e-01;
	v2 =	vmax.f32 v57, $3.000000010e+38;
	[tilespmem:s9+$0x5020] =	vst v0;
	v0 =	vmin.f32 v60, $3.000000010e+38  }
0x265: {  	[tilespmem:s9+$0x5080] =	vst v9;
	v4 =	vsel vm5, v7, v4;
	v0 =	vsub.f32 v0, v2;
	v2 =	vld [tilespmem:$0x1FFE0]  }
0x266: {  	[tilespmem:s9+$0x5190] =	vst v26;
	v7 =	vsub.f32 v60, v57;
	v57 =	vmin.f32 v61, $3.000000010e+38;
	v60 =	vsub.f32 v61, v6;
	v61 =	vld [tilespmem:$0x1FFD0]  }
0x267: {  	[tilespmem:s9+$0x51D0] =	vst v30;
	v63 =	vld [tilespmem:$0x1FFC0];
	v6 =	vmax.f32 v6, $3.000000010e+38  }
0x268: {  	v30 =	vld [tilespmem:s9+$0x17F0];
	[tilespmem:s9+$0x51F0] =	vst v32;
	v6 =	vsub.f32 v57, v6  }
0x269: {  	v26 =	vmin.f32 v18, $3.000000010e+38;
	v32 =	vld [tilespmem:s9+$0x3FF0];
	[tilespmem:s9+$0x5010] =	vst v62;
	v0 =	vmax.f32 v0, $0.0e+00  }
0x26a: {  	v62 =	vld [tilespmem:s9+$0x5390];
	v6 =	vmax.f32 v6, $0.0e+00;
	[tilespmem:s9+$0x5050] =	vst v2;
	v2 =	vsel vm6, $0xF149F2CA, v3;
	v3 =	vmul.f32 v60, v7  }
0x26b: {  	v57 =	vsel vm5, v56, v58;
	v0 =	vmul.f32 v6, v0;
	[tilespmem:s9+$0x5040] =	vst v61;
	v61 =	vld [tilespmem:$0x1FFF0];
	v60 =	vor.u32 s26, v1  }
0x26c: {  	[tilespmem:s9+$0x5030] =	vst v63;
	v63 =	vpop (erf);
	vm5 =	veq.f32 v2, v57;
	vm6 =	vlt.s32 v60, v4;
	v3 =	vadd.f32 $0.0e+00, v3  }
0x26d: {  	[tilespmem:s9+$0x5170] =	vst v24;
	v24 =	vld [tilespmem:s9+$0x2BE0];
	v5 =	vmul.f32 v63, v5;
	vm7 =	vgt.f32 v2, v57;
	vm5 =	vmand vm6, vm5  }
0x26e: {  	[tilespmem:s9+$0x50B0] =	vst v12;
	v12 =	vsub.f32 v32, v30;
	v63 =	vld [tilespmem:s9+$0x3FC0];
	vm5 =	vmor vm7, vm5;
	v3 =	vsub.f32 v3, v0  }
0x26f: {  	[tilespmem:s9+$0x5090] =	vst v10;
	s17 =	sor.u32 $0x3C0, s9;
	v58 =	vld [tilespmem:s9+$0x53A0];
	v57 =	vsel vm5, v2, v57;
	v4 =	vsel vm5, v60, v4;
	vm5 =	vgt.f32 v5, $4.000000060e-01  }
0x270: {  	v7 =	vld [tilespmem:s17+$0x0];
	[tilespmem:s9+$0x5060] =	vst v61;
	v60 =	vor.u32 s31, v1;
	v61 =	vpop (erf);
	v5 =	vmax.f32 v3, $9.999999710e-10;
	v3 =	vsel vm5, $0xF149F2CA, v62  }
0x271: {  	[tilespmem:s9+$0x50F0] =	vst v16;
	vm6 =	vlt.s32 v60, v4;
	v6 =	vmul.f32 v61, v59;
	v62 =	vld [tilespmem:s9+$0x2BC0];
	vm5 =	veq.f32 v3, v57  }
0x272: {  	[tilespmem:s9+$0x5180] =	vst v25;
	(erf) = vrcp.f32 v5;
	v5 =	vld [tilespmem:s9+$0x17C0];
	vm7 =	vgt.f32 v3, v57;
	vm5 =	vmand vm6, vm5  }
0x273: {  	v25 =	vld [tilespmem:s9+$0x3FE0];
	s22 =	sor.u32 $0x3D0, s9;
	v16 =	vmin.f32 v63, $3.000000010e+38;
	vm6 =	vgt.f32 v6, $4.000000060e-01;
	vm5 =	vmor vm7, vm5  }
0x274: {  	[tilespmem:s9+$0x50A0] =	vst v11;
	v8 =	vsel vm5, v3, v57;
	v6 =	vsel vm5, v60, v4;
	v4 =	vsel vm6, $0xF149F2CA, v58;
	v58 =	vld [tilespmem:s22+$0x0]  }
0x275: {  	[tilespmem:s9+$0x50E0] =	vst v15;
	s23 =	sor.u32 $0x3E0, s9;
	v15 =	vmax.f32 v7, $3.000000010e+38;
	v57 =	vor.u32 s1, v1;
	v60 =	vld [tilespmem:s9+$0x17D0];
	vm5 =	veq.f32 v4, v8  }
0x276: {  	[tilespmem:s9+$0x50C0] =	vst v13;
	vm6 =	vlt.s32 v57, v6;
	v59 =	vmin.f32 v62, $3.000000010e+38;
	v7 =	vsub.f32 v62, v7;
	v62 =	vld [tilespmem:s23+$0x0]  }
0x277: {  	[tilespmem:s9+$0x5100] =	vst v17;
	v17 =	vmax.f32 v5, $3.000000010e+38;
	v13 =	vsub.f32 v59, v15;
	v5 =	vsub.f32 v63, v5;
	v63 =	vld [tilespmem:s9+$0x17E0]  }
0x278: {  	[tilespmem:s9+$0x5120] =	vst v19;
	vm5 =	vmand vm6, vm5;
	vm6 =	vgt.f32 v4, v8;
	v15 =	vsub.f32 v16, v17;
	v16 =	vld [tilespmem:s9+$0x3FD0]  }
0x279: {  	[tilespmem:s9+$0x5240] =	vst v37;
	v37 =	vmin.f32 v32, $3.000000010e+38;
	v19 =	vor.u32 s7, v1;
	vm5 =	vmor vm6, vm5  }
0x27a: {  	[tilespmem:s9+$0x50D0] =	vst v14;
	v13 =	vmax.f32 v13, $0.0e+00;
	v5 =	vmul.f32 v5, v7;
	v6 =	vsel vm5, v57, v6  }
0x27b: {  	[tilespmem:s9+$0x5130] =	vst v20;
	v15 =	vmax.f32 v15, $0.0e+00;
	v17 =	vmax.f32 v60, $3.000000010e+38;
	v9 =	vsub.f32 v18, v58;
	v61 =	vpop (erf)  }
0x27c: {  	[tilespmem:s9+$0x5140] =	vst v21;
	v5 =	vadd.f32 $0.0e+00, v5;
	v7 =	vsub.f32 v24, v62;
	v0 =	vmul.f32 v61, v0  }
0x27d: {  	[tilespmem:s9+$0x51C0] =	vst v29;
	v29 =	vmax.f32 v63, $3.000000010e+38;
	v10 =	vsub.f32 v25, v63;
	v14 =	vsub.f32 v16, v60  }
0x27e: {  	[tilespmem:s9+$0x5150] =	vst v22;
	s26 =	sor.u32 $0x3F0, s9;
	vm6 =	vgt.f32 v0, $4.000000060e-01;
	v0 =	vmul.f32 v15, v13;
	v15 =	vmax.f32 v58, $3.000000010e+38  }
0x27f: {  	[tilespmem:s9+$0x5160] =	vst v23;
	v18 =	vld [tilespmem:s26+$0x0];
	v13 =	vsub.f32 v26, v15;
	v15 =	vmin.f32 v16, $3.000000010e+38;
	v16 =	vmin.f32 v24, $3.000000010e+38  }
0x280: {  	[tilespmem:s9+$0x51A0] =	vst v27;
	v9 =	vmul.f32 v14, v9;
	v15 =	vsub.f32 v15, v17;
	v17 =	vmax.f32 v62, $3.000000010e+38  }
0x281: {  	[tilespmem:s9+$0x51B0] =	vst v28;
	v5 =	vsub.f32 v5, v0;
	v16 =	vsub.f32 v16, v17;
	v17 =	vmin.f32 v25, $3.000000010e+38  }
0x282: {  	[tilespmem:s9+$0x51E0] =	vst v31;
	v13 =	vmax.f32 v13, $0.0e+00;
	v31 =	vsub.f32 v17, v29;
	v17 =	vld [tilespmem:s9+$0x2BF0];
	v15 =	vmax.f32 v15, $0.0e+00  }
0x283: {  	[tilespmem:s9+$0x5200] =	vst v33;
	v9 =	vadd.f32 $0.0e+00, v9;
	v5 =	vmax.f32 v5, $9.999999710e-10;
	v13 =	vmul.f32 v15, v13  }
0x284: {  	[tilespmem:s9+$0x5230] =	vst v36;
	v7 =	vmul.f32 v10, v7;
	v36 =	vmax.f32 v18, $3.000000010e+38;
	(erf) = vrcp.f32 v5  }
0x285: {  	[tilespmem:s9+$0x5210] =	vst v34;
	v34 =	vld [tilespmem:s9+$0x53B0];
	v33 =	vmax.f32 v16, $0.0e+00;
	v14 =	vmax.f32 v31, $0.0e+00;
	v9 =	vsub.f32 v9, v13  }
0x286: {  	[tilespmem:s9+$0x5220] =	vst v35;
	v7 =	vadd.f32 $0.0e+00, v7;
	v15 =	vmax.f32 v30, $3.000000010e+38;
	v5 =	vmul.f32 v14, v33  }
0x287: {  	[tilespmem:s9+$0x5260] =	vst v39;
	v35 =	vmin.f32 v17, $3.000000010e+38;
	v9 =	vmax.f32 v9, $9.999999710e-10;
	v39 =	vsub.f32 v17, v18  }
0x288: {  	[tilespmem:s9+$0x5250] =	vst v38;
	v14 =	vsub.f32 v37, v15;
	v10 =	vsub.f32 v35, v36;
	(erf) = vrcp.f32 v9  }
0x289: {  	[tilespmem:s9+$0x5270] =	vst v40;
	v8 =	vsel vm5, v4, v8;
	v7 =	vsub.f32 v7, v5;
	v9 =	vmul.f32 v12, v39  }
0x28a: {  	[tilespmem:s9+$0x5280] =	vst v41;
	v11 =	vsel vm6, $0xF149F2CA, v34;
	v41 =	vmax.f32 v14, $0.0e+00;
	v10 =	vmax.f32 v10, $0.0e+00  }
0x28b: {  	[tilespmem:s9+$0x5290] =	vst v42;
	v7 =	vmax.f32 v7, $9.999999710e-10;
	v10 =	vmul.f32 v41, v10;
	v9 =	vadd.f32 $0.0e+00, v9  }
0x28c: {  	v42 =	vld [tilespmem:s9+$0x53C0];
	[tilespmem:s9+$0x52A0] =	vst v43;
	vm6 =	vlt.s32 v19, v6;
	vm5 =	veq.f32 v11, v8;
	(erf) = vrcp.f32 v7  }
0x28d: {  	[tilespmem:s9+$0x52B0] =	vst v44;
	vm5 =	vmand vm6, vm5;
	vm6 =	vgt.f32 v11, v8;
	v43 =	vpop (erf);
	v9 =	vsub.f32 v9, v10  }
0x28e: {  	[tilespmem:s9+$0x52C0] =	vst v45;
	vm5 =	vmor vm6, vm5;
	v0 =	vmul.f32 v43, v0  }
0x28f: {  	[tilespmem:s9+$0x52D0] =	vst v46;
	v6 =	vsel vm5, v19, v6;
	v9 =	vmax.f32 v9, $9.999999710e-10  }
0x290: {  	[tilespmem:s9+$0x52E0] =	vst v47;
	v17 =	vlaneseq.u32;
	vm6 =	vgt.f32 v0, $4.000000060e-01;
	v0 =	vld [tilespmem:s9+$0x53D0];
	(erf) = vrcp.f32 v9  }
0x291: {  	[tilespmem:s9+$0x52F0] =	vst v48;
	v8 =	vsel vm5, v11, v8;
	v45 =	vor.u32 s17, v17;
	v7 =	vsel vm6, $0xF149F2CA, v42;
	v48 =	vpop (erf)  }
0x292: {  	[tilespmem:s9+$0x5300] =	vst v49;
	vm6 =	vlt.s32 v45, v6;
	vm5 =	veq.f32 v7, v8;
	v57 =	vmul.f32 v48, v13  }
0x293: {  	[tilespmem:s9+$0x5310] =	vst v50;
	vm7 =	vgt.f32 v7, v8;
	vm5 =	vmand vm6, vm5  }
0x294: {  	[tilespmem:s9+$0x5320] =	vst v51;
	v59 =	vld [tilespmem:s9+$0x53E0];
	v58 =	vor.u32 s22, v17;
	vm5 =	vmor vm7, vm5;
	vm6 =	vgt.f32 v57, $4.000000060e-01  }
0x295: {  	[tilespmem:s9+$0x5330] =	vst v52;
	v60 =	vpop (erf);
	v6 =	vsel vm5, v45, v6;
	v8 =	vsel vm5, v7, v8;
	v0 =	vsel vm6, $0xF149F2CA, v0  }
0x296: {  	[tilespmem:s9+$0x5340] =	vst v53;
	v5 =	vmul.f32 v60, v5;
	vm6 =	vlt.s32 v58, v6;
	vm5 =	veq.f32 v0, v8  }
0x297: {  	[tilespmem:s9+$0x5350] =	vst v54;
	vm7 =	vgt.f32 v0, v8;
	vm5 =	vmand vm6, vm5  }
0x298: {  	[tilespmem:s9+$0x5360] =	vst v55;
	v63 =	vld [tilespmem:s9+$0x53F0];
	v61 =	vor.u32 s23, v17;
	vm6 =	vgt.f32 v5, $4.000000060e-01;
	vm5 =	vmor vm7, vm5  }
0x299: {  	[tilespmem:s9+$0x5380] =	vst v2;
	v62 =	vsel vm6, $0xF149F2CA, v59;
	v5 =	vsel vm5, v0, v8;
	v6 =	vsel vm5, v58, v6;
	v2 =	vpop (erf)  }
0x29a: {  	[tilespmem:s9+$0x5370] =	vst v56;
	vm5 =	veq.f32 v62, v5;
	vm6 =	vlt.s32 v61, v6;
	v2 =	vmul.f32 v2, v10  }
0x29b: {  	[tilespmem:s9+$0x5390] =	vst v3;
	vm5 =	vmand vm6, vm5;
	vm6 =	vgt.f32 v62, v5  }
0x29c: {  	p0 =	slt.u32 s9, $0x1000;
	[tilespmem:s9+$0x53A0] =	vst v4;
	v4 =	vor.u32 s26, v17;
	vm5 =	vmor vm6, vm5;
	vm6 =	vgt.f32 v2, $4.000000060e-01  }
.Ltmp3:
0x29d: {  	[tilespmem:s9+$0x53B0] =	vst v11;
	v3 =	vsel vm5, v62, v5;
	v2 =	vsel vm5, v61, v6;
	v5 =	vsel vm6, $0xF149F2CA, v63;
	(pc) =	sbr.rel @p0 .LBB2_4-.Ltmp3, $4  }
0x29e: {  	[tilespmem:s9+$0x53C0] =	vst v7;
	vm5 =	veq.f32 v5, v3;
	vm6 =	vlt.s32 v4, v2  }
0x29f: {  	[tilespmem:s9+$0x53D0] =	vst v0;
	vm7 =	vgt.f32 v5, v3;
	vm5 =	vmand vm6, vm5  }
0x2a0: {  	s31 =	sadd.s32 $0x400, s9;
	[tilespmem:s9+$0x53E0] =	vst v62;
	vm5 =	vmor vm7, vm5  }
0x2a1: {  	[tilespmem:s9+$0x53F0] =	vst v5;
	s9 =	smov.u32 s31;
	v3 =	vsel vm5, v5, v3;
	v2 =	vsel vm5, v4, v2  }
0x2a2: {  	(xrf0) =	vmax.scan.msk.f32 $0xffff, v3;
	_ =	sdelay $0x5  }
0x2a3: {  	v0, _, _ =	vpop (xrf0)  }
0x2a4: {  	v4 =	vbroadcast v0, $0xF;
	_ =	sdelay $0x1  }
0x2a5: {  	v2 =	vxor.u32 $0x80000000, v2;
	vm5 =	veq.f32 v3, v4  }
0x2a6: {  	v2 =	vnsel vm5, $0x80001400, v2  }
0x2a7: {  	(xrf0) =	vmin.scan.msk.u32 $0xffff, v2;
	_ =	sdelay $0x5  }
0x2a8: {  	(v2sf) =	vpush v0, $0xF;
	v63, _, _ =	vpop (xrf0)  }
0x2a9: {  	(v2sf) =	vpush v63, $0xF;
	_ =	sdelay $0xd  }
0x2aa: {  	s10 =	spop (v2sf)  }
0x2ab: {  	s9 =	simm.s32 $0x0;
	s8 =	spop (v2sf)  }
.LBB2_6:
0x2ac: {  	s16 =	sxor.u32 $0x80000000, s8  }
0x2ad: {  	v0 =	vmov s16;
	_ =	sdelay $0x3  }
0x2ae: {  	s1 =	simm.s32 $0x3C00  }
0x2af: {  	s7 =	simm.s32 $0x2800;
	v2 =	vld.idx.msk [tilespmem:v0+s1+$0x0], $0xffff  }
0x2b0: {  	s31 =	scvt.s32.f32 s9;
	s17 =	simm.s32 $0x1400;
	v3 =	vld.idx.msk [tilespmem:v0+s7+$0x0], $0xffff  }
0x2b1: {  	v4 =	vld.idx.msk [tilespmem:v0+s17+$0x0], $0xffff  }
0x2b2: {  	s8 =	sadd.f32 $2.500000000e-01, s31;
	v0 =	vld.idx.msk [tilespmem:v0+s3+$0x0], $0xffff  }
0x2b3: {  	s17 =	sshll.u32 s9, $0x5  }
0x2b4: {  	s19 =	rddreg [dreg:$0x8];
	s17 =	sand.u32 $0x20, s17;
	v2 =	vsel vm0, s8, v2  }
0x2b5: {  	s16 =	sadd.s32 s5, s16;
	s17 =	sor.u32 s17, s19;
	v2 =	vsel vm1, v2, v3  }
0x2b6: {  	s20 =	scvt.s32.f32 s16;
	s22 =	sor.u32 s4, s17;
	v3 =	vmov s10;
	v2 =	vsel vm2, v2, v4  }
0x2b7: {  	vm5 =	veq.s32 v17, $0x1;
	s17 =	sand.u32 $0x38, s22;
	v3 =	vadd.f32 $0.0e+00, v3;
	v0 =	vsel vm3, v2, v0  }
0x2b8: {  	s23 =	sor.u32 s18, s17;
	v0 =	vsel vm5, s20, v0;
	vm5 =	vmmov $0x1  }
0x2b9: {  	s10 =	sshll.u32 s23, $0x4;
	v0 =	vsel vm5, v3, v0  }
0x2ba: {  	s26 =	simm.s32 $0x7800;
	s10 =	sadd.s32 s11, s10;
	[tilespmem:$0x7800] =	vst v0  }
0x2bb: {  	[hbm4b:s10+s3] =	stream.linear.scatter [tilespmem:s26], [sflag:$0x5], $0x80, $0x38;
	[tilespmem:$0x7A80] =	vst v63  }
0x2bc: {  	_ =	swait.ge [sflag:s21], $0x80  }
0x2bd: {  	s31 =	sshll.u32 s22, $0x4;
	[sflag:s21] =	ssyncset.done $0x0  }
0x2be: {  	s19 =	sand.u32 $0x380, s31;
	[sflag:s21] =	ssyncadd.s32 $0xFFFFFF80  }
0x2bf: {  	s10 =	sadd.s32 s19, s12;
	[bflag:$0x0] =	sbarrier.arrive $0xFFFF  }
0x2c0: {  	[tilespmem:s24], [sflag:$0x1] =	stream.linear.gather [hbm4b:s10+s3], $0x80, $0x38;
	[tilespmem:$0x7A80] =	vst v63  }
0x2c1: {  	s16 =	sadd.s32 s19, s13  }
0x2c2: {  	[tilespmem:s28], [sflag:$0x2] =	stream.linear.gather [hbm4b:s16+s3], $0x80, $0x38;
	[tilespmem:$0x7A80] =	vst v63  }
0x2c3: {  	s17 =	sadd.s32 s19, s14  }
0x2c4: {  	[tilespmem:s29], [sflag:$0x3] =	stream.linear.gather [hbm4b:s17+s3], $0x80, $0x38;
	[tilespmem:$0x7A80] =	vst v63  }
0x2c5: {  	s19 =	sadd.s32 s19, s15  }
0x2c6: {  	[tilespmem:s30], [sflag:$0x4] =	stream.linear.gather [hbm4b:s19+s3], $0x80, $0x38;
	[tilespmem:$0x7A80] =	vst v63  }
0x2c7: {  	_ =	swait.ge [sflag:s2], $0x80  }
0x2c8: {  	[sflag:s2] =	ssyncset.done $0x0  }
0x2c9: {  	[sflag:s2] =	ssyncadd.s32 $0xFFFFFF80  }
0x2ca: {  	_ =	swait.ge [sflag:s0], $0x80  }
0x2cb: {  	[sflag:s0] =	ssyncset.done $0x0  }
0x2cc: {  	[sflag:s0] =	ssyncadd.s32 $0xFFFFFF80  }
0x2cd: {  	_ =	swait.ge [sflag:s25], $0x80  }
0x2ce: {  	[sflag:s25] =	ssyncset.done $0x0  }
0x2cf: {  	[sflag:s25] =	ssyncadd.s32 $0xFFFFFF80  }
0x2d0: {  	_ =	swait.ge [sflag:s6], $0x80  }
0x2d1: {  	[sflag:s6] =	ssyncset.done $0x0  }
0x2d2: {  	[sflag:s6] =	ssyncadd.s32 $0xFFFFFF80  }
0x2d3: {  	v5 =	vld [tilespmem:$0x7880]  }
0x2d4: {  	v4 =	vld [tilespmem:$0x7900]  }
0x2d5: {  	v3 =	vld [tilespmem:$0x7980]  }
0x2d6: {  	v2 =	vld [tilespmem:$0x7A00];
	_ =	sdelay $0x1  }
0x2d7: {  	(v2sf) =	vpush v5, $0x6  }
0x2d8: {  	(v2sf) =	vpush v4, $0x6  }
0x2d9: {  	(v2sf) =	vpush v3, $0x6  }
0x2da: {  	(v2sf) =	vpush v2, $0x6;
	_ =	sdelay $0xb  }
0x2db: {  	s20 =	spop (v2sf)  }
0x2dc: {  	s26 =	spop (v2sf)  }
0x2dd: {  	s22 =	spop (v2sf)  }
0x2de: {  	s23 =	spop (v2sf)  }
0x2df: {  	p0 =	slt.f32 s23, s8;
	p1 =	sgt.f32 s23, s8  }
0x2e0: {  	_ = 	snop  }
0x2e1: {  	p0 =	por p1, p0  }
0x2e2: {  	p1 =	slt.f32 @!p0 s22, s8;
	p2 =	sgt.f32 @!p0 s22, s8  }
0x2e3: {  	_ = 	snop  }
0x2e4: {  	p1 =	por @!p0 p2, p1  }
0x2e5: {  	p0 =	por p0, p1  }
0x2e6: {  	p1 =	slt.f32 @!p0 s26, s8;
	p2 =	sgt.f32 @!p0 s26, s8  }
0x2e7: {  	_ = 	snop  }
0x2e8: {  	p1 =	por @!p0 p2, p1  }
0x2e9: {  	p0 =	por p0, p1  }
0x2ea: {  	p1 =	slt.f32 @!p0 s20, s8;
	p2 =	sgt.f32 @!p0 s20, s8  }
0x2eb: {  	_ = 	snop  }
0x2ec: {  	p1 =	por @!p0 p2, p1  }
0x2ed: {  	p1 =	por @!p0 !p1, !p1  }
0x2ee: {  	p0 =	por p0, !p1  }
.Ltmp4:
0x2ef: {  	_ = 	snop;
	(pc) =	sbr.rel @p0 .LBB2_7-.Ltmp4, $1  }
0x2f0: {  	_ =	sdelay $0x3  }
.LBB2_8:
0x2f1: {  	(v2sf) =	vpush v5, $0x0  }
0x2f2: {  	(v2sf) =	vpush v5, $0x1  }
0x2f3: {  	(v2sf) =	vpush v5, $0x2  }
0x2f4: {  	(v2sf) =	vpush v5, $0x3  }
0x2f5: {  	(v2sf) =	vpush v5, $0x4  }
0x2f6: {  	(v2sf) =	vpush v5, $0x5  }
0x2f7: {  	(v2sf) =	vpush v4, $0x0  }
0x2f8: {  	(v2sf) =	vpush v4, $0x1;
	_ =	sdelay $0x1  }
0x2f9: {  	(v2sf) =	vpush v4, $0x2  }
0x2fa: {  	(v2sf) =	vpush v4, $0x3  }
0x2fb: {  	(v2sf) =	vpush v4, $0x4  }
0x2fc: {  	(v2sf) =	vpush v4, $0x5  }
0x2fd: {  	(v2sf) =	vpush v3, $0x0  }
0x2fe: {  	(v2sf) =	vpush v3, $0x1  }
0x2ff: {  	s8 =	spop (v2sf);
	(v2sf) =	vpush v3, $0x2  }
0x300: {  	s20 =	spop (v2sf);
	(v2sf) =	vpush v3, $0x3  }
0x301: {  	s19 =	spop (v2sf)  }
0x302: {  	(v2sf) =	vpush v3, $0x4;
	s16 =	spop (v2sf)  }
0x303: {  	(v2sf) =	vpush v3, $0x5;
	s10 =	spop (v2sf)  }
0x304: {  	(v2sf) =	vpush v2, $0x0;
	s17 =	spop (v2sf)  }
0x305: {  	(v2sf) =	vpush v2, $0x1;
	s22 =	spop (v2sf)  }
0x306: {  	s23 =	spop (v2sf)  }
0x307: {  	p0 =	seq.f32 s22, s8;
	p1 =	slt.f32 s23, s20  }
0x308: {  	s26 =	spop (v2sf)  }
0x309: {  	p2 =	sgt.f32 s22, s8;
	s24 =	spop (v2sf);
	p0 =	por !p0, !p1  }
0x30a: {  	s7 =	spop (v2sf);
	p0 =	por !p0, !p0  }
0x30b: {  	s28 =	spop (v2sf);
	p0 =	por p2, p0  }
0x30c: {  	(v2sf) =	vpush v2, $0x2;
	s8 =	smov.u32 @p0 s22;
	s22 =	spop (v2sf)  }
0x30d: {  	(v2sf) =	vpush v2, $0x3;
	s20 =	smov.u32 @p0 s23;
	s23 =	spop (v2sf);
	p5 =	seq.f32 s22, s8  }
0x30e: {  	p6 =	slt.f32 s23, s20;
	s29 =	spop (v2sf);
	(v2sf) =	vpush v2, $0x4  }
0x30f: {  	s30 =	spop (v2sf);
	(v2sf) =	vpush v2, $0x5  }
0x310: {  	p3 =	sgt.f32 s22, s8;
	p1 =	por !p5, !p6  }
0x311: {  	s31 =	spop (v2sf);
	p1 =	por !p1, !p1  }
0x312: {  	s1 =	spop (v2sf);
	p2 =	por p3, p1  }
0x313: {  	s8 =	smov.u32 @p2 s22;
	s22 =	spop (v2sf)  }
0x314: {  	s20 =	smov.u32 @p2 s23;
	s23 =	spop (v2sf)  }
0x315: {  	p4 =	seq.f32 s22, s8;
	p5 =	slt.f32 s23, s20  }
0x316: {  	s19 =	smov.u32 @p0 s26  }
0x317: {  	s16 =	smov.u32 @p0 s24;
	p6 =	sgt.f32 s22, s8;
	p1 =	por !p4, !p5  }
0x318: {  	s10 =	smov.u32 @p0 s7;
	s17 =	smov.u32 @p0 s28;
	p1 =	por !p1, !p1  }
0x319: {  	s19 =	smov.u32 @p2 s29;
	s16 =	smov.u32 @p2 s30;
	p1 =	por p6, p1  }
0x31a: {  	s10 =	smov.u32 @p2 s31;
	s17 =	smov.u32 @p2 s1;
	s20 =	smov.u32 @p1 s23  }
0x31b: {  	s1 =	spop (v2sf);
	s8 =	smov.u32 @p1 s22;
	s30 =	scvt.f32.s32 s20  }
0x31c: {  	s19 =	smov.u32 @p1 s1;
	s20 =	spop (v2sf);
	p0 =	sgt.f32 s8, $-5.000000080e+29  }
0x31d: {  	v56 =	vmov s19;
	s16 =	smov.u32 @p1 s20;
	s7 =	ssub.s32 s30, s5;
	s20 =	spop (v2sf)  }
0x31e: {  	v2 =	vadd.f32 $0.0e+00, v56;
	v58 =	vmov s16;
	p2 =	sgt.s32 s7, $0x0;
	s10 =	smov.u32 @p1 s20;
	s20 =	spop (v2sf)  }
0x31f: {  	s1 =	smov.u32 s7;
	p4 =	sgt.s32 s7, $0xFFFFFFFF;
	v4 =	vadd.f32 $0.0e+00, v58;
	s17 =	smov.u32 @p1 s20  }
0x320: {  	v2 =	vbroadcast v2, $0x0;
	s1 =	simm.s32 @!p2 $0x0;
	p2 =	por !p0, !p4;
	v59 =	vmov s10;
	v6 =	vmov s17  }
0x321: {  	vm6 =	vmmov vm4;
	p6 =	slt.s32 s7, $0x1400;
	s7 =	simm.s32 @!p0 $0xFFFFFFFF;
	p5 =	por !p2, !p2;
	v5 =	vadd.f32 $0.0e+00, v59;
	v6 =	vadd.f32 $0.0e+00, v6  }
0x322: {  	v63 =	vmov s7;
	s1 =	smin.u32 s1, $0x13FF;
	v4 =	vbroadcast v4, $0x0;
	v1 =	vpsel !p0, $0x7F61B1E6, v2;
	p1 =	por !p6, !p5  }
0x323: {  	v0 =	vmov s1;
	p1 =	por !p1, !p1;
	v5 =	vbroadcast v5, $0x0;
	v6 =	vbroadcast v6, $0x0  }
0x324: {  	v0 =	vbroadcast v0, $0x0;
	v60 =	vpsel !p0, $0x7F61B1E6, v4;
	vm6 =	vmneg @p1 vm6  }
0x325: {  	[tilespmem:$0x1FF90] =	vst v63;
	vm5 =	vmand vm6, vm5;
	v61 =	vpsel !p0, $0x7F61B1E6, v5;
	v62 =	vpsel !p0, $0x7F61B1E6, v6  }
0x326: {  	v57 =	vmov s8;
	[tilespmem:$0x1FF40] =	vst v1;
	v6 =	vsub.f32 v61, v1;
	v8 =	vsub.f32 v62, v60  }
0x327: {  	v7 =	vadd.f32 $0.0e+00, v57;
	[tilespmem:$0x1FF60] =	vst v60  }
0x328: {  	[tilespmem:$0x1FF50] =	vst v61;
	v1 =	vmul.f32 v8, v6  }
0x329: {  	v7 =	vbroadcast v7, $0x0;
	[tilespmem:$0x1FF70] =	vst v62  }
0x32a: {  	s31 =	simm.s32 $0x6400;
	[tilespmem:$0x1FF80] =	vst v1  }
0x32b: {  	v9 =	vimm.f32 $-3.000000010e+38;
	s10 =	simm.s32 $0x0;
	v8 =	vimm.s32 $0x1400;
	[tilespmem:v0+s31+$0x0] =	vst.idx.msk vm5, v7  }
.LBB2_9:
0x32c: {  	v0 =	vld [tilespmem:s10+$0x0]  }
0x32d: {  	v10 =	vld [tilespmem:s10+$0x2800]  }
0x32e: {  	v11 =	vld [tilespmem:s10+$0x3C00]  }
0x32f: {  	v12 =	vld [tilespmem:s10+$0x1400]  }
0x330: {  	v6 =	vld [tilespmem:$0x1FF50]  }
0x331: {  	v5 =	vld [tilespmem:$0x1FF40]  }
0x332: {  	v4 =	vld [tilespmem:$0x1FF70]  }
0x333: {  	v3 =	vld [tilespmem:$0x1FF60];
	_ =	sdelay $0x3  }
0x334: {  	v2 =	vld [tilespmem:$0x1FF80];
	v13 =	vmin.f32 v10, v6;
	v14 =	vmax.f32 v0, v5;
	v15 =	vmin.f32 v11, v4  }
0x335: {  	v16 =	vmax.f32 v12, v3;
	v0 =	vsub.f32 v10, v0;
	v10 =	vsub.f32 v11, v12  }
0x336: {  	v11 =	vsub.f32 v13, v14;
	v63 =	vsub.f32 v15, v16  }
0x337: {  	v0 =	vmul.f32 v10, v0  }
0x338: {  	v10 =	vmax.f32 v11, $0.0e+00;
	v11 =	vmax.f32 v63, $0.0e+00  }
0x339: {  	v10 =	vmul.f32 v11, v10;
	v0 =	vadd.f32 v0, v2;
	_ =	sdelay $0x1  }
0x33a: {  	v0 =	vsub.f32 v0, v10;
	_ =	sdelay $0x1  }
0x33b: {  	v0 =	vmax.f32 v0, $9.999999710e-10  }
0x33c: {  	(erf) = vrcp.f32 v0;
	_ =	sdelay $0x3  }
0x33d: {  	v23 =	vld [tilespmem:s10+$0x3C10]  }
0x33e: {  	s16 =	sor.u32 $0x10, s10;
	v15 =	vld [tilespmem:s10+$0x1410]  }
0x33f: {  	v11 =	vld [tilespmem:s16+$0x0]  }
0x340: {  	v22 =	vld [tilespmem:s10+$0x2810];
	_ =	sdelay $0x1  }
0x341: {  	v21 =	vpop (erf)  }
0x342: {  	v20 =	vld [tilespmem:s10+$0x5000];
	v28 =	vor.u32 s10, v17;
	v17 =	vmin.f32 v23, v4;
	v10 =	vmul.f32 v21, v10  }
0x343: {  	v26 =	vld [tilespmem:$0x1FF90];
	v18 =	vmax.f32 v15, v3;
	v12 =	vsub.f32 v23, v15;
	v16 =	vmax.f32 v11, v5  }
0x344: {  	s19 =	sor.u32 $0x20, s10;
	v32 =	vld [tilespmem:s10+$0x2820];
	v11 =	vsub.f32 v22, v11;
	vm5 =	vgt.f32 v10, $4.000000060e-01;
	v10 =	vmin.f32 v22, v6  }
0x345: {  	v31 =	vld [tilespmem:s19+$0x0];
	v29 =	vsub.f32 v17, v18;
	v10 =	vsub.f32 v10, v16  }
0x346: {  	v17 =	vld [tilespmem:s10+$0x1420];
	v11 =	vmul.f32 v12, v11  }
0x347: {  	v30 =	vmax.f32 v29, $0.0e+00;
	v16 =	vld [tilespmem:s10+$0x3C20];
	v10 =	vmax.f32 v10, $0.0e+00  }
0x348: {  	v11 =	vadd.f32 v11, v2;
	v10 =	vmul.f32 v30, v10  }
0x349: {  	vm6 =	veq.s32 v28, v26  }
0x34a: {  	vm5 =	vmor vm6, vm5;
	v11 =	vsub.f32 v11, v10  }
0x34b: {  	v18 =	vmax.f32 v31, v5;
	v12 =	vsub.f32 v32, v31;
	v0 =	vsel vm5, $0xF149F2CA, v20  }
0x34c: {  	v20 =	vmax.f32 v17, v3;
	v19 =	vmin.f32 v16, v4;
	v11 =	vmax.f32 v11, $9.999999710e-10  }
0x34d: {  	s17 =	sor.u32 $0x30, s10;
	v33 =	vsub.f32 v16, v17;
	(erf) = vrcp.f32 v11;
	v11 =	vmin.f32 v32, v6  }
0x34e: {  	v1 =	vlaneseq.u32;
	v34 =	vld [tilespmem:s17+$0x0];
	v16 =	vsub.f32 v19, v20;
	v11 =	vsub.f32 v11, v18  }
0x34f: {  	v42 =	vlaneseq.u32;
	v47 =	vlaneseq.u32;
	v53 =	vlaneseq.u32;
	v17 =	vld [tilespmem:s10+$0x2830]  }
0x350: {  	v12 =	vmul.f32 v33, v12;
	v16 =	vmax.f32 v16, $0.0e+00;
	v18 =	vld [tilespmem:s10+$0x1430];
	v11 =	vmax.f32 v11, $0.0e+00  }
0x351: {  	v27 =	vlaneseq.u32;
	v37 =	vor.u32 s16, v1;
	v11 =	vmul.f32 v16, v11;
	v16 =	vld [tilespmem:s10+$0x3C30]  }
0x352: {  	vm6 =	vlt.s32 v28, v8;
	vm5 =	veq.f32 v0, v9;
	v12 =	vadd.f32 v12, v2  }
0x353: {  	v35 =	vmax.f32 v34, v5;
	vm7 =	vgt.f32 v0, v9;
	vm5 =	vmand vm6, vm5  }
0x354: {  	vm5 =	vmor vm7, vm5;
	vm7 =	veq.s32 v37, v26;
	v12 =	vsub.f32 v12, v11  }
0x355: {  	[tilespmem:s10+$0x5000] =	vst v0;
	v0 =	vsel vm5, v0, v9;
	v13 =	vsub.f32 v17, v34;
	v22 =	vmax.f32 v18, v3  }
0x356: {  	v15 =	vld [tilespmem:s10+$0x5010];
	v12 =	vmax.f32 v12, $9.999999710e-10;
	v19 =	vpop (erf);
	v21 =	vmin.f32 v16, v4;
	v16 =	vsub.f32 v16, v18  }
0x357: {  	s8 =	sor.u32 $0x40, s10;
	v38 =	vld [tilespmem:s10+$0x3C40];
	(erf) = vrcp.f32 v12;
	v10 =	vmul.f32 v19, v10;
	v19 =	vmin.f32 v17, v6  }
0x358: {  	s7 =	sor.u32 $0x50, s10;
	v14 =	vsel vm5, v28, v8;
	v17 =	vld [tilespmem:s8+$0x0];
	v18 =	vsub.f32 v21, v22;
	v36 =	vsub.f32 v19, v35  }
0x359: {  	v28 =	vor.u32 s7, v27;
	v19 =	vld [tilespmem:s10+$0x2840];
	vm6 =	vgt.f32 v10, $4.000000060e-01;
	v10 =	vmul.f32 v16, v13  }
0x35a: {  	v16 =	vmax.f32 v18, $0.0e+00;
	v18 =	vld [tilespmem:s10+$0x1440];
	v12 =	vmax.f32 v36, $0.0e+00;
	vm6 =	vmor vm7, vm6  }
0x35b: {  	v12 =	vmul.f32 v16, v12;
	v10 =	vadd.f32 v10, v2;
	v39 =	vsel vm6, $0xF149F2CA, v15  }
0x35c: {  	vm7 =	vlt.s32 v37, v14;
	v16 =	vmin.f32 v38, v4;
	vm5 =	vgt.f32 v39, v0  }
0x35d: {  	vm6 =	veq.f32 v39, v0;
	v15 =	vmax.f32 v17, v5;
	v9 =	vsub.f32 v10, v12  }
0x35e: {  	v7 =	vmovc v3;
	v10 =	vmin.f32 v19, v6;
	v17 =	vsub.f32 v19, v17;
	vm6 =	vmand vm7, vm6  }
0x35f: {  	[tilespmem:$0x1FEB0] =	vst v39;
	v40 =	vmax.f32 v18, v7;
	v13 =	vsub.f32 v38, v18;
	v10 =	vsub.f32 v10, v15  }
0x360: {  	vm5 =	vmor vm5, vm6;
	v9 =	vmax.f32 v9, $9.999999710e-10;
	v15 =	vsub.f32 v16, v40;
	v16 =	vld [tilespmem:s10+$0x5020];
	v18 =	vpop (erf)  }
0x361: {  	v0 =	vsel vm5, v39, v0;
	v40 =	vlaneseq.u32;
	(erf) = vrcp.f32 v9;
	v19 =	vld [tilespmem:s10+$0x1450]  }
0x362: {  	v9 =	vmul.f32 v13, v17;
	v11 =	vmul.f32 v18, v11;
	v17 =	vor.u32 s19, v42;
	v49 =	vld [tilespmem:s10+$0x3C60]  }
0x363: {  	v10 =	vmax.f32 v10, $0.0e+00;
	v41 =	vmax.f32 v15, $0.0e+00;
	v15 =	vld [tilespmem:s7+$0x0];
	vm8 =	veq.s32 v17, v26  }
0x364: {  	s19 =	sor.u32 $0x60, s10;
	v13 =	vmul.f32 v41, v10;
	v9 =	vadd.f32 v9, v2;
	v10 =	vld [tilespmem:s10+$0x2850];
	vm7 =	vgt.f32 v11, $4.000000060e-01  }
0x365: {  	v14 =	vsel vm5, v37, v14;
	v11 =	vld [tilespmem:s10+$0x3C50];
	v41 =	vor.u32 s19, v40;
	vm6 =	vmor vm8, vm7  }
0x366: {  	v55 =	vld [tilespmem:s10+$0x3C70];
	vm7 =	vlt.s32 v17, v14;
	v18 =	vsub.f32 v9, v13;
	v43 =	vsel vm6, $0xF149F2CA, v16  }
0x367: {  	vm15 =	veq.s32 v41, v26;
	vm5 =	vgt.f32 v43, v0;
	vm6 =	veq.f32 v43, v0  }
0x368: {  	v46 =	vmax.f32 v19, v7;
	v51 =	vmin.f32 v49, v4;
	v16 =	vmax.f32 v18, $9.999999710e-10  }
0x369: {  	v18 =	vmax.f32 v15, v5;
	(erf) = vrcp.f32 v16;
	v16 =	vmin.f32 v10, v6  }
0x36a: {  	v30 =	vld [tilespmem:s10+$0x1480];
	v44 =	vmin.f32 v11, v4;
	v10 =	vsub.f32 v10, v15;
	v11 =	vsub.f32 v11, v19  }
0x36b: {  	v24 =	vmin.f32 v55, v4;
	v16 =	vsub.f32 v16, v18;
	v18 =	vsub.f32 v44, v46;
	v45 =	vpop (erf)  }
0x36c: {  	vm6 =	vmand vm7, vm6;
	v15 =	vld [tilespmem:s10+$0x5030];
	v10 =	vmul.f32 v11, v10;
	v12 =	vmul.f32 v45, v12  }
0x36d: {  	v8 =	vmovc v2;
	v19 =	vor.u32 s17, v47;
	v11 =	vmax.f32 v16, $0.0e+00;
	v48 =	vmax.f32 v18, $0.0e+00  }
0x36e: {  	v16 =	vld [tilespmem:s19+$0x0];
	vm7 =	vgt.f32 v12, $4.000000060e-01;
	v12 =	vmul.f32 v48, v11;
	v11 =	vadd.f32 v10, v8  }
0x36f: {  	v35 =	vmax.f32 v30, v7;
	vm5 =	vmor vm5, vm6;
	vm14 =	veq.s32 v19, v26;
	v18 =	vld [tilespmem:s10+$0x2860]  }
0x370: {  	v14 =	vsel vm5, v17, v14;
	vm6 =	vmor vm14, vm7;
	v11 =	vsub.f32 v11, v12  }
0x371: {  	v0 =	vsel vm5, v43, v0;
	vm7 =	vlt.s32 v19, v14;
	v50 =	vsel vm6, $0xF149F2CA, v15  }
0x372: {  	v15 =	vld [tilespmem:s10+$0x1460];
	vm5 =	vgt.f32 v50, v0;
	vm6 =	veq.f32 v50, v0;
	v17 =	vpop (erf);
	v11 =	vmax.f32 v11, $9.999999710e-10  }
0x373: {  	[tilespmem:$0x1FEC0] =	vst v43;
	v43 =	vld [tilespmem:s10+$0x1490];
	vm6 =	vmand vm7, vm6;
	v13 =	vmul.f32 v17, v13;
	(erf) = vrcp.f32 v11  }
0x374: {  	v52 =	vld [tilespmem:s10+$0x5040];
	v11 =	vmin.f32 v18, v6;
	v17 =	vmax.f32 v16, v5;
	v16 =	vsub.f32 v18, v16  }
0x375: {  	vm5 =	vmor vm5, vm6;
	v18 =	vor.u32 s8, v53;
	v11 =	vsub.f32 v11, v17  }
0x376: {  	vm7 =	veq.s32 v18, v26;
	v0 =	vsel vm5, v50, v0;
	v14 =	vsel vm5, v19, v14  }
0x377: {  	v23 =	vmax.f32 v15, v7;
	v15 =	vsub.f32 v49, v15;
	vm6 =	vgt.f32 v13, $4.000000060e-01  }
0x378: {  	[tilespmem:$0x1FED0] =	vst v50;
	v19 =	vld [tilespmem:s10+$0x1470];
	v50 =	vmax.f32 v43, v7;
	v17 =	vsub.f32 v51, v23;
	vm6 =	vmor vm7, vm6  }
0x379: {  	v11 =	vmax.f32 v11, $0.0e+00;
	v54 =	vmul.f32 v15, v16;
	v56 =	vsel vm6, $0xF149F2CA, v52  }
0x37a: {  	s20 =	sor.u32 $0x70, s10;
	v63 =	vld [tilespmem:s10+$0x2880];
	vm6 =	vlt.s32 v18, v14;
	v52 =	vlaneseq.u32;
	v16 =	vmax.f32 v17, $0.0e+00  }
0x37b: {  	v15 =	vld [tilespmem:s20+$0x0];
	vm5 =	veq.f32 v56, v0;
	vm7 =	vgt.f32 v56, v0;
	v53 =	vor.u32 s20, v52  }
0x37c: {  	v10 =	vmovc v26;
	v17 =	vld [tilespmem:s10+$0x2870];
	v16 =	vmul.f32 v16, v11;
	v13 =	vadd.f32 v54, v8;
	vm5 =	vmand vm6, vm5  }
0x37d: {  	v25 =	vmax.f32 v19, v7;
	vm12 =	veq.s32 v53, v10;
	vm5 =	vmor vm7, vm5  }
0x37e: {  	v62 =	vsub.f32 v24, v25;
	vm7 =	veq.s32 v28, v26;
	v13 =	vsub.f32 v13, v16  }
0x37f: {  	v0 =	vsel vm5, v56, v0;
	v14 =	vsel vm5, v18, v14;
	v18 =	vmin.f32 v63, v6;
	v57 =	vpop (erf)  }
0x380: {  	s22 =	sor.u32 $0x80, s10;
	v58 =	vld [tilespmem:s10+$0x5050];
	v60 =	vmax.f32 v15, v5;
	v12 =	vmul.f32 v57, v12;
	v13 =	vmax.f32 v13, $9.999999710e-10  }
0x381: {  	v59 =	vmin.f32 v17, v6;
	v15 =	vsub.f32 v17, v15;
	v17 =	vsub.f32 v55, v19;
	v19 =	vld [tilespmem:s22+$0x0]  }
0x382: {  	v55 =	vld [tilespmem:s10+$0x3CA0];
	(erf) = vrcp.f32 v13;
	v61 =	vsub.f32 v59, v60;
	vm6 =	vgt.f32 v12, $4.000000060e-01  }
0x383: {  	v29 =	vmul.f32 v17, v15;
	v15 =	vld [tilespmem:s10+$0x3C80];
	v17 =	vmax.f32 v62, $0.0e+00;
	v62 =	vlaneseq.u32  }
0x384: {  	v13 =	vmax.f32 v61, $0.0e+00;
	vm6 =	vmor vm7, vm6;
	vm7 =	vlt.s32 v28, v14  }
0x385: {  	v17 =	vmul.f32 v17, v13;
	v31 =	vadd.f32 v29, v8;
	v32 =	vsel vm6, $0xF149F2CA, v58  }
0x386: {  	vm5 =	vgt.f32 v32, v0;
	vm6 =	veq.f32 v32, v0;
	v33 =	vmax.f32 v19, v5  }
0x387: {  	v19 =	vsub.f32 v63, v19;
	v59 =	vmin.f32 v55, v4;
	v13 =	vsub.f32 v31, v17  }
0x388: {  	v18 =	vsub.f32 v18, v33;
	vm6 =	vmand vm7, vm6;
	v33 =	vld [tilespmem:s10+$0x3CB0];
	v34 =	vmin.f32 v15, v4  }
0x389: {  	v15 =	vsub.f32 v15, v30;
	vm5 =	vmor vm5, vm6;
	v36 =	vsub.f32 v34, v35;
	v34 =	vld [tilespmem:s10+$0x14B0]  }
0x38a: {  	s23 =	sor.u32 $0x90, s10;
	v37 =	vld [tilespmem:s10+$0x5060];
	v63 =	vor.u32 s22, v62;
	v13 =	vmax.f32 v13, $9.999999710e-10;
	v0 =	vsel vm5, v32, v0  }
0x38b: {  	v44 =	vsel vm5, v28, v14;
	(erf) = vrcp.f32 v13;
	v39 =	vmul.f32 v15, v19;
	v19 =	vld [tilespmem:s23+$0x0];
	v38 =	vpop (erf)  }
0x38c: {  	[tilespmem:$0x1FEF0] =	vst v32;
	v32 =	vld [tilespmem:s10+$0x28B0];
	v15 =	vmul.f32 v38, v16;
	v16 =	vmax.f32 v18, $0.0e+00;
	v18 =	vmax.f32 v36, $0.0e+00  }
0x38d: {  	v13 =	vadd.f32 v39, v8;
	v28 =	vmin.f32 v33, v4;
	v16 =	vmul.f32 v18, v16;
	v18 =	vld [tilespmem:s10+$0x2890]  }
0x38e: {  	vm7 =	vgt.f32 v15, $4.000000060e-01;
	v15 =	vld [tilespmem:s10+$0x3C90];
	v29 =	vmax.f32 v34, v7;
	v39 =	vsub.f32 v33, v34  }
0x38f: {  	v34 =	vlaneseq.u32;
	vm6 =	vmor vm15, vm7;
	v42 =	vsub.f32 v13, v16  }
0x390: {  	vm7 =	vlt.s32 v41, v44;
	v47 =	vmax.f32 v19, v5;
	v11 =	vsel vm6, $0xF149F2CA, v37  }
0x391: {  	s28 =	sor.u32 $0xC0, s10;
	v37 =	vmin.f32 v32, v6;
	vm5 =	vgt.f32 v11, v0;
	v45 =	vmax.f32 v42, $9.999999710e-10  }
0x392: {  	v40 =	vld [tilespmem:s28+$0x0];
	vm6 =	veq.f32 v11, v0;
	(erf) = vrcp.f32 v45;
	v46 =	vmin.f32 v18, v6  }
0x393: {  	v18 =	vsub.f32 v18, v19;
	vm6 =	vmand vm7, vm6;
	v48 =	vmin.f32 v15, v4  }
0x394: {  	v42 =	vld [tilespmem:s10+$0x28C0];
	v49 =	vpop (erf);
	v15 =	vsub.f32 v15, v43;
	v14 =	vsub.f32 v46, v47;
	vm5 =	vmor vm5, vm6  }
0x395: {  	v54 =	vld [tilespmem:s10+$0x28A0];
	v43 =	vlaneseq.u32;
	v17 =	vmul.f32 v49, v17;
	v51 =	vsub.f32 v48, v50  }
0x396: {  	v19 =	vld [tilespmem:s10+$0x5070];
	v0 =	vsel vm5, v11, v0;
	v20 =	vsel vm5, v41, v44;
	v41 =	vsub.f32 v28, v29  }
0x397: {  	v46 =	vld [tilespmem:s10+$0x14C0];
	v44 =	vor.u32 s23, v43;
	v49 =	vmax.f32 v40, v5;
	v15 =	vmul.f32 v15, v18  }
0x398: {  	s24 =	sor.u32 $0xA0, s10;
	v43 =	vld [tilespmem:s10+$0x14E0];
	v14 =	vmax.f32 v14, $0.0e+00;
	vm7 =	vgt.f32 v17, $4.000000060e-01;
	v17 =	vmax.f32 v51, $0.0e+00  }
0x399: {  	v18 =	vld [tilespmem:s24+$0x0];
	v45 =	vmax.f32 v41, $0.0e+00;
	v48 =	vmin.f32 v42, v6;
	v23 =	vsub.f32 v42, v40  }
0x39a: {  	v17 =	vmul.f32 v17, v14;
	v15 =	vadd.f32 v15, v8;
	vm6 =	vmor vm12, vm7  }
0x39b: {  	[tilespmem:$0x1FEE0] =	vst v56;
	vm7 =	vlt.s32 v53, v20;
	v22 =	vsub.f32 v48, v49;
	v56 =	vsel vm6, $0xF149F2CA, v19  }
0x39c: {  	v19 =	vld [tilespmem:s10+$0x14A0];
	v51 =	vmax.f32 v46, v7;
	v15 =	vsub.f32 v15, v17;
	vm6 =	veq.f32 v56, v0  }
0x39d: {  	vm5 =	vgt.f32 v56, v0;
	v31 =	vmax.f32 v43, v7;
	vm6 =	vmand vm7, vm6  }
0x39e: {  	v58 =	vmax.f32 v18, v5;
	v18 =	vsub.f32 v54, v18;
	vm7 =	veq.s32 v63, v10;
	v57 =	vpop (erf)  }
0x39f: {  	v15 =	vmax.f32 v15, $9.999999710e-10;
	vm5 =	vmor vm5, vm6;
	v16 =	vmul.f32 v57, v16  }
0x3a0: {  	v60 =	vld [tilespmem:s10+$0x5080];
	(erf) = vrcp.f32 v15;
	v15 =	vmin.f32 v54, v6;
	v0 =	vsel vm5, v56, v0  }
0x3a1: {  	s29 =	sor.u32 $0xD0, s10;
	v20 =	vsel vm5, v53, v20;
	v57 =	vlaneseq.u32;
	v27 =	vmax.f32 v19, v7  }
0x3a2: {  	[tilespmem:$0x1FF00] =	vst v56;
	v56 =	vld [tilespmem:s29+$0x0];
	v19 =	vsub.f32 v55, v19;
	v15 =	vsub.f32 v15, v58;
	v58 =	vor.u32 s24, v57  }
0x3a3: {  	s26 =	sor.u32 $0xB0, s10;
	v61 =	vsub.f32 v59, v27;
	vm6 =	vgt.f32 v16, $4.000000060e-01;
	vm13 =	veq.s32 v58, v10  }
0x3a4: {  	v16 =	vmul.f32 v19, v18;
	v18 =	vld [tilespmem:s26+$0x0];
	v15 =	vmax.f32 v15, $0.0e+00;
	vm6 =	vmor vm7, vm6  }
0x3a5: {  	v59 =	vld [tilespmem:s10+$0x28D0];
	v19 =	vmax.f32 v61, $0.0e+00;
	v12 =	vsel vm6, $0xF149F2CA, v60;
	vm6 =	vlt.s32 v63, v20  }
0x3a6: {  	v19 =	vmul.f32 v19, v15;
	v16 =	vadd.f32 v16, v8;
	vm5 =	veq.f32 v12, v0  }
0x3a7: {  	v61 =	vld [tilespmem:s10+$0x14D0];
	vm7 =	vgt.f32 v12, v0;
	v1 =	vmax.f32 v56, v5;
	vm5 =	vmand vm6, vm5  }
0x3a8: {  	v16 =	vsub.f32 v16, v19;
	vm5 =	vmor vm7, vm5;
	vm7 =	veq.s32 v44, v10  }
0x3a9: {  	v38 =	vmax.f32 v18, v5;
	v18 =	vsub.f32 v32, v18;
	v0 =	vsel vm5, v12, v0  }
0x3aa: {  	v36 =	vld [tilespmem:s10+$0x5090];
	v20 =	vsel vm5, v63, v20;
	v63 =	vmin.f32 v59, v6;
	v35 =	vpop (erf);
	v16 =	vmax.f32 v16, $9.999999710e-10  }
0x3ab: {  	s30 =	sor.u32 $0xE0, s10;
	v40 =	vld [tilespmem:s10+$0x28E0];
	v17 =	vmul.f32 v35, v17;
	(erf) = vrcp.f32 v16;
	v16 =	vsub.f32 v37, v38  }
0x3ac: {  	v30 =	vmax.f32 v61, v7;
	v25 =	vsub.f32 v63, v1;
	v35 =	vor.u32 s26, v34;
	v38 =	vld [tilespmem:s30+$0x0]  }
0x3ad: {  	vm6 =	vgt.f32 v17, $4.000000060e-01;
	v17 =	vmul.f32 v39, v18;
	v18 =	vld [tilespmem:s10+$0x3CC0];
	v16 =	vmax.f32 v16, $0.0e+00  }
0x3ae: {  	vm14 =	veq.s32 v35, v10;
	vm6 =	vmor vm7, vm6;
	v21 =	vmul.f32 v45, v16  }
0x3af: {  	vm7 =	vlt.s32 v44, v20;
	v17 =	vadd.f32 v17, v8;
	v47 =	vsel vm6, $0xF149F2CA, v36  }
0x3b0: {  	v41 =	vld [tilespmem:s10+$0x3CE0];
	v45 =	vmin.f32 v40, v6;
	v36 =	vmax.f32 v25, $0.0e+00;
	vm5 =	vgt.f32 v47, v0  }
0x3b1: {  	vm6 =	veq.f32 v47, v0;
	v25 =	vsub.f32 v40, v38;
	v17 =	vsub.f32 v17, v21  }
0x3b2: {  	vm6 =	vmand vm7, vm6;
	v50 =	vmin.f32 v18, v4;
	v18 =	vsub.f32 v18, v46  }
0x3b3: {  	s1 =	sor.u32 $0x100, s10;
	vm5 =	vmor vm5, vm6;
	v46 =	vmax.f32 v38, v5;
	v17 =	vmax.f32 v17, $9.999999710e-10  }
0x3b4: {  	v63 =	vld [tilespmem:s1+$0x0];
	v52 =	vsub.f32 v50, v51;
	v0 =	vsel vm5, v47, v0;
	v20 =	vsel vm5, v44, v20  }
0x3b5: {  	v53 =	vld [tilespmem:s10+$0x50A0];
	[tilespmem:$0x1FF10] =	vst v47;
	v47 =	vmin.f32 v41, v4;
	v50 =	vlaneseq.u32;
	(erf) = vrcp.f32 v17  }
0x3b6: {  	v38 =	vld [tilespmem:s10+$0x2900];
	v54 =	vpop (erf);
	v17 =	vmul.f32 v18, v23;
	v23 =	vsub.f32 v41, v43;
	v49 =	vsub.f32 v47, v31  }
0x3b7: {  	v57 =	vld [tilespmem:s10+$0x14F0];
	v18 =	vmul.f32 v54, v19;
	v19 =	vmax.f32 v22, $0.0e+00;
	v55 =	vmax.f32 v52, $0.0e+00  }
0x3b8: {  	v51 =	vor.u32 s28, v50;
	v19 =	vmul.f32 v55, v19;
	v17 =	vadd.f32 v17, v8;
	v55 =	vld [tilespmem:s10+$0x3CF0]  }
0x3b9: {  	s31 =	sor.u32 $0xF0, s10;
	v47 =	vmax.f32 v63, v5;
	v22 =	vsub.f32 v59, v56;
	vm7 =	vgt.f32 v18, $4.000000060e-01;
	v18 =	vld [tilespmem:s10+$0x3CD0]  }
0x3ba: {  	v52 =	vld [tilespmem:s31+$0x0];
	v24 =	vmax.f32 v49, $0.0e+00;
	vm6 =	vmor vm13, vm7;
	v60 =	vsub.f32 v17, v19  }
0x3bb: {  	v27 =	vsub.f32 v38, v63;
	vm7 =	vlt.s32 v58, v20;
	v13 =	vsel vm6, $0xF149F2CA, v53  }
0x3bc: {  	v53 =	vld [tilespmem:s10+$0x28F0];
	vm5 =	vgt.f32 v13, v0;
	v62 =	vmax.f32 v60, $9.999999710e-10;
	vm6 =	veq.f32 v13, v0  }
0x3bd: {  	(erf) = vrcp.f32 v62;
	vm6 =	vmand vm7, vm6;
	v62 =	vsub.f32 v55, v57  }
0x3be: {  	v2 =	vmin.f32 v18, v4;
	v18 =	vsub.f32 v18, v61;
	vm5 =	vmor vm5, vm6  }
0x3bf: {  	v32 =	vld [tilespmem:s10+$0x50B0];
	v61 =	vmax.f32 v52, v5;
	v3 =	vpop (erf);
	v33 =	vsub.f32 v2, v30;
	v0 =	vsel vm5, v13, v0  }
0x3c0: {  	v20 =	vsel vm5, v58, v20;
	v21 =	vmul.f32 v3, v21;
	v18 =	vmul.f32 v18, v22  }
0x3c1: {  	v60 =	vmin.f32 v53, v6;
	v37 =	vmax.f32 v33, $0.0e+00;
	v33 =	vmax.f32 v57, v7  }
0x3c2: {  	vm7 =	vgt.f32 v21, $4.000000060e-01;
	v21 =	vmul.f32 v37, v36;
	v39 =	vadd.f32 v18, v8  }
0x3c3: {  	v57 =	vlaneseq.u32;
	v36 =	vsub.f32 v60, v61;
	vm6 =	vmor vm14, vm7  }
0x3c4: {  	vm7 =	vlt.s32 v35, v20;
	v42 =	vsel vm6, $0xF149F2CA, v32;
	v22 =	vsub.f32 v39, v21  }
0x3c5: {  	v60 =	vld [tilespmem:s10+$0x3D10];
	v32 =	vmin.f32 v55, v4;
	v39 =	vlaneseq.u32;
	vm5 =	vgt.f32 v42, v0  }
0x3c6: {  	vm6 =	veq.f32 v42, v0;
	v37 =	vsub.f32 v32, v33;
	v40 =	vor.u32 s29, v39  }
0x3c7: {  	v39 =	vlaneseq.u32;
	v44 =	vpop (erf);
	v22 =	vmax.f32 v22, $9.999999710e-10;
	vm6 =	vmand vm7, vm6  }
0x3c8: {  	vm7 =	veq.s32 v51, v10;
	v19 =	vmul.f32 v44, v19;
	(erf) = vrcp.f32 v22  }
0x3c9: {  	v48 =	vld [tilespmem:s10+$0x50C0];
	vm5 =	vmor vm5, vm6;
	v22 =	vsub.f32 v45, v46;
	v43 =	vmax.f32 v37, $0.0e+00  }
0x3ca: {  	v44 =	vld [tilespmem:s10+$0x1500];
	v46 =	vmin.f32 v38, v6;
	v3 =	vmin.f32 v60, v4;
	v0 =	vsel vm5, v42, v0  }
0x3cb: {  	[tilespmem:$0x1FF20] =	vst v42;
	v20 =	vsel vm5, v35, v20;
	v42 =	vld [tilespmem:s10+$0x3D00];
	vm6 =	vgt.f32 v19, $4.000000060e-01;
	v19 =	vmul.f32 v23, v25  }
0x3cc: {  	v26 =	vsub.f32 v46, v47;
	v47 =	vld [tilespmem:s10+$0x1520];
	v22 =	vmax.f32 v22, $0.0e+00;
	v23 =	vsub.f32 v53, v52  }
0x3cd: {  	vm6 =	vmor vm7, vm6;
	v22 =	vmul.f32 v24, v22;
	v54 =	vadd.f32 v19, v8  }
0x3ce: {  	v56 =	vsel vm6, $0xF149F2CA, v48;
	vm6 =	vlt.s32 v51, v20;
	v41 =	vmul.f32 v62, v23  }
0x3cf: {  	v46 =	vld [tilespmem:s10+$0x3D20];
	vm5 =	veq.f32 v56, v0;
	vm7 =	vgt.f32 v56, v0;
	v49 =	vmax.f32 v44, v7  }
0x3d0: {  	v62 =	vld [tilespmem:s10+$0x1510];
	v24 =	vsub.f32 v54, v22;
	vm5 =	vmand vm6, vm5;
	v48 =	vmin.f32 v42, v4  }
0x3d1: {  	v23 =	vsub.f32 v42, v44;
	v54 =	vmax.f32 v26, $0.0e+00;
	v35 =	vmax.f32 v47, v7  }
0x3d2: {  	vm5 =	vmor vm7, vm5;
	vm7 =	veq.s32 v40, v10;
	v50 =	vsub.f32 v48, v49  }
0x3d3: {  	v24 =	vmax.f32 v24, $9.999999710e-10;
	v0 =	vsel vm5, v56, v0;
	v45 =	vsel vm5, v51, v20  }
0x3d4: {  	v53 =	vmul.f32 v23, v27;
	v27 =	vsub.f32 v46, v47;
	(erf) = vrcp.f32 v24  }
0x3d5: {  	s7 =	sor.u32 $0x110, s10;
	v59 =	vld [tilespmem:s10+$0x50D0];
	v58 =	vpop (erf);
	v24 =	vmax.f32 v36, $0.0e+00;
	v55 =	vmax.f32 v50, $0.0e+00;
	v34 =	vmax.f32 v62, v7  }
0x3d6: {  	s19 =	sor.u32 $0x120, s10;
	[tilespmem:$0x1FF30] =	vst v56;
	v56 =	vld [tilespmem:s7+$0x0];
	v21 =	vmul.f32 v58, v21;
	v24 =	vmul.f32 v43, v24;
	v58 =	vor.u32 s30, v57  }
0x3d7: {  	v23 =	vmul.f32 v55, v54;
	v38 =	vsub.f32 v3, v34;
	v43 =	vld [tilespmem:s19+$0x0];
	v54 =	vlaneseq.u32  }
0x3d8: {  	s20 =	sor.u32 $0x130, s10;
	vm15 =	veq.s32 v58, v10;
	vm6 =	vgt.f32 v21, $4.000000060e-01;
	v21 =	vadd.f32 v41, v8  }
0x3d9: {  	v57 =	vld [tilespmem:s20+$0x0];
	v55 =	vor.u32 s1, v54;
	v42 =	vmax.f32 v38, $0.0e+00;
	vm6 =	vmor vm7, vm6  }
0x3da: {  	vm7 =	vlt.s32 v40, v45;
	v20 =	vsel vm6, $0xF149F2CA, v59;
	v21 =	vsub.f32 v21, v24  }
0x3db: {  	v2 =	vmax.f32 v56, v5;
	v59 =	vld [tilespmem:s10+$0x2910];
	vm5 =	vgt.f32 v20, v0;
	vm6 =	veq.f32 v20, v0  }
0x3dc: {  	v50 =	vmax.f32 v43, v5;
	v21 =	vmax.f32 v21, $9.999999710e-10;
	vm6 =	vmand vm7, vm6  }
0x3dd: {  	(erf) = vrcp.f32 v21;
	v21 =	vadd.f32 v53, v8;
	vm5 =	vmor vm5, vm6  }
0x3de: {  	v51 =	vld [tilespmem:s10+$0x50E0];
	v3 =	vmax.f32 v57, v5;
	v52 =	vpop (erf);
	v0 =	vsel vm5, v20, v0;
	v25 =	vsel vm5, v40, v45  }
0x3df: {  	v40 =	vor.u32 s31, v39;
	v45 =	vld [tilespmem:s10+$0x2920];
	v22 =	vmul.f32 v52, v22;
	v61 =	vsub.f32 v21, v23  }
0x3e0: {  	v1 =	vmin.f32 v59, v6;
	v26 =	vsub.f32 v59, v56;
	vm12 =	veq.s32 v40, v10  }
0x3e1: {  	v29 =	vsub.f32 v1, v2;
	vm7 =	vgt.f32 v22, $4.000000060e-01;
	v63 =	vmax.f32 v61, $9.999999710e-10  }
0x3e2: {  	v22 =	vsub.f32 v60, v62;
	v60 =	vld [tilespmem:s10+$0x3D30];
	vm6 =	vmor vm15, vm7;
	vm7 =	vlt.s32 v58, v25  }
0x3e3: {  	v61 =	vld [tilespmem:s10+$0x1530];
	(erf) = vrcp.f32 v63;
	v41 =	vmax.f32 v29, $0.0e+00;
	v19 =	vsel vm6, $0xF149F2CA, v51  }
0x3e4: {  	v22 =	vmul.f32 v22, v26;
	v49 =	vmin.f32 v45, v6;
	v51 =	vmin.f32 v46, v4  }
0x3e5: {  	v29 =	vsub.f32 v45, v43;
	vm6 =	veq.f32 v19, v0;
	v53 =	vsub.f32 v51, v35  }
0x3e6: {  	vm5 =	vgt.f32 v19, v0;
	vm6 =	vmand vm7, vm6;
	v44 =	vadd.f32 v22, v8  }
0x3e7: {  	v37 =	vld [tilespmem:s10+$0x50F0];
	v56 =	vmul.f32 v27, v29;
	v36 =	vpop (erf);
	vm5 =	vmor vm5, vm6;
	v28 =	vmax.f32 v53, $0.0e+00  }
0x3e8: {  	v21 =	vsub.f32 v60, v61;
	v24 =	vmul.f32 v36, v24;
	v0 =	vsel vm5, v19, v0  }
0x3e9: {  	v25 =	vsel vm5, v58, v25;
	v58 =	vld [tilespmem:s10+$0x2930];
	v59 =	vadd.f32 v56, v8;
	v36 =	vmin.f32 v60, v4  }
0x3ea: {  	v60 =	vlaneseq.u32;
	vm7 =	vgt.f32 v24, $4.000000060e-01;
	v24 =	vmul.f32 v42, v41  }
0x3eb: {  	v41 =	vlaneseq.u32;
	vm6 =	vmor vm12, vm7;
	vm7 =	vlt.s32 v40, v25  }
0x3ec: {  	v42 =	vor.u32 s7, v41;
	v17 =	vsel vm6, $0xF149F2CA, v37;
	v26 =	vsub.f32 v44, v24  }
0x3ed: {  	s22 =	sor.u32 $0x140, s10;
	v48 =	vpop (erf);
	v37 =	vmax.f32 v61, v7;
	v61 =	vor.u32 s19, v60;
	vm5 =	vgt.f32 v17, v0  }
0x3ee: {  	v22 =	vld [tilespmem:s22+$0x0];
	vm6 =	veq.f32 v17, v0;
	v23 =	vmul.f32 v48, v23;
	v2 =	vmin.f32 v58, v6  }
0x3ef: {  	v52 =	vld [tilespmem:s10+$0x5100];
	v27 =	vsub.f32 v58, v57;
	v39 =	vsub.f32 v36, v37;
	vm13 =	veq.s32 v61, v10  }
0x3f0: {  	v46 =	vld [tilespmem:s10+$0x1540];
	v26 =	vmax.f32 v26, $9.999999710e-10;
	vm6 =	vmand vm7, vm6;
	vm7 =	veq.s32 v55, v10  }
0x3f1: {  	v44 =	vld [tilespmem:s10+$0x3D40];
	v38 =	vsub.f32 v2, v3;
	(erf) = vrcp.f32 v26;
	vm5 =	vmor vm5, vm6  }
0x3f2: {  	v26 =	vsub.f32 v49, v50;
	vm6 =	vgt.f32 v23, $4.000000060e-01;
	v43 =	vmul.f32 v21, v27  }
0x3f3: {  	v45 =	vmax.f32 v39, $0.0e+00;
	v50 =	vmax.f32 v22, v5;
	vm6 =	vmor vm7, vm6  }
0x3f4: {  	v0 =	vsel vm5, v17, v0;
	v25 =	vsel vm5, v40, v25;
	v26 =	vmax.f32 v26, $0.0e+00  }
0x3f5: {  	v40 =	vld [tilespmem:s10+$0x2940];
	v23 =	vsel vm6, $0xF149F2CA, v52;
	vm6 =	vlt.s32 v55, v25;
	v47 =	vadd.f32 v43, v8  }
0x3f6: {  	v51 =	vmin.f32 v44, v4;
	v52 =	vmax.f32 v46, v7;
	v27 =	vsub.f32 v44, v46  }
0x3f7: {  	v46 =	vlaneseq.u32;
	v26 =	vmul.f32 v28, v26;
	vm5 =	veq.f32 v23, v0  }
0x3f8: {  	s23 =	sor.u32 $0x150, s10;
	vm7 =	vgt.f32 v23, v0;
	v53 =	vsub.f32 v51, v52;
	vm5 =	vmand vm6, vm5  }
0x3f9: {  	v28 =	vsub.f32 v59, v26;
	vm5 =	vmor vm7, vm5;
	vm7 =	veq.s32 v42, v10;
	v59 =	vld [tilespmem:s23+$0x0]  }
0x3fa: {  	v58 =	vmax.f32 v53, $0.0e+00;
	v53 =	vld [tilespmem:s10+$0x3D60];
	v0 =	vsel vm5, v23, v0;
	v49 =	vmin.f32 v40, v6  }
0x3fb: {  	s24 =	sor.u32 $0x160, s10;
	v31 =	vsub.f32 v40, v22;
	v22 =	vld [tilespmem:s10+$0x1550];
	v28 =	vmax.f32 v28, $9.999999710e-10;
	v29 =	vsub.f32 v49, v50  }
0x3fc: {  	v30 =	vsel vm5, v55, v25;
	v50 =	vld [tilespmem:s24+$0x0];
	(erf) = vrcp.f32 v28;
	v28 =	vmax.f32 v38, $0.0e+00  }
0x3fd: {  	v63 =	vld [tilespmem:s10+$0x5110];
	v56 =	vmul.f32 v27, v31;
	v62 =	vpop (erf);
	v28 =	vmul.f32 v45, v28;
	v57 =	vmax.f32 v29, $0.0e+00  }
0x3fe: {  	v52 =	vld [tilespmem:s10+$0x2960];
	v24 =	vmul.f32 v62, v24;
	v27 =	vmul.f32 v58, v57;
	v41 =	vmax.f32 v59, v5  }
0x3ff: {  	v62 =	vld [tilespmem:s10+$0x2950];
	v58 =	vmin.f32 v53, v4;
	v48 =	vsub.f32 v47, v28;
	v47 =	vor.u32 s20, v46  }
0x400: {  	v38 =	vmax.f32 v22, v7;
	vm6 =	vgt.f32 v24, $4.000000060e-01;
	vm14 =	veq.s32 v47, v10  }
0x401: {  	v46 =	vld [tilespmem:s10+$0x3D70];
	v57 =	vmax.f32 v50, v5;
	vm6 =	vmor vm7, vm6;
	v25 =	vmax.f32 v48, $9.999999710e-10  }
0x402: {  	vm7 =	vlt.s32 v42, v30;
	v24 =	vsel vm6, $0xF149F2CA, v63;
	(erf) = vrcp.f32 v25  }
0x403: {  	v25 =	vadd.f32 v56, v8;
	v56 =	vmin.f32 v52, v6;
	vm5 =	vgt.f32 v24, v0  }
0x404: {  	v63 =	vld [tilespmem:s10+$0x3D50];
	vm6 =	veq.f32 v24, v0;
	v40 =	vmin.f32 v62, v6;
	v29 =	vsub.f32 v62, v59  }
0x405: {  	v54 =	vld [tilespmem:s10+$0x5120];
	vm6 =	vmand vm7, vm6;
	v21 =	vsub.f32 v25, v27;
	v33 =	vsub.f32 v40, v41;
	v55 =	vpop (erf)  }
0x406: {  	v40 =	vmin.f32 v46, v4;
	vm5 =	vmor vm5, vm6;
	v26 =	vmul.f32 v55, v26  }
0x407: {  	v0 =	vsel vm5, v24, v0;
	v30 =	vsel vm5, v42, v30;
	v39 =	vmax.f32 v21, $9.999999710e-10  }
0x408: {  	v48 =	vmax.f32 v33, $0.0e+00;
	(erf) = vrcp.f32 v39;
	vm7 =	vgt.f32 v26, $4.000000060e-01  }
0x409: {  	v42 =	vmin.f32 v63, v4;
	v26 =	vsub.f32 v63, v22;
	vm6 =	vmor vm13, vm7  }
0x40a: {  	v33 =	vsub.f32 v52, v50;
	v45 =	vsub.f32 v42, v38;
	v25 =	vsel vm6, $0xF149F2CA, v54  }
0x40b: {  	vm7 =	vlt.s32 v61, v30;
	v26 =	vmul.f32 v26, v29;
	v54 =	vld [tilespmem:s10+$0x1560];
	vm6 =	veq.f32 v25, v0;
	v43 =	vpop (erf)  }
0x40c: {  	s26 =	sor.u32 $0x170, s10;
	v44 =	vld [tilespmem:s10+$0x5130];
	vm5 =	vgt.f32 v25, v0;
	v28 =	vmul.f32 v43, v28;
	vm6 =	vmand vm7, vm6  }
0x40d: {  	v63 =	vld [tilespmem:s26+$0x0];
	v49 =	vmax.f32 v45, $0.0e+00;
	v51 =	vadd.f32 v26, v8;
	vm5 =	vmor vm5, vm6  }
0x40e: {  	vm7 =	vgt.f32 v28, $4.000000060e-01;
	v28 =	vmul.f32 v49, v48;
	v0 =	vsel vm5, v25, v0  }
0x40f: {  	v30 =	vsel vm5, v61, v30;
	v61 =	vlaneseq.u32;
	vm6 =	vmor vm14, vm7  }
0x410: {  	vm7 =	vlt.s32 v47, v30;
	v39 =	vmax.f32 v54, v7;
	v31 =	vsub.f32 v53, v54  }
0x411: {  	v34 =	vor.u32 s22, v61;
	v26 =	vsel vm6, $0xF149F2CA, v44;
	v29 =	vsub.f32 v51, v28  }
0x412: {  	s28 =	sor.u32 $0x180, s10;
	v55 =	vpop (erf);
	v60 =	vsub.f32 v58, v39;
	v51 =	vmax.f32 v63, v5;
	vm5 =	vgt.f32 v26, v0  }
0x413: {  	v53 =	vld [tilespmem:s28+$0x0];
	vm6 =	veq.f32 v26, v0;
	v27 =	vmul.f32 v55, v27;
	v62 =	vmul.f32 v31, v33  }
0x414: {  	v59 =	vld [tilespmem:s10+$0x5140];
	v29 =	vmax.f32 v29, $9.999999710e-10;
	vm6 =	vmand vm7, vm6;
	vm7 =	veq.s32 v34, v10  }
0x415: {  	v44 =	vld [tilespmem:s10+$0x2970];
	v32 =	vmax.f32 v60, $0.0e+00;
	(erf) = vrcp.f32 v29;
	vm5 =	vmor vm5, vm6  }
0x416: {  	v60 =	vld [tilespmem:s10+$0x3D80];
	v29 =	vsub.f32 v56, v57;
	vm6 =	vgt.f32 v27, $4.000000060e-01;
	v45 =	vadd.f32 v62, v8  }
0x417: {  	v56 =	vld [tilespmem:s10+$0x2980];
	v57 =	vlaneseq.u32;
	vm6 =	vmor vm7, vm6;
	v0 =	vsel vm5, v26, v0  }
0x418: {  	v62 =	vld [tilespmem:s10+$0x1580];
	v30 =	vsel vm5, v47, v30;
	v58 =	vor.u32 s23, v57;
	v27 =	vmax.f32 v53, v5  }
0x419: {  	v47 =	vld [tilespmem:s10+$0x1570];
	v29 =	vmax.f32 v29, $0.0e+00;
	v22 =	vsel vm6, $0xF149F2CA, v59;
	vm6 =	vlt.s32 v34, v30  }
0x41a: {  	v50 =	vmin.f32 v44, v6;
	v31 =	vsub.f32 v44, v63;
	v29 =	vmul.f32 v32, v29  }
0x41b: {  	vm5 =	veq.f32 v22, v0;
	vm7 =	vgt.f32 v22, v0;
	v54 =	vsub.f32 v50, v51  }
0x41c: {  	vm5 =	vmand vm6, vm5;
	v44 =	vmin.f32 v60, v4;
	v32 =	vsub.f32 v45, v29  }
0x41d: {  	vm5 =	vmor vm7, vm5;
	vm7 =	veq.s32 v58, v10;
	v21 =	vmin.f32 v56, v6  }
0x41e: {  	s29 =	sor.u32 $0x190, s10;
	v45 =	vmax.f32 v62, v7;
	v35 =	vsub.f32 v56, v53;
	v41 =	vmax.f32 v47, v7  }
0x41f: {  	v51 =	vld [tilespmem:s29+$0x0];
	v52 =	vsub.f32 v46, v47;
	v0 =	vsel vm5, v22, v0;
	v30 =	vsel vm5, v34, v30  }
0x420: {  	v34 =	vsub.f32 v21, v27;
	v46 =	vsub.f32 v44, v45;
	v44 =	vlaneseq.u32  }
0x421: {  	v32 =	vmax.f32 v32, $9.999999710e-10;
	v55 =	vsub.f32 v40, v41;
	v45 =	vor.u32 s26, v44  }
0x422: {  	v56 =	vld [tilespmem:s10+$0x1590];
	(erf) = vrcp.f32 v32;
	v59 =	vmul.f32 v52, v31;
	v32 =	vmax.f32 v54, $0.0e+00  }
0x423: {  	v49 =	vld [tilespmem:s10+$0x5150];
	v31 =	vsub.f32 v60, v62;
	v50 =	vmax.f32 v46, $0.0e+00;
	v52 =	vlaneseq.u32  }
0x424: {  	v54 =	vld [tilespmem:s10+$0x2990];
	v60 =	vmax.f32 v51, v5;
	v48 =	vpop (erf);
	v61 =	vmax.f32 v55, $0.0e+00;
	v53 =	vor.u32 s24, v52  }
0x425: {  	s30 =	sor.u32 $0x1A0, s10;
	v55 =	vld [tilespmem:s10+$0x3D90];
	v28 =	vmul.f32 v48, v28;
	v32 =	vmul.f32 v61, v32;
	v63 =	vadd.f32 v59, v8  }
0x426: {  	v46 =	vld [tilespmem:s30+$0x0];
	vm12 =	veq.s32 v45, v10;
	v31 =	vmul.f32 v31, v35;
	vm15 =	veq.s32 v53, v10  }
0x427: {  	v42 =	vmax.f32 v56, v7;
	vm6 =	vgt.f32 v28, $4.000000060e-01;
	v33 =	vsub.f32 v63, v32  }
0x428: {  	v31 =	vadd.f32 v31, v8;
	vm6 =	vmor vm7, vm6;
	vm7 =	vlt.s32 v58, v30  }
0x429: {  	v59 =	vmin.f32 v54, v6;
	v28 =	vsel vm6, $0xF149F2CA, v49;
	v33 =	vmax.f32 v33, $9.999999710e-10  }
0x42a: {  	v49 =	vmax.f32 v34, $0.0e+00;
	v61 =	vmin.f32 v55, v4;
	v34 =	vsub.f32 v54, v51  }
0x42b: {  	v63 =	vsub.f32 v55, v56;
	v54 =	vmax.f32 v46, v5;
	vm5 =	vgt.f32 v28, v0  }
0x42c: {  	v51 =	vld [tilespmem:s10+$0x15A0];
	vm6 =	veq.f32 v28, v0;
	(erf) = vrcp.f32 v33;
	v33 =	vmul.f32 v50, v49  }
0x42d: {  	v43 =	vsub.f32 v61, v42;
	vm6 =	vmand vm7, vm6;
	v34 =	vmul.f32 v63, v34;
	v48 =	vpop (erf)  }
0x42e: {  	v50 =	vld [tilespmem:s10+$0x3DA0];
	vm5 =	vmor vm5, vm6;
	v31 =	vsub.f32 v31, v33;
	v29 =	vmul.f32 v48, v29  }
0x42f: {  	v47 =	vld [tilespmem:s10+$0x5160];
	v0 =	vsel vm5, v28, v0;
	v57 =	vsel vm5, v58, v30;
	v30 =	vsub.f32 v59, v60  }
0x430: {  	v63 =	vld [tilespmem:s10+$0x3DB0];
	v48 =	vadd.f32 v34, v8;
	v59 =	vlaneseq.u32;
	v58 =	vmax.f32 v31, $9.999999710e-10  }
0x431: {  	v31 =	vmax.f32 v43, $0.0e+00;
	v43 =	vmax.f32 v51, v7;
	v38 =	vor.u32 s28, v59  }
0x432: {  	v59 =	vld [tilespmem:s10+$0x3DC0];
	vm7 =	vgt.f32 v29, $4.000000060e-01;
	(erf) = vrcp.f32 v58;
	v30 =	vmax.f32 v30, $0.0e+00  }
0x433: {  	v55 =	vmin.f32 v50, v4;
	vm6 =	vmor vm15, vm7;
	vm7 =	vlt.s32 v53, v57  }
0x434: {  	v49 =	vld [tilespmem:s10+$0x29A0];
	v58 =	vsub.f32 v55, v43;
	v29 =	vsel vm6, $0xF149F2CA, v47;
	v47 =	vmul.f32 v31, v30  }
0x435: {  	s31 =	sor.u32 $0x1B0, s10;
	v44 =	vmin.f32 v63, v4;
	vm5 =	vgt.f32 v29, v0;
	vm6 =	veq.f32 v29, v0  }
0x436: {  	v60 =	vld [tilespmem:s31+$0x0];
	v61 =	vmax.f32 v58, $0.0e+00;
	v62 =	vpop (erf);
	vm6 =	vmand vm7, vm6;
	v31 =	vsub.f32 v48, v47  }
0x437: {  	v21 =	vld [tilespmem:s10+$0x5170];
	v1 =	vmin.f32 v59, v4;
	v32 =	vmul.f32 v62, v32;
	vm5 =	vmor vm5, vm6  }
0x438: {  	v0 =	vsel vm5, v29, v0;
	v36 =	vsel vm5, v53, v57;
	v31 =	vmax.f32 v31, $9.999999710e-10  }
0x439: {  	v62 =	vld [tilespmem:s10+$0x29B0];
	v53 =	vmin.f32 v49, v6;
	v57 =	vsub.f32 v50, v51;
	vm7 =	vgt.f32 v32, $4.000000060e-01  }
0x43a: {  	(erf) = vrcp.f32 v31;
	v32 =	vsub.f32 v49, v46;
	v31 =	vsub.f32 v53, v54  }
0x43b: {  	v51 =	vmax.f32 v60, v5;
	vm6 =	vmor vm12, vm7;
	vm7 =	vlt.s32 v45, v36  }
0x43c: {  	v30 =	vsel vm6, $0xF149F2CA, v21;
	v32 =	vmul.f32 v57, v32;
	v31 =	vmax.f32 v31, $0.0e+00  }
0x43d: {  	v52 =	vpop (erf);
	v57 =	vlaneseq.u32;
	vm5 =	vgt.f32 v30, v0;
	vm6 =	veq.f32 v30, v0  }
0x43e: {  	v56 =	vld [tilespmem:s10+$0x5180];
	v33 =	vmul.f32 v52, v33;
	v34 =	vmul.f32 v61, v31;
	v50 =	vmin.f32 v62, v6  }
0x43f: {  	s1 =	sor.u32 $0x1C0, s10;
	v21 =	vld [tilespmem:s10+$0x15B0];
	v58 =	vor.u32 s29, v57;
	vm6 =	vmand vm7, vm6;
	vm7 =	veq.s32 v38, v10  }
0x440: {  	v53 =	vld [tilespmem:s1+$0x0];
	v32 =	vadd.f32 v32, v8;
	v54 =	vsub.f32 v50, v51;
	v51 =	vlaneseq.u32  }
0x441: {  	vm5 =	vmor vm5, vm6;
	vm6 =	vgt.f32 v33, $4.000000060e-01;
	v33 =	vsub.f32 v62, v60  }
0x442: {  	v61 =	vld [tilespmem:s10+$0x15C0];
	v40 =	vor.u32 s30, v51;
	vm6 =	vmor vm7, vm6;
	v0 =	vsel vm5, v30, v0  }
0x443: {  	v36 =	vsel vm5, v45, v36;
	v32 =	vsub.f32 v32, v34;
	vm13 =	veq.s32 v40, v10  }
0x444: {  	v31 =	vsel vm6, $0xF149F2CA, v56;
	vm6 =	vlt.s32 v38, v36;
	v45 =	vmax.f32 v21, v7  }
0x445: {  	v52 =	vsub.f32 v63, v21;
	v63 =	vmax.f32 v53, v5;
	vm5 =	veq.f32 v31, v0  }
0x446: {  	vm7 =	vgt.f32 v31, v0;
	v32 =	vmax.f32 v32, $9.999999710e-10;
	v55 =	vsub.f32 v44, v45  }
0x447: {  	v56 =	vld [tilespmem:s10+$0x29C0];
	v2 =	vmax.f32 v61, v7;
	vm5 =	vmand vm6, vm5;
	(erf) = vrcp.f32 v32  }
0x448: {  	v48 =	vpop (erf);
	v33 =	vmul.f32 v52, v33;
	v32 =	vmax.f32 v54, $0.0e+00;
	v3 =	vsub.f32 v1, v2  }
0x449: {  	v49 =	vld [tilespmem:s10+$0x5190];
	vm5 =	vmor vm7, vm5;
	v35 =	vmul.f32 v48, v47;
	v60 =	vmax.f32 v55, $0.0e+00  }
0x44a: {  	v52 =	vld [tilespmem:s10+$0x29D0];
	vm7 =	veq.s32 v58, v10;
	v37 =	vmul.f32 v60, v32;
	v33 =	vadd.f32 v33, v8  }
0x44b: {  	s7 =	sor.u32 $0x1D0, s10;
	v0 =	vsel vm5, v31, v0;
	v36 =	vsel vm5, v38, v36;
	vm6 =	vgt.f32 v35, $4.000000060e-01  }
0x44c: {  	v50 =	vld [tilespmem:s7+$0x0];
	v62 =	vmin.f32 v56, v6;
	v39 =	vsub.f32 v56, v53;
	v35 =	vsub.f32 v59, v61  }
0x44d: {  	vm6 =	vmor vm7, vm6;
	v33 =	vsub.f32 v33, v37;
	v38 =	vsub.f32 v62, v63  }
0x44e: {  	v51 =	vld [tilespmem:s10+$0x15E0];
	vm7 =	vlt.s32 v58, v36;
	v63 =	vlaneseq.u32;
	v32 =	vsel vm6, $0xF149F2CA, v49  }
0x44f: {  	v53 =	vld [tilespmem:s10+$0x3DD0];
	v47 =	vmul.f32 v35, v39;
	v49 =	vmax.f32 v3, $0.0e+00;
	v57 =	vmin.f32 v52, v6  }
0x450: {  	v43 =	vor.u32 s31, v63;
	vm5 =	vgt.f32 v32, v0;
	vm6 =	veq.f32 v32, v0  }
0x451: {  	v55 =	vld [tilespmem:s10+$0x15D0];
	v33 =	vmax.f32 v33, $9.999999710e-10;
	v48 =	vmax.f32 v38, $0.0e+00;
	v38 =	vsub.f32 v52, v50  }
0x452: {  	(erf) = vrcp.f32 v33;
	v35 =	vmul.f32 v49, v48;
	v33 =	vadd.f32 v47, v8  }
0x453: {  	vm14 =	veq.s32 v43, v10;
	vm6 =	vmand vm7, vm6;
	v47 =	vmax.f32 v51, v7  }
0x454: {  	v49 =	vld [tilespmem:s10+$0x29E0];
	vm5 =	vmor vm5, vm6;
	v59 =	vmin.f32 v53, v4;
	v54 =	vsub.f32 v33, v35  }
0x455: {  	v21 =	vld [tilespmem:s10+$0x51A0];
	v46 =	vpop (erf);
	v0 =	vsel vm5, v32, v0;
	v36 =	vsel vm5, v58, v36;
	v58 =	vmax.f32 v50, v5  }
0x456: {  	v50 =	vld [tilespmem:s10+$0x3DE0];
	v34 =	vmul.f32 v46, v34;
	v46 =	vmax.f32 v55, v7;
	v41 =	vsub.f32 v57, v58  }
0x457: {  	v58 =	vlaneseq.u32;
	v56 =	vmax.f32 v54, $9.999999710e-10;
	v62 =	vsub.f32 v59, v46  }
0x458: {  	v42 =	vor.u32 s1, v58;
	vm7 =	vgt.f32 v34, $4.000000060e-01;
	(erf) = vrcp.f32 v56  }
0x459: {  	v58 =	vld [tilespmem:s10+$0x2A00];
	v34 =	vsub.f32 v53, v55;
	v2 =	vmax.f32 v41, $0.0e+00;
	v53 =	vmin.f32 v49, v6  }
0x45a: {  	s20 =	sor.u32 $0x1E0, s10;
	vm6 =	vmor vm13, vm7;
	vm7 =	vlt.s32 v40, v36;
	v3 =	vmax.f32 v62, $0.0e+00  }
0x45b: {  	v33 =	vsel vm6, $0xF149F2CA, v21;
	v34 =	vmul.f32 v34, v38;
	v21 =	vld [tilespmem:s20+$0x0];
	v55 =	vmin.f32 v50, v4  }
0x45c: {  	v39 =	vsub.f32 v50, v51;
	vm5 =	vgt.f32 v33, v0;
	vm6 =	veq.f32 v33, v0  }
0x45d: {  	v61 =	vld [tilespmem:s10+$0x51B0];
	v57 =	vsub.f32 v55, v47;
	v60 =	vpop (erf);
	vm6 =	vmand vm7, vm6;
	v48 =	vadd.f32 v34, v8  }
0x45e: {  	v63 =	vld [tilespmem:s10+$0x3DF0];
	v1 =	vmin.f32 v58, v6;
	v37 =	vmul.f32 v60, v37;
	vm5 =	vmor vm5, vm6  }
0x45f: {  	v0 =	vsel vm5, v33, v0;
	v36 =	vsel vm5, v40, v36;
	v40 =	vmax.f32 v57, $0.0e+00  }
0x460: {  	s22 =	sor.u32 $0x1F0, s10;
	vm7 =	vgt.f32 v37, $4.000000060e-01;
	v37 =	vmul.f32 v3, v2;
	v41 =	vsub.f32 v49, v21  }
0x461: {  	v60 =	vld [tilespmem:s22+$0x0];
	v54 =	vmax.f32 v21, v5;
	vm6 =	vmor vm14, vm7;
	vm7 =	vlt.s32 v43, v36  }
0x462: {  	s23 =	sor.u32 $0x200, s10;
	v2 =	vld [tilespmem:s10+$0x15F0];
	v34 =	vsel vm6, $0xF149F2CA, v61;
	v38 =	vsub.f32 v48, v37;
	v59 =	vmul.f32 v39, v41  }
0x463: {  	v55 =	vld [tilespmem:s23+$0x0];
	v52 =	vpop (erf);
	v48 =	vmin.f32 v63, v4;
	vm5 =	vgt.f32 v34, v0;
	vm6 =	veq.f32 v34, v0  }
0x464: {  	v35 =	vmul.f32 v52, v35;
	v38 =	vmax.f32 v38, $9.999999710e-10;
	vm6 =	vmand vm7, vm6  }
0x465: {  	vm7 =	veq.s32 v42, v10;
	v62 =	vadd.f32 v59, v8;
	v59 =	vlaneseq.u32  }
0x466: {  	v56 =	vld [tilespmem:s10+$0x51C0];
	(erf) = vrcp.f32 v38;
	vm5 =	vmor vm5, vm6;
	v38 =	vsub.f32 v53, v54  }
0x467: {  	v61 =	vld [tilespmem:s10+$0x29F0];
	vm6 =	vgt.f32 v35, $4.000000060e-01;
	v53 =	vmax.f32 v60, v5;
	v49 =	vmax.f32 v2, v7  }
0x468: {  	v54 =	vsub.f32 v63, v2;
	v47 =	vor.u32 s7, v59;
	v2 =	vmax.f32 v55, v5  }
0x469: {  	v59 =	vlaneseq.u32;
	vm6 =	vmor vm7, vm6;
	v0 =	vsel vm5, v34, v0  }
0x46a: {  	v36 =	vsel vm5, v43, v36;
	v57 =	vsub.f32 v48, v49;
	v43 =	vsub.f32 v58, v55  }
0x46b: {  	v44 =	vor.u32 s20, v59;
	v38 =	vmax.f32 v38, $0.0e+00;
	v35 =	vsel vm6, $0xF149F2CA, v56  }
0x46c: {  	v63 =	vld [tilespmem:s10+$0x1600];
	vm6 =	vlt.s32 v42, v36;
	v52 =	vmin.f32 v61, v6;
	v38 =	vmul.f32 v40, v38  }
0x46d: {  	v39 =	vsub.f32 v61, v60;
	v61 =	vld [tilespmem:s10+$0x3E00];
	vm15 =	veq.s32 v44, v10;
	vm5 =	veq.f32 v35, v0  }
0x46e: {  	vm7 =	vgt.f32 v35, v0;
	vm5 =	vmand vm6, vm5;
	v40 =	vsub.f32 v62, v38  }
0x46f: {  	v56 =	vsub.f32 v52, v53;
	v60 =	vmul.f32 v54, v39;
	vm5 =	vmor vm7, vm5  }
0x470: {  	vm7 =	veq.s32 v47, v10;
	v62 =	vmax.f32 v57, $0.0e+00;
	v40 =	vmax.f32 v40, $9.999999710e-10  }
0x471: {  	s24 =	sor.u32 $0x210, s10;
	v21 =	vld [tilespmem:s10+$0x51D0];
	v41 =	vsel vm5, v42, v36;
	v42 =	vsub.f32 v1, v2;
	(erf) = vrcp.f32 v40;
	v3 =	vpop (erf)  }
0x472: {  	v58 =	vld [tilespmem:s24+$0x0];
	v0 =	vsel vm5, v35, v0;
	v39 =	vsub.f32 v61, v63;
	v37 =	vmul.f32 v3, v37  }
0x473: {  	v40 =	vmax.f32 v56, $0.0e+00;
	v56 =	vmax.f32 v42, $0.0e+00;
	v3 =	vmin.f32 v61, v4;
	v61 =	vld [tilespmem:s10+$0x3E10]  }
0x474: {  	v40 =	vmul.f32 v62, v40;
	vm6 =	vgt.f32 v37, $4.000000060e-01;
	v37 =	vadd.f32 v60, v8  }
0x475: {  	v55 =	vmul.f32 v39, v43;
	v60 =	vld [tilespmem:s10+$0x2A10];
	vm6 =	vmor vm7, vm6;
	vm7 =	vlt.s32 v47, v41  }
0x476: {  	v36 =	vsel vm6, $0xF149F2CA, v21;
	v37 =	vsub.f32 v37, v40;
	v21 =	vmax.f32 v63, v7  }
0x477: {  	vm5 =	vgt.f32 v36, v0;
	vm6 =	veq.f32 v36, v0;
	v52 =	vsub.f32 v3, v21  }
0x478: {  	v3 =	vmax.f32 v58, v5;
	v21 =	vmin.f32 v61, v4;
	v37 =	vmax.f32 v37, $9.999999710e-10  }
0x479: {  	v63 =	vld [tilespmem:s10+$0x1610];
	vm6 =	vmand vm7, vm6;
	(erf) = vrcp.f32 v37;
	v57 =	vmax.f32 v52, $0.0e+00  }
0x47a: {  	v54 =	vpop (erf);
	v37 =	vadd.f32 v55, v8;
	vm5 =	vmor vm5, vm6;
	v2 =	vmin.f32 v60, v6  }
0x47b: {  	s26 =	sor.u32 $0x220, s10;
	v53 =	vld [tilespmem:s10+$0x51E0];
	v42 =	vsub.f32 v60, v58;
	v55 =	vlaneseq.u32;
	v38 =	vmul.f32 v54, v38  }
0x47c: {  	v58 =	vld [tilespmem:s26+$0x0];
	v39 =	vmul.f32 v57, v56;
	v0 =	vsel vm5, v36, v0;
	v41 =	vsel vm5, v47, v41  }
0x47d: {  	v60 =	vld [tilespmem:s10+$0x2A20];
	v45 =	vsub.f32 v2, v3;
	v47 =	vor.u32 s22, v55;
	v55 =	vlaneseq.u32  }
0x47e: {  	v50 =	vmax.f32 v63, v7;
	vm12 =	veq.s32 v47, v10;
	v46 =	vor.u32 s23, v55  }
0x47f: {  	vm7 =	vgt.f32 v38, $4.000000060e-01;
	v62 =	vsub.f32 v37, v39;
	v38 =	vsub.f32 v61, v63  }
0x480: {  	v54 =	vsub.f32 v21, v50;
	v56 =	vmax.f32 v45, $0.0e+00;
	v61 =	vld [tilespmem:s10+$0x3E20];
	vm6 =	vmor vm15, vm7  }
0x481: {  	vm7 =	vlt.s32 v44, v41;
	v37 =	vsel vm6, $0xF149F2CA, v53;
	v1 =	vmax.f32 v62, $9.999999710e-10;
	v62 =	vld [tilespmem:s10+$0x1620]  }
0x482: {  	v38 =	vmul.f32 v38, v42;
	v57 =	vmax.f32 v54, $0.0e+00;
	v45 =	vsub.f32 v60, v58  }
0x483: {  	vm6 =	veq.f32 v37, v0;
	(erf) = vrcp.f32 v1;
	v1 =	vmin.f32 v60, v6;
	v60 =	vld [tilespmem:s10+$0x3E30]  }
0x484: {  	v2 =	vmax.f32 v58, v5;
	vm5 =	vgt.f32 v37, v0;
	vm6 =	vmand vm7, vm6  }
0x485: {  	v53 =	vld [tilespmem:s10+$0x51F0];
	v59 =	vadd.f32 v38, v8;
	vm5 =	vmor vm5, vm6;
	v3 =	vmin.f32 v61, v4;
	v52 =	vpop (erf)  }
0x486: {  	v0 =	vsel vm5, v37, v0;
	v40 =	vmul.f32 v52, v40;
	v51 =	vmax.f32 v62, v7  }
0x487: {  	v41 =	vsel vm5, v44, v41;
	v43 =	vsub.f32 v61, v62;
	v61 =	vld [tilespmem:s10+$0x1630];
	v54 =	vsub.f32 v3, v51  }
0x488: {  	v52 =	vmin.f32 v60, v4;
	vm7 =	vgt.f32 v40, $4.000000060e-01;
	v40 =	vmul.f32 v57, v56  }
0x489: {  	s28 =	sor.u32 $0x230, s10;
	v58 =	vld [tilespmem:s10+$0x2A30];
	v56 =	vmul.f32 v43, v45;
	vm6 =	vmor vm12, vm7;
	vm7 =	vlt.s32 v47, v41  }
0x48a: {  	v57 =	vld [tilespmem:s28+$0x0];
	v44 =	vmax.f32 v54, $0.0e+00;
	v38 =	vsel vm6, $0xF149F2CA, v53;
	v42 =	vsub.f32 v59, v40  }
0x48b: {  	v59 =	vadd.f32 v56, v8;
	vm5 =	vgt.f32 v38, v0;
	vm6 =	veq.f32 v38, v0  }
0x48c: {  	v63 =	vpop (erf);
	v53 =	vmax.f32 v61, v7;
	v42 =	vmax.f32 v42, $9.999999710e-10;
	vm6 =	vmand vm7, vm6  }
0x48d: {  	v39 =	vmul.f32 v63, v39;
	vm7 =	veq.s32 v46, v10;
	v55 =	vsub.f32 v52, v53  }
0x48e: {  	v56 =	vld [tilespmem:s10+$0x2A40];
	(erf) = vrcp.f32 v42;
	vm5 =	vmor vm5, vm6;
	v42 =	vsub.f32 v1, v2  }
0x48f: {  	v21 =	vld [tilespmem:s10+$0x5200];
	v2 =	vmin.f32 v58, v6;
	v3 =	vmax.f32 v57, v5;
	v43 =	vsub.f32 v58, v57  }
0x490: {  	v57 =	vlaneseq.u32;
	vm6 =	vgt.f32 v39, $4.000000060e-01;
	v0 =	vsel vm5, v38, v0  }
0x491: {  	v41 =	vsel vm5, v47, v41;
	v54 =	vsub.f32 v2, v3;
	v51 =	vor.u32 s24, v57  }
0x492: {  	s29 =	sor.u32 $0x240, s10;
	v57 =	vlaneseq.u32;
	v42 =	vmax.f32 v42, $0.0e+00;
	vm6 =	vmor vm7, vm6  }
0x493: {  	v47 =	vld [tilespmem:s29+$0x0];
	v1 =	vmin.f32 v56, v6;
	v48 =	vor.u32 s26, v57;
	v57 =	vlaneseq.u32  }
0x494: {  	v42 =	vmul.f32 v44, v42;
	v39 =	vsel vm6, $0xF149F2CA, v21;
	vm6 =	vlt.s32 v46, v41  }
0x495: {  	v21 =	vsub.f32 v60, v61;
	v60 =	vmax.f32 v55, $0.0e+00;
	v61 =	vld [tilespmem:s10+$0x1640];
	vm5 =	veq.f32 v39, v0  }
0x496: {  	vm7 =	vgt.f32 v39, v0;
	v44 =	vsub.f32 v59, v42;
	vm5 =	vmand vm6, vm5;
	v59 =	vld [tilespmem:s10+$0x3E40]  }
0x497: {  	vm13 =	veq.s32 v48, v10;
	v58 =	vmul.f32 v21, v43;
	vm5 =	vmor vm7, vm5  }
0x498: {  	vm7 =	veq.s32 v51, v10;
	v2 =	vmax.f32 v47, v5;
	v44 =	vmax.f32 v44, $9.999999710e-10  }
0x499: {  	v63 =	vld [tilespmem:s10+$0x5210];
	v47 =	vsub.f32 v56, v47;
	v0 =	vsel vm5, v39, v0;
	(erf) = vrcp.f32 v44;
	v62 =	vpop (erf)  }
0x49a: {  	v44 =	vmax.f32 v54, $0.0e+00;
	v21 =	vmax.f32 v61, v7;
	v40 =	vmul.f32 v62, v40  }
0x49b: {  	s30 =	sor.u32 $0x250, s10;
	v44 =	vmul.f32 v60, v44;
	v62 =	vadd.f32 v58, v8;
	v3 =	vmin.f32 v59, v4  }
0x49c: {  	v43 =	vsub.f32 v59, v61;
	v55 =	vsub.f32 v3, v21;
	v21 =	vld [tilespmem:s30+$0x0];
	vm6 =	vgt.f32 v40, $4.000000060e-01  }
0x49d: {  	v46 =	vsel vm5, v46, v41;
	v45 =	vsub.f32 v1, v2;
	v58 =	vld [tilespmem:s10+$0x2A50];
	vm6 =	vmor vm7, vm6  }
0x49e: {  	v59 =	vld [tilespmem:s10+$0x3E50];
	v61 =	vmul.f32 v43, v47;
	v40 =	vsel vm6, $0xF149F2CA, v63;
	v63 =	vsub.f32 v62, v44  }
0x49f: {  	vm7 =	vlt.s32 v51, v46;
	v62 =	vmax.f32 v45, $0.0e+00;
	vm5 =	vgt.f32 v40, v0  }
0x4a0: {  	vm6 =	veq.f32 v40, v0;
	v41 =	vmax.f32 v63, $9.999999710e-10;
	v63 =	vmax.f32 v55, $0.0e+00  }
0x4a1: {  	v56 =	vld [tilespmem:s10+$0x5220];
	vm6 =	vmand vm7, vm6;
	v1 =	vmax.f32 v21, v5;
	(erf) = vrcp.f32 v41  }
0x4a2: {  	v43 =	vmul.f32 v63, v62;
	v41 =	vadd.f32 v61, v8;
	v61 =	vld [tilespmem:s10+$0x1650];
	v63 =	vmin.f32 v58, v6  }
0x4a3: {  	v2 =	vmin.f32 v59, v4;
	v60 =	vpop (erf);
	vm5 =	vmor vm5, vm6;
	v49 =	vsub.f32 v63, v1;
	v63 =	vld [tilespmem:s10+$0x3E60]  }
0x4a4: {  	v45 =	vsub.f32 v58, v21;
	v42 =	vmul.f32 v60, v42;
	v0 =	vsel vm5, v40, v0;
	v1 =	vld [tilespmem:s10+$0x1660]  }
0x4a5: {  	v46 =	vsel vm5, v51, v46;
	v51 =	vor.u32 s28, v57;
	v60 =	vsub.f32 v41, v43  }
0x4a6: {  	s31 =	sor.u32 $0x260, s10;
	vm14 =	veq.s32 v51, v10;
	vm7 =	vgt.f32 v42, $4.000000060e-01;
	v58 =	vmax.f32 v49, $0.0e+00  }
0x4a7: {  	vm6 =	vmor vm13, vm7;
	v62 =	vmax.f32 v60, $9.999999710e-10;
	vm7 =	vlt.s32 v48, v46;
	v60 =	vld [tilespmem:s31+$0x0]  }
0x4a8: {  	v41 =	vsel vm6, $0xF149F2CA, v56;
	(erf) = vrcp.f32 v62;
	v42 =	vsub.f32 v59, v61;
	v62 =	vld [tilespmem:s10+$0x2A60]  }
0x4a9: {  	v54 =	vmax.f32 v61, v7;
	v57 =	vmin.f32 v63, v4;
	v47 =	vsub.f32 v63, v1;
	v63 =	vld [tilespmem:s10+$0x3E70]  }
0x4aa: {  	vm6 =	veq.f32 v41, v0;
	v56 =	vsub.f32 v2, v54;
	v54 =	vld [tilespmem:s10+$0x2A80];
	v42 =	vmul.f32 v42, v45  }
0x4ab: {  	vm5 =	vgt.f32 v41, v0;
	v55 =	vmax.f32 v1, v7;
	vm6 =	vmand vm7, vm6  }
0x4ac: {  	v21 =	vld [tilespmem:s10+$0x5230];
	v59 =	vmax.f32 v56, $0.0e+00;
	vm5 =	vmor vm5, vm6;
	v3 =	vpop (erf);
	v61 =	vadd.f32 v42, v8  }
0x4ad: {  	v0 =	vsel vm5, v41, v0;
	v46 =	vsel vm5, v48, v46;
	v44 =	vmul.f32 v3, v44  }
0x4ae: {  	v3 =	vmin.f32 v62, v6;
	v49 =	vsub.f32 v62, v60;
	v56 =	vmin.f32 v63, v4  }
0x4af: {  	v1 =	vmin.f32 v54, v6;
	vm7 =	vgt.f32 v44, $4.000000060e-01;
	v44 =	vmul.f32 v59, v58  }
0x4b0: {  	v59 =	vsub.f32 v57, v55;
	vm6 =	vmor vm14, vm7;
	vm7 =	vlt.s32 v51, v46  }
0x4b1: {  	v42 =	vsel vm6, $0xF149F2CA, v21;
	v45 =	vsub.f32 v61, v44;
	v21 =	vmax.f32 v60, v5  }
0x4b2: {  	v2 =	vpop (erf);
	v60 =	vlaneseq.u32;
	v61 =	vmul.f32 v47, v49;
	v48 =	vmax.f32 v59, $0.0e+00  }
0x4b3: {  	v58 =	vld [tilespmem:s10+$0x5240];
	vm5 =	vgt.f32 v42, v0;
	vm6 =	veq.f32 v42, v0;
	v43 =	vmul.f32 v2, v43  }
0x4b4: {  	v49 =	vld [tilespmem:s10+$0x2A70];
	v50 =	vor.u32 s29, v60;
	v45 =	vmax.f32 v45, $9.999999710e-10;
	vm6 =	vmand vm7, vm6  }
0x4b5: {  	s1 =	sor.u32 $0x270, s10;
	vm7 =	veq.s32 v50, v10;
	v62 =	vadd.f32 v61, v8;
	(erf) = vrcp.f32 v45  }
0x4b6: {  	v47 =	vld [tilespmem:s1+$0x0];
	vm5 =	vmor vm5, vm6;
	v45 =	vsub.f32 v3, v21;
	vm6 =	vgt.f32 v43, $4.000000060e-01  }
0x4b7: {  	v21 =	vld [tilespmem:s10+$0x1670];
	vm6 =	vmor vm7, vm6;
	v0 =	vsel vm5, v42, v0;
	v46 =	vsel vm5, v51, v46  }
0x4b8: {  	v45 =	vmax.f32 v45, $0.0e+00;
	v43 =	vsel vm6, $0xF149F2CA, v58;
	vm6 =	vlt.s32 v50, v46  }
0x4b9: {  	s7 =	sor.u32 $0x280, s10;
	v61 =	vmin.f32 v49, v6;
	v45 =	vmul.f32 v48, v45;
	vm5 =	veq.f32 v43, v0  }
0x4ba: {  	v51 =	vld [tilespmem:s7+$0x0];
	v58 =	vlaneseq.u32;
	vm7 =	vgt.f32 v43, v0;
	vm5 =	vmand vm6, vm5  }
0x4bb: {  	v55 =	vor.u32 s30, v58;
	v48 =	vsub.f32 v62, v45;
	vm5 =	vmor vm7, vm5  }
0x4bc: {  	v62 =	vmax.f32 v47, v5;
	v57 =	vmax.f32 v21, v7;
	v47 =	vsub.f32 v49, v47  }
0x4bd: {  	v63 =	vsub.f32 v63, v21;
	vm7 =	veq.s32 v55, v10;
	v21 =	vsub.f32 v61, v62  }
0x4be: {  	v57 =	vsub.f32 v56, v57;
	v46 =	vsel vm5, v50, v46;
	v48 =	vmax.f32 v48, $9.999999710e-10  }
0x4bf: {  	v62 =	vld [tilespmem:s10+$0x1680];
	v2 =	vmax.f32 v51, v5;
	v59 =	vmul.f32 v63, v47;
	(erf) = vrcp.f32 v48  }
0x4c0: {  	v53 =	vld [tilespmem:s10+$0x5250];
	v50 =	vsub.f32 v1, v2;
	v48 =	vmax.f32 v21, $0.0e+00;
	v61 =	vmax.f32 v57, $0.0e+00;
	v60 =	vpop (erf)  }
0x4c1: {  	v48 =	vmul.f32 v61, v48;
	v63 =	vadd.f32 v59, v8;
	v44 =	vmul.f32 v60, v44;
	v60 =	vld [tilespmem:s10+$0x3E80]  }
0x4c2: {  	v0 =	vsel vm5, v43, v0;
	v51 =	vsub.f32 v54, v51;
	v61 =	vmax.f32 v50, $0.0e+00  }
0x4c3: {  	v49 =	vsub.f32 v63, v48;
	v63 =	vlaneseq.u32;
	vm6 =	vgt.f32 v44, $4.000000060e-01  }
0x4c4: {  	v50 =	vld [tilespmem:s10+$0x2A90];
	v21 =	vmax.f32 v62, v7;
	v52 =	vor.u32 s31, v63;
	vm6 =	vmor vm7, vm6  }
0x4c5: {  	v49 =	vmax.f32 v49, $9.999999710e-10;
	vm7 =	vlt.s32 v55, v46;
	vm15 =	veq.s32 v52, v10  }
0x4c6: {  	v63 =	vld [tilespmem:s10+$0x1690];
	v44 =	vsel vm6, $0xF149F2CA, v53;
	v3 =	vmin.f32 v60, v4;
	v47 =	vsub.f32 v60, v62  }
0x4c7: {  	v53 =	vld [tilespmem:s10+$0x5260];
	(erf) = vrcp.f32 v49;
	vm6 =	veq.f32 v44, v0;
	v59 =	vsub.f32 v3, v21  }
0x4c8: {  	s20 =	sor.u32 $0x290, s10;
	vm5 =	vgt.f32 v44, v0;
	vm6 =	vmand vm7, vm6;
	v21 =	vld [tilespmem:s10+$0x3E90];
	v60 =	vpop (erf);
	v47 =	vmul.f32 v47, v51  }
0x4c9: {  	v3 =	vmin.f32 v50, v6;
	v51 =	vld [tilespmem:s20+$0x0];
	v45 =	vmul.f32 v60, v45;
	v62 =	vmax.f32 v59, $0.0e+00  }
0x4ca: {  	vm5 =	vmor vm5, vm6;
	v49 =	vmul.f32 v62, v61;
	v47 =	vadd.f32 v47, v8  }
0x4cb: {  	v58 =	vmax.f32 v63, v7;
	v0 =	vsel vm5, v44, v0;
	vm7 =	vgt.f32 v45, $4.000000060e-01  }
0x4cc: {  	v59 =	vlaneseq.u32;
	vm6 =	vmor vm15, vm7;
	v47 =	vsub.f32 v47, v49  }
0x4cd: {  	v61 =	vmin.f32 v21, v4;
	v63 =	vsub.f32 v21, v63;
	v45 =	vsel vm6, $0xF149F2CA, v53  }
0x4ce: {  	v53 =	vsel vm5, v55, v46;
	v60 =	vmax.f32 v51, v5;
	v50 =	vsub.f32 v50, v51  }
0x4cf: {  	v58 =	vsub.f32 v61, v58;
	v55 =	vor.u32 s1, v59;
	vm5 =	vgt.f32 v45, v0  }
0x4d0: {  	v21 =	vld [tilespmem:s10+$0x5270];
	v2 =	vmax.f32 v47, $9.999999710e-10;
	vm6 =	veq.f32 v45, v0;
	vm7 =	vlt.s32 v52, v53  }
0x4d1: {  	v61 =	vld [tilespmem:s10+$0x2AA0];
	v62 =	vpop (erf);
	v46 =	vsub.f32 v3, v60;
	vm12 =	veq.s32 v55, v10;
	(erf) = vrcp.f32 v2  }
0x4d2: {  	v48 =	vmul.f32 v62, v48;
	vm6 =	vmand vm7, vm6;
	v50 =	vmul.f32 v63, v50;
	v62 =	vld [tilespmem:s10+$0x3EA0]  }
0x4d3: {  	s22 =	sor.u32 $0x2A0, s10;
	v47 =	vmax.f32 v58, $0.0e+00;
	v63 =	vld [tilespmem:s10+$0x16A0];
	v46 =	vmax.f32 v46, $0.0e+00;
	vm5 =	vmor vm5, vm6  }
0x4d4: {  	vm7 =	vgt.f32 v48, $4.000000060e-01;
	v48 =	vld [tilespmem:s22+$0x0];
	v51 =	vmul.f32 v47, v46;
	v60 =	vadd.f32 v50, v8  }
0x4d5: {  	v0 =	vsel vm5, v45, v0;
	v52 =	vsel vm5, v52, v53;
	vm6 =	vmor vm12, vm7  }
0x4d6: {  	vm7 =	vlt.s32 v55, v52;
	v46 =	vsel vm6, $0xF149F2CA, v21;
	v47 =	vsub.f32 v60, v51  }
0x4d7: {  	v2 =	vmin.f32 v61, v6;
	vm5 =	vgt.f32 v46, v0;
	vm6 =	veq.f32 v46, v0  }
0x4d8: {  	v53 =	vld [tilespmem:s10+$0x2AB0];
	v21 =	vmin.f32 v62, v4;
	v59 =	vmax.f32 v63, v7;
	v47 =	vmax.f32 v47, $9.999999710e-10  }
0x4d9: {  	vm6 =	vmand vm7, vm6;
	(erf) = vrcp.f32 v47;
	v3 =	vmax.f32 v48, v5  }
0x4da: {  	v48 =	vsub.f32 v61, v48;
	v61 =	vsub.f32 v62, v63;
	vm5 =	vmor vm5, vm6  }
0x4db: {  	v56 =	vld [tilespmem:s10+$0x3EB0];
	v62 =	vsub.f32 v21, v59;
	v63 =	vlaneseq.u32;
	v47 =	vsub.f32 v2, v3  }
0x4dc: {  	v21 =	vld [tilespmem:s10+$0x16B0];
	v54 =	vor.u32 s7, v63;
	v0 =	vsel vm5, v46, v0;
	v52 =	vsel vm5, v55, v52  }
0x4dd: {  	v60 =	vld [tilespmem:s10+$0x5280];
	v2 =	vmin.f32 v53, v6;
	v63 =	vlaneseq.u32;
	v1 =	vpop (erf);
	v48 =	vmul.f32 v61, v48  }
0x4de: {  	v3 =	vmax.f32 v62, $0.0e+00;
	v49 =	vmul.f32 v1, v49;
	v47 =	vmax.f32 v47, $0.0e+00  }
0x4df: {  	s23 =	sor.u32 $0x2B0, s10;
	vm7 =	veq.s32 v54, v10;
	v50 =	vmul.f32 v3, v47;
	v48 =	vadd.f32 v48, v8  }
0x4e0: {  	v59 =	vor.u32 s20, v63;
	v63 =	vlaneseq.u32;
	vm6 =	vgt.f32 v49, $4.000000060e-01;
	v49 =	vld [tilespmem:s23+$0x0]  }
0x4e1: {  	v61 =	vmax.f32 v21, v7;
	vm6 =	vmor vm7, vm6;
	v48 =	vsub.f32 v48, v50  }
0x4e2: {  	v47 =	vsel vm6, $0xF149F2CA, v60;
	vm6 =	vlt.s32 v54, v52;
	v60 =	vmin.f32 v56, v4  }
0x4e3: {  	vm5 =	veq.f32 v47, v0;
	vm7 =	vgt.f32 v47, v0;
	v48 =	vmax.f32 v48, $9.999999710e-10  }
0x4e4: {  	s24 =	sor.u32 $0x2C0, s10;
	v58 =	vld [tilespmem:s10+$0x2AC0];
	v62 =	vsub.f32 v60, v61;
	vm5 =	vmand vm6, vm5;
	v1 =	vpop (erf);
	(erf) = vrcp.f32 v48  }
0x4e5: {  	v55 =	vld [tilespmem:s24+$0x0];
	vm5 =	vmor vm7, vm5;
	v51 =	vmul.f32 v1, v51;
	v3 =	vmax.f32 v49, v5  }
0x4e6: {  	v57 =	vld [tilespmem:s10+$0x5290];
	v49 =	vsub.f32 v53, v49;
	v53 =	vsub.f32 v56, v21;
	vm7 =	veq.s32 v59, v10  }
0x4e7: {  	v21 =	vsub.f32 v2, v3;
	v2 =	vmax.f32 v62, $0.0e+00;
	v0 =	vsel vm5, v47, v0  }
0x4e8: {  	v56 =	vld [tilespmem:s10+$0x16C0];
	v52 =	vsel vm5, v54, v52;
	vm6 =	vgt.f32 v51, $4.000000060e-01;
	v49 =	vmul.f32 v53, v49  }
0x4e9: {  	v3 =	vmin.f32 v58, v6;
	v51 =	vld [tilespmem:s10+$0x3EC0];
	v48 =	vmax.f32 v21, $0.0e+00;
	vm6 =	vmor vm7, vm6  }
0x4ea: {  	v21 =	vmax.f32 v55, v5;
	v53 =	vmul.f32 v2, v48;
	v49 =	vadd.f32 v49, v8  }
0x4eb: {  	v55 =	vsub.f32 v58, v55;
	v48 =	vsel vm6, $0xF149F2CA, v57;
	v54 =	vsub.f32 v3, v21  }
0x4ec: {  	vm7 =	vlt.s32 v59, v52;
	vm5 =	vgt.f32 v48, v0;
	v49 =	vsub.f32 v49, v53  }
0x4ed: {  	vm6 =	veq.f32 v48, v0;
	v2 =	vmax.f32 v56, v7;
	v61 =	vmax.f32 v54, $0.0e+00  }
0x4ee: {  	v1 =	vmin.f32 v51, v4;
	v51 =	vsub.f32 v51, v56;
	v49 =	vmax.f32 v49, $9.999999710e-10  }
0x4ef: {  	v57 =	vld [tilespmem:s10+$0x52A0];
	vm6 =	vmand vm7, vm6;
	v3 =	vsub.f32 v1, v2;
	v21 =	vpop (erf);
	(erf) = vrcp.f32 v49  }
0x4f0: {  	s26 =	sor.u32 $0x2D0, s10;
	v54 =	vld [tilespmem:s10+$0x2AD0];
	v56 =	vor.u32 s22, v63;
	v60 =	vmul.f32 v51, v55;
	v50 =	vmul.f32 v21, v50  }
0x4f1: {  	vm5 =	vmor vm5, vm6;
	vm13 =	veq.s32 v56, v10;
	v55 =	vld [tilespmem:s26+$0x0];
	v62 =	vmax.f32 v3, $0.0e+00  }
0x4f2: {  	v51 =	vmul.f32 v62, v61;
	v49 =	vadd.f32 v60, v8;
	vm7 =	vgt.f32 v50, $4.000000060e-01;
	v50 =	vld [tilespmem:s10+$0x3ED0]  }
0x4f3: {  	v0 =	vsel vm5, v48, v0;
	v60 =	vld [tilespmem:s10+$0x16D0];
	vm6 =	vmor vm13, vm7  }
0x4f4: {  	v52 =	vsel vm5, v59, v52;
	v21 =	vsub.f32 v49, v51;
	v49 =	vsel vm6, $0xF149F2CA, v57  }
0x4f5: {  	v1 =	vmin.f32 v54, v6;
	vm7 =	vlt.s32 v56, v52;
	vm5 =	vgt.f32 v49, v0  }
0x4f6: {  	vm6 =	veq.f32 v49, v0;
	v2 =	vmax.f32 v55, v5;
	v54 =	vsub.f32 v54, v55  }
0x4f7: {  	v63 =	vmax.f32 v21, $9.999999710e-10;
	v57 =	vsub.f32 v1, v2;
	vm6 =	vmand vm7, vm6  }
0x4f8: {  	v58 =	vld [tilespmem:s10+$0x2AE0];
	(erf) = vrcp.f32 v63;
	v3 =	vmin.f32 v50, v4;
	v62 =	vmax.f32 v60, v7  }
0x4f9: {  	s28 =	sor.u32 $0x2E0, s10;
	v55 =	vld [tilespmem:s10+$0x52B0];
	v50 =	vsub.f32 v50, v60;
	v63 =	vlaneseq.u32;
	vm5 =	vmor vm5, vm6;
	v21 =	vpop (erf)  }
0x4fa: {  	v62 =	vsub.f32 v3, v62;
	v2 =	vmax.f32 v57, $0.0e+00;
	v57 =	vld [tilespmem:s28+$0x0];
	v53 =	vmul.f32 v21, v53  }
0x4fb: {  	v60 =	vld [tilespmem:s10+$0x3EE0];
	v59 =	vor.u32 s23, v63;
	v0 =	vsel vm5, v49, v0;
	v50 =	vmul.f32 v50, v54  }
0x4fc: {  	vm14 =	veq.s32 v59, v10;
	v3 =	vmax.f32 v62, $0.0e+00;
	vm7 =	vgt.f32 v53, $4.000000060e-01  }
0x4fd: {  	v21 =	vadd.f32 v50, v8;
	v53 =	vmul.f32 v3, v2;
	vm6 =	vmor vm14, vm7  }
0x4fe: {  	v52 =	vsel vm5, v56, v52;
	v2 =	vmin.f32 v58, v6;
	v50 =	vsel vm6, $0xF149F2CA, v55;
	v55 =	vld [tilespmem:s10+$0x16E0]  }
0x4ff: {  	vm7 =	vlt.s32 v59, v52;
	v3 =	vmax.f32 v57, v5;
	v54 =	vsub.f32 v21, v53  }
0x500: {  	v57 =	vsub.f32 v58, v57;
	v21 =	vmin.f32 v60, v4;
	vm6 =	veq.f32 v50, v0  }
0x501: {  	vm5 =	vgt.f32 v50, v0;
	v1 =	vpop (erf);
	v54 =	vmax.f32 v54, $9.999999710e-10;
	vm6 =	vmand vm7, vm6  }
0x502: {  	v62 =	vld [tilespmem:s10+$0x52C0];
	v51 =	vmul.f32 v1, v51;
	(erf) = vrcp.f32 v54;
	vm5 =	vmor vm5, vm6  }
0x503: {  	v52 =	vsel vm5, v59, v52;
	v59 =	vld [tilespmem:s10+$0x16F0];
	v63 =	vmax.f32 v55, v7;
	v55 =	vsub.f32 v60, v55  }
0x504: {  	s29 =	sor.u32 $0x2F0, s10;
	v54 =	vsub.f32 v2, v3;
	v60 =	vld [tilespmem:s10+$0x3EF0];
	v61 =	vsub.f32 v21, v63;
	v63 =	vlaneseq.u32  }
0x505: {  	vm6 =	vgt.f32 v51, $4.000000060e-01;
	v58 =	vor.u32 s24, v63;
	v3 =	vmul.f32 v55, v57;
	v55 =	vld [tilespmem:s29+$0x0]  }
0x506: {  	v54 =	vmax.f32 v54, $0.0e+00;
	v57 =	vld [tilespmem:s10+$0x2AF0];
	vm7 =	veq.s32 v58, v10;
	v56 =	vmax.f32 v61, $0.0e+00  }
0x507: {  	v0 =	vsel vm5, v50, v0;
	vm6 =	vmor vm7, vm6;
	v54 =	vmul.f32 v56, v54  }
0x508: {  	v21 =	vadd.f32 v3, v8;
	v2 =	vmax.f32 v59, v7;
	v51 =	vsel vm6, $0xF149F2CA, v62  }
0x509: {  	vm6 =	vlt.s32 v58, v52;
	v1 =	vmin.f32 v60, v4;
	vm5 =	veq.f32 v51, v0  }
0x50a: {  	v56 =	vsub.f32 v21, v54;
	vm7 =	vgt.f32 v51, v0;
	v1 =	vsub.f32 v1, v2  }
0x50b: {  	vm5 =	vmand vm6, vm5;
	v62 =	vmin.f32 v57, v6;
	v21 =	vmax.f32 v55, v5  }
0x50c: {  	v61 =	vld [tilespmem:s10+$0x52D0];
	v3 =	vpop (erf);
	v55 =	vsub.f32 v57, v55;
	v57 =	vsub.f32 v60, v59;
	vm5 =	vmor vm7, vm5  }
0x50d: {  	s30 =	sor.u32 $0x300, s10;
	v2 =	vld [tilespmem:s10+$0x2B00];
	v53 =	vmul.f32 v3, v53;
	v56 =	vmax.f32 v56, $9.999999710e-10;
	v21 =	vsub.f32 v62, v21  }
0x50e: {  	v59 =	vld [tilespmem:s30+$0x0];
	v62 =	vlaneseq.u32;
	v1 =	vmax.f32 v1, $0.0e+00;
	(erf) = vrcp.f32 v56  }
0x50f: {  	v60 =	vor.u32 s26, v62;
	v63 =	vmul.f32 v57, v55;
	v55 =	vld [tilespmem:s10+$0x3F00];
	v0 =	vsel vm5, v51, v0  }
0x510: {  	v57 =	vld [tilespmem:s10+$0x1700];
	vm6 =	vgt.f32 v53, $4.000000060e-01;
	vm7 =	veq.s32 v60, v10;
	v56 =	vmax.f32 v21, $0.0e+00  }
0x511: {  	vm6 =	vmor vm7, vm6;
	v1 =	vmul.f32 v1, v56;
	v53 =	vadd.f32 v63, v8  }
0x512: {  	v56 =	vsel vm5, v58, v52;
	v58 =	vmin.f32 v2, v6;
	v63 =	vlaneseq.u32  }
0x513: {  	v52 =	vsel vm6, $0xF149F2CA, v61;
	v61 =	vmax.f32 v59, v5;
	v2 =	vsub.f32 v2, v59  }
0x514: {  	vm7 =	vlt.s32 v60, v56;
	vm5 =	vgt.f32 v52, v0;
	v53 =	vsub.f32 v53, v1  }
0x515: {  	v62 =	vmin.f32 v55, v4;
	v21 =	vmax.f32 v57, v7;
	v55 =	vsub.f32 v55, v57  }
0x516: {  	v57 =	vsub.f32 v58, v61;
	v53 =	vmax.f32 v53, $9.999999710e-10;
	v58 =	vsub.f32 v62, v21  }
0x517: {  	s31 =	sor.u32 $0x310, s10;
	v59 =	vld [tilespmem:s10+$0x52E0];
	vm6 =	veq.f32 v52, v0;
	(erf) = vrcp.f32 v53;
	v2 =	vmul.f32 v55, v2  }
0x518: {  	vm6 =	vmand vm7, vm6;
	v61 =	vmax.f32 v57, $0.0e+00;
	v57 =	vld [tilespmem:s31+$0x0];
	v62 =	vmax.f32 v58, $0.0e+00;
	v21 =	vpop (erf)  }
0x519: {  	v55 =	vmul.f32 v62, v61;
	v2 =	vadd.f32 v2, v8;
	v61 =	vld [tilespmem:s10+$0x3F10];
	v21 =	vmul.f32 v21, v54  }
0x51a: {  	vm5 =	vmor vm5, vm6;
	v58 =	vor.u32 s28, v63;
	v54 =	vld [tilespmem:s10+$0x2B10]  }
0x51b: {  	vm15 =	veq.s32 v58, v10;
	v2 =	vsub.f32 v2, v55;
	vm7 =	vgt.f32 v21, $4.000000060e-01  }
0x51c: {  	v0 =	vsel vm5, v52, v0;
	v56 =	vsel vm5, v60, v56;
	v21 =	vld [tilespmem:s10+$0x1710];
	vm6 =	vmor vm15, vm7  }
0x51d: {  	v2 =	vmax.f32 v2, $9.999999710e-10;
	vm7 =	vlt.s32 v58, v56;
	v53 =	vsel vm6, $0xF149F2CA, v59  }
0x51e: {  	(erf) = vrcp.f32 v2;
	v59 =	vmax.f32 v57, v5;
	v60 =	vmin.f32 v61, v4  }
0x51f: {  	vm5 =	vgt.f32 v53, v0;
	vm6 =	veq.f32 v53, v0;
	v2 =	vmin.f32 v54, v6  }
0x520: {  	v54 =	vsub.f32 v54, v57;
	v63 =	vpop (erf);
	v2 =	vsub.f32 v2, v59;
	vm6 =	vmand vm7, vm6  }
0x521: {  	v3 =	vmax.f32 v21, v7;
	v21 =	vsub.f32 v61, v21;
	v61 =	vld [tilespmem:s10+$0x52F0];
	v1 =	vmul.f32 v63, v1  }
0x522: {  	vm5 =	vmor vm5, vm6;
	v3 =	vsub.f32 v60, v3;
	v60 =	vlaneseq.u32  }
0x523: {  	v57 =	vld [tilespmem:s10+$0x2B20];
	v62 =	vmax.f32 v2, $0.0e+00;
	v59 =	vor.u32 s29, v60;
	v54 =	vmul.f32 v21, v54  }
0x524: {  	s1 =	sor.u32 $0x320, s10;
	vm7 =	vgt.f32 v1, $4.000000060e-01;
	v60 =	vld [tilespmem:s10+$0x3F20];
	v63 =	vmax.f32 v3, $0.0e+00;
	vm12 =	veq.s32 v59, v10  }
0x525: {  	v3 =	vld [tilespmem:s1+$0x0];
	v1 =	vmul.f32 v63, v62;
	v21 =	vadd.f32 v54, v8;
	vm6 =	vmor vm12, vm7  }
0x526: {  	v0 =	vsel vm5, v53, v0;
	v56 =	vsel vm5, v58, v56;
	v54 =	vsel vm6, $0xF149F2CA, v61  }
0x527: {  	vm7 =	vlt.s32 v59, v56;
	v61 =	vld [tilespmem:s10+$0x1720];
	v2 =	vsub.f32 v21, v1;
	vm6 =	veq.f32 v54, v0  }
0x528: {  	v15 =	vmov v4;
	vm5 =	vgt.f32 v54, v0;
	v4 =	vpop (erf);
	vm6 =	vmand vm7, vm6  }
0x529: {  	v55 =	vmul.f32 v4, v55;
	v62 =	vmin.f32 v60, v15;
	v2 =	vmax.f32 v2, $9.999999710e-10  }
0x52a: {  	s7 =	sor.u32 $0x330, s10;
	v63 =	vld [tilespmem:s10+$0x5300];
	v58 =	vmax.f32 v3, v5;
	v3 =	vsub.f32 v57, v3;
	vm5 =	vmor vm5, vm6  }
0x52b: {  	(erf) = vrcp.f32 v2;
	v2 =	vmin.f32 v57, v6;
	vm6 =	vgt.f32 v55, $4.000000060e-01;
	v57 =	vld [tilespmem:s7+$0x0]  }
0x52c: {  	v56 =	vsel vm5, v59, v56;
	v59 =	vld [tilespmem:s10+$0x1730];
	v21 =	vmax.f32 v61, v7;
	v61 =	vsub.f32 v60, v61  }
0x52d: {  	v2 =	vsub.f32 v2, v58;
	v60 =	vld [tilespmem:s10+$0x2B30];
	v4 =	vsub.f32 v62, v21;
	v62 =	vlaneseq.u32  }
0x52e: {  	v0 =	vsel vm5, v54, v0;
	v58 =	vor.u32 s30, v62;
	v3 =	vmul.f32 v61, v3  }
0x52f: {  	v2 =	vmax.f32 v2, $0.0e+00;
	vm7 =	veq.s32 v58, v10;
	v4 =	vmax.f32 v4, $0.0e+00  }
0x530: {  	v14 =	vmovc v5;
	vm6 =	vmor vm7, vm6;
	v2 =	vmul.f32 v4, v2;
	v3 =	vadd.f32 v3, v8  }
0x531: {  	v4 =	vld [tilespmem:s10+$0x3F30];
	v21 =	vmax.f32 v57, v14;
	v55 =	vsel vm6, $0xF149F2CA, v63;
	vm6 =	vlt.s32 v58, v56  }
0x532: {  	v16 =	vmovc v6;
	v62 =	vmin.f32 v60, v6;
	v6 =	vmax.f32 v59, v7;
	v57 =	vsub.f32 v60, v57  }
0x533: {  	v18 =	vmovc v7;
	v7 =	vlaneseq.u32;
	vm5 =	veq.f32 v55, v0;
	v3 =	vsub.f32 v3, v2  }
0x534: {  	vm7 =	vgt.f32 v55, v0;
	v21 =	vsub.f32 v62, v21;
	vm5 =	vmand vm6, vm5  }
0x535: {  	s20 =	sor.u32 $0x340, s10;
	v61 =	vld [tilespmem:s10+$0x5310];
	v60 =	vor.u32 s31, v7;
	v5 =	vpop (erf);
	vm5 =	vmor vm7, vm5;
	v3 =	vmax.f32 v3, $9.999999710e-10  }
0x536: {  	v1 =	vmul.f32 v5, v1;
	v5 =	vmin.f32 v4, v15;
	v4 =	vsub.f32 v4, v59;
	v59 =	vld [tilespmem:s20+$0x0]  }
0x537: {  	vm7 =	veq.s32 v60, v10;
	(erf) = vrcp.f32 v3;
	v5 =	vsub.f32 v5, v6;
	v6 =	vld [tilespmem:s10+$0x2B40]  }
0x538: {  	v3 =	vmax.f32 v21, $0.0e+00;
	vm6 =	vgt.f32 v1, $4.000000060e-01;
	v63 =	vmul.f32 v4, v57;
	v57 =	vld [tilespmem:s10+$0x1740]  }
0x539: {  	v0 =	vsel vm5, v55, v0;
	v4 =	vld [tilespmem:s10+$0x3F40];
	v5 =	vmax.f32 v5, $0.0e+00;
	vm6 =	vmor vm7, vm6  }
0x53a: {  	v3 =	vmul.f32 v5, v3;
	v5 =	vsel vm5, v58, v56;
	v56 =	vsel vm6, $0xF149F2CA, v61  }
0x53b: {  	v7 =	vlaneseq.u32;
	v1 =	vadd.f32 v63, v8;
	vm5 =	vgt.f32 v56, v0  }
0x53c: {  	vm6 =	veq.f32 v56, v0;
	v61 =	vmax.f32 v59, v14;
	vm7 =	vlt.s32 v60, v5  }
0x53d: {  	v1 =	vsub.f32 v1, v3;
	v58 =	vmin.f32 v6, v16;
	v21 =	vmax.f32 v57, v18  }
0x53e: {  	v6 =	vsub.f32 v6, v59;
	v62 =	vmin.f32 v4, v15;
	v4 =	vsub.f32 v4, v57  }
0x53f: {  	v59 =	vld [tilespmem:s10+$0x5320];
	v57 =	vsub.f32 v58, v61;
	v1 =	vmax.f32 v1, $9.999999710e-10;
	v58 =	vsub.f32 v62, v21  }
0x540: {  	s16 =	sor.u32 $0x350, s10;
	vm6 =	vmand vm7, vm6;
	v62 =	vld [tilespmem:s10+$0x1750];
	(erf) = vrcp.f32 v1;
	v1 =	vmul.f32 v4, v6;
	v21 =	vpop (erf)  }
0x541: {  	v6 =	vmax.f32 v58, $0.0e+00;
	v58 =	vld [tilespmem:s16+$0x0];
	v2 =	vmul.f32 v21, v2;
	v21 =	vmax.f32 v57, $0.0e+00  }
0x542: {  	v61 =	vor.u32 s1, v7;
	v1 =	vadd.f32 v1, v8;
	v4 =	vmul.f32 v6, v21;
	v6 =	vld [tilespmem:s10+$0x2B50]  }
0x543: {  	vm5 =	vmor vm5, vm6;
	vm13 =	veq.s32 v61, v10;
	vm7 =	vgt.f32 v2, $4.000000060e-01;
	v2 =	vld [tilespmem:s10+$0x3F50]  }
0x544: {  	v0 =	vsel vm5, v56, v0;
	v5 =	vsel vm5, v60, v5;
	v1 =	vsub.f32 v1, v4  }
0x545: {  	v27 =	vmovc v8;
	v8 =	vlaneseq.u32;
	v7 =	vmax.f32 v62, v18;
	vm6 =	vmor vm13, vm7  }
0x546: {  	vm7 =	vlt.s32 v61, v5;
	v57 =	vsel vm6, $0xF149F2CA, v59;
	v1 =	vmax.f32 v1, $9.999999710e-10  }
0x547: {  	v59 =	vmax.f32 v58, v14;
	(erf) = vrcp.f32 v1;
	v1 =	vmin.f32 v6, v16  }
0x548: {  	v6 =	vsub.f32 v6, v58;
	v60 =	vmin.f32 v2, v15;
	v2 =	vsub.f32 v2, v62  }
0x549: {  	vm6 =	veq.f32 v57, v0;
	v1 =	vsub.f32 v1, v59;
	v7 =	vsub.f32 v60, v7  }
0x54a: {  	vm5 =	vgt.f32 v57, v0;
	vm6 =	vmand vm7, vm6;
	v2 =	vmul.f32 v2, v6  }
0x54b: {  	v21 =	vpop (erf);
	v62 =	vld [tilespmem:s10+$0x5330];
	v59 =	vor.u32 s7, v8;
	v1 =	vmax.f32 v1, $0.0e+00;
	v60 =	vmax.f32 v7, $0.0e+00  }
0x54c: {  	v3 =	vmul.f32 v21, v3;
	v1 =	vmul.f32 v60, v1;
	v2 =	vadd.f32 v2, v27  }
0x54d: {  	vm5 =	vmor vm5, vm6;
	vm14 =	veq.s32 v59, v10  }
0x54e: {  	v0 =	vsel vm5, v57, v0;
	vm7 =	vgt.f32 v3, $4.000000060e-01;
	v2 =	vsub.f32 v2, v1  }
0x54f: {  	v3 =	vsel vm5, v61, v5;
	v5 =	vld [tilespmem:s10+$0x5340];
	v7 =	vlaneseq.u32;
	vm6 =	vmor vm14, vm7  }
0x550: {  	vm7 =	vlt.s32 v59, v3;
	v60 =	vld [tilespmem:s10+$0x1760];
	v58 =	vsel vm6, $0xF149F2CA, v62;
	v6 =	vpop (erf);
	v2 =	vmax.f32 v2, $9.999999710e-10  }
0x551: {  	s19 =	sor.u32 $0x360, s10;
	vm6 =	veq.f32 v58, v0;
	v4 =	vmul.f32 v6, v4;
	(erf) = vrcp.f32 v2;
	v2 =	vld [tilespmem:s10+$0x2B60]  }
0x552: {  	v7 =	vor.u32 s20, v7;
	vm5 =	vgt.f32 v58, v0;
	vm6 =	vmand vm7, vm6;
	v6 =	vld [tilespmem:s19+$0x0]  }
0x553: {  	vm15 =	veq.s32 v7, v10;
	vm5 =	vmor vm5, vm6;
	vm7 =	vgt.f32 v4, $4.000000060e-01;
	v4 =	vld [tilespmem:s10+$0x3F60]  }
0x554: {  	v3 =	vsel vm5, v59, v3;
	vm6 =	vmor vm15, vm7  }
0x555: {  	v0 =	vsel vm5, v58, v0;
	v59 =	vsel vm6, $0xF149F2CA, v5;
	vm6 =	vlt.s32 v7, v3  }
0x556: {  	s20 =	sor.u32 $0x370, s10;
	vm5 =	veq.f32 v59, v0;
	vm7 =	vgt.f32 v59, v0;
	v5 =	vmin.f32 v2, v16  }
0x557: {  	v63 =	vld [tilespmem:s20+$0x0];
	v61 =	vmax.f32 v6, v14;
	v2 =	vsub.f32 v2, v6;
	v6 =	vmax.f32 v60, v18  }
0x558: {  	vm5 =	vmand vm6, vm5;
	v62 =	vmin.f32 v4, v15;
	v4 =	vsub.f32 v4, v60;
	v60 =	vld [tilespmem:s10+$0x2B70]  }
0x559: {  	v5 =	vsub.f32 v5, v61;
	vm5 =	vmor vm7, vm5;
	v6 =	vsub.f32 v62, v6  }
0x55a: {  	v61 =	vld [tilespmem:s10+$0x3F70];
	v9 =	vsel vm5, v59, v0;
	v2 =	vmul.f32 v4, v2  }
0x55b: {  	v5 =	vmax.f32 v5, $0.0e+00;
	v8 =	vsel vm5, v7, v3;
	v4 =	vld [tilespmem:s10+$0x1770];
	v62 =	vpop (erf);
	v6 =	vmax.f32 v6, $0.0e+00  }
0x55c: {  	v1 =	vmul.f32 v62, v1;
	v5 =	vmul.f32 v6, v5;
	v2 =	vadd.f32 v2, v27  }
0x55d: {  	v21 =	vmovc v10;
	v10 =	vmovc v27;
	v6 =	vmax.f32 v63, v14;
	v27 =	vlaneseq.u32;
	v62 =	vmin.f32 v60, v16  }
0x55e: {  	v7 =	vld [tilespmem:s10+$0x5350];
	v60 =	vsub.f32 v60, v63;
	v63 =	vor.u32 s16, v27;
	vm5 =	vgt.f32 v1, $4.000000060e-01  }
0x55f: {  	s22 =	sor.u32 $0x380, s10;
	v2 =	vsub.f32 v2, v5;
	v1 =	vsub.f32 v62, v6;
	v6 =	vmin.f32 v61, v15  }
0x560: {  	vm6 =	veq.s32 v63, v21;
	v62 =	vmax.f32 v4, v18;
	v4 =	vsub.f32 v61, v4;
	v61 =	vld [tilespmem:s22+$0x0]  }
0x561: {  	vm5 =	vmor vm6, vm5;
	v2 =	vmax.f32 v2, $9.999999710e-10;
	v6 =	vsub.f32 v6, v62;
	v62 =	vld [tilespmem:s10+$0x1780]  }
0x562: {  	vm6 =	vlt.s32 v63, v8;
	(erf) = vrcp.f32 v2;
	v2 =	vmul.f32 v4, v60;
	v4 =	vld [tilespmem:s10+$0x2B80]  }
0x563: {  	v1 =	vmax.f32 v1, $0.0e+00;
	v27 =	vsel vm5, $0xF149F2CA, v7;
	v60 =	vld [tilespmem:s10+$0x3F80];
	v6 =	vmax.f32 v6, $0.0e+00  }
0x564: {  	vm5 =	veq.f32 v27, v9;
	v7 =	vmul.f32 v6, v1;
	v2 =	vadd.f32 v2, v10  }
0x565: {  	vm7 =	vgt.f32 v27, v9;
	vm5 =	vmand vm6, vm5  }
0x566: {  	vm5 =	vmor vm7, vm5;
	v3 =	vsub.f32 v2, v7  }
0x567: {  	v1 =	vld [tilespmem:s10+$0x2B90];
	v6 =	vmin.f32 v4, v16;
	v4 =	vsub.f32 v4, v61;
	v61 =	vmax.f32 v61, v14  }
0x568: {  	s23 =	sor.u32 $0x390, s10;
	v0 =	vmin.f32 v60, v15;
	v60 =	vsub.f32 v60, v62;
	v62 =	vmax.f32 v62, v18  }
0x569: {  	v2 =	vld [tilespmem:s23+$0x0];
	v6 =	vsub.f32 v6, v61;
	v0 =	vsub.f32 v0, v62;
	v3 =	vmax.f32 v3, $9.999999710e-10  }
0x56a: {  	v8 =	vsel vm5, v63, v8;
	v9 =	vsel vm5, v27, v9;
	v61 =	vld [tilespmem:s10+$0x3F90];
	(erf) = vrcp.f32 v3  }
0x56b: {  	v4 =	vmul.f32 v60, v4;
	v60 =	vld [tilespmem:s10+$0x1790];
	v6 =	vmax.f32 v6, $0.0e+00;
	v0 =	vmax.f32 v0, $0.0e+00  }
0x56c: {  	v62 =	vmin.f32 v1, v16;
	v3 =	vpop (erf);
	v0 =	vmul.f32 v0, v6;
	v6 =	vlaneseq.u32  }
0x56d: {  	v4 =	vadd.f32 v4, v10;
	v3 =	vmul.f32 v3, v5;
	v5 =	vld [tilespmem:s10+$0x5360];
	v6 =	vor.u32 s19, v6  }
0x56e: {  	v63 =	vmax.f32 v2, v14;
	v1 =	vsub.f32 v1, v2;
	vm7 =	veq.s32 v6, v21  }
0x56f: {  	v2 =	vsub.f32 v4, v0;
	v4 =	vmin.f32 v61, v15;
	vm6 =	vgt.f32 v3, $4.000000060e-01  }
0x570: {  	v3 =	vsub.f32 v62, v63;
	v62 =	vsub.f32 v61, v60;
	v60 =	vmax.f32 v60, v18  }
0x571: {  	s24 =	sor.u32 $0x3A0, s10;
	vm6 =	vmor vm7, vm6;
	v4 =	vsub.f32 v4, v60;
	v2 =	vmax.f32 v2, $9.999999710e-10  }
0x572: {  	v1 =	vmul.f32 v62, v1;
	(erf) = vrcp.f32 v2;
	v61 =	vsel vm6, $0xF149F2CA, v5;
	v5 =	vld [tilespmem:s24+$0x0]  }
0x573: {  	v62 =	vmax.f32 v3, $0.0e+00;
	v63 =	vmax.f32 v4, $0.0e+00;
	v4 =	vld [tilespmem:s10+$0x2BA0];
	vm6 =	vlt.s32 v6, v8;
	v60 =	vpop (erf)  }
0x574: {  	v2 =	vmul.f32 v63, v62;
	v62 =	vlaneseq.u32;
	v7 =	vmul.f32 v60, v7;
	v60 =	vld [tilespmem:s10+$0x17A0]  }
0x575: {  	vm5 =	veq.f32 v61, v9;
	v1 =	vadd.f32 v1, v10;
	v63 =	vor.u32 s20, v62;
	v62 =	vld [tilespmem:s10+$0x3FA0]  }
0x576: {  	vm7 =	vgt.f32 v61, v9;
	vm5 =	vmand vm6, vm5  }
0x577: {  	v3 =	vld [tilespmem:s10+$0x5370];
	vm5 =	vmor vm7, vm5;
	v1 =	vsub.f32 v1, v2  }
0x578: {  	vm7 =	veq.s32 v63, v21;
	v6 =	vsel vm5, v6, v8;
	vm6 =	vgt.f32 v7, $4.000000060e-01  }
0x579: {  	v1 =	vmax.f32 v1, $9.999999710e-10;
	v7 =	vmin.f32 v4, v16;
	v8 =	vmax.f32 v5, v14  }
0x57a: {  	vm6 =	vmor vm7, vm6;
	v7 =	vsub.f32 v7, v8;
	v8 =	vsub.f32 v62, v60  }
0x57b: {  	v4 =	vsub.f32 v4, v5;
	v5 =	vsel vm5, v61, v9;
	(erf) = vrcp.f32 v1  }
0x57c: {  	v1 =	vsel vm6, $0xF149F2CA, v3;
	v3 =	vmin.f32 v62, v15;
	v9 =	vmax.f32 v60, v18  }
0x57d: {  	v3 =	vsub.f32 v3, v9  }
0x57e: {  	vm6 =	vlt.s32 v63, v6;
	v4 =	vmul.f32 v8, v4;
	v8 =	vpop (erf)  }
0x57f: {  	v7 =	vmax.f32 v7, $0.0e+00;
	v3 =	vmax.f32 v3, $0.0e+00;
	v0 =	vmul.f32 v8, v0;
	v8 =	vld [tilespmem:s10+$0x5380]  }
0x580: {  	vm5 =	veq.f32 v1, v5;
	v3 =	vmul.f32 v3, v7;
	v7 =	vlaneseq.u32  }
0x581: {  	vm5 =	vmand vm6, vm5;
	vm6 =	vgt.f32 v1, v5;
	v7 =	vor.u32 s22, v7  }
0x582: {  	vm5 =	vmor vm6, vm5;
	vm7 =	veq.s32 v7, v21;
	vm6 =	vgt.f32 v0, $4.000000060e-01  }
0x583: {  	vm6 =	vmor vm7, vm6  }
0x584: {  	v6 =	vsel vm5, v63, v6;
	v63 =	vsel vm6, $0xF149F2CA, v8;
	v8 =	vld [tilespmem:$0x1FEB0];
	_ =	sdelay $0x4  }
0x585: {  	[tilespmem:s10+$0x5010] =	vst v8;
	v8 =	vld [tilespmem:$0x1FEC0];
	_ =	sdelay $0x1  }
0x586: {  	v4 =	vadd.f32 v4, v10;
	_ =	sdelay $0x1  }
0x587: {  	v62 =	vld [tilespmem:$0x1FED0];
	v0 =	vsub.f32 v4, v3  }
0x588: {  	[tilespmem:s10+$0x5020] =	vst v8;
	v8 =	vpop (erf)  }
0x589: {  	v0 =	vmax.f32 v0, $9.999999710e-10;
	v2 =	vmul.f32 v8, v2;
	v8 =	vld [tilespmem:$0x1FEE0]  }
0x58a: {  	s26 =	sor.u32 $0x3B0, s10;
	v60 =	vld [tilespmem:s10+$0x3FB0];
	(erf) = vrcp.f32 v0  }
0x58b: {  	v9 =	vld [tilespmem:s26+$0x0]  }
0x58c: {  	[tilespmem:s10+$0x5030] =	vst v62;
	v62 =	vld [tilespmem:s10+$0x17B0]  }
0x58d: {  	v4 =	vsel vm5, v1, v5;
	v0 =	vld [tilespmem:s10+$0x2BB0]  }
0x58e: {  	vm6 =	vlt.s32 v7, v6;
	vm5 =	veq.f32 v63, v4;
	[tilespmem:s10+$0x5040] =	vst v8;
	v8 =	vld [tilespmem:$0x1FEF0]  }
0x58f: {  	vm7 =	vgt.f32 v63, v4;
	vm5 =	vmand vm6, vm5  }
0x590: {  	vm5 =	vmor vm7, vm5  }
0x591: {  	[tilespmem:s10+$0x5060] =	vst v11;
	v11 =	vmax.f32 v9, v14;
	v6 =	vsel vm5, v7, v6;
	v4 =	vsel vm5, v63, v4  }
0x592: {  	[tilespmem:s10+$0x50A0] =	vst v13;
	v5 =	vld [tilespmem:s10+$0x5390];
	vm5 =	vgt.f32 v2, $4.000000060e-01;
	v2 =	vmin.f32 v0, v16;
	v0 =	vsub.f32 v0, v9  }
0x593: {  	v13 =	vpop (erf);
	v2 =	vsub.f32 v2, v11;
	v11 =	vsub.f32 v60, v62;
	[tilespmem:s10+$0x5050] =	vst v8;
	v8 =	vld [tilespmem:$0x1FF00]  }
0x594: {  	v7 =	vlaneseq.u32;
	v3 =	vmul.f32 v13, v3;
	v13 =	vld [tilespmem:s10+$0x17C0]  }
0x595: {  	v7 =	vor.u32 s23, v7;
	v0 =	vmul.f32 v11, v0;
	v11 =	vld [tilespmem:s10+$0x3FC0]  }
0x596: {  	vm6 =	veq.s32 v7, v21  }
0x597: {  	[tilespmem:s10+$0x5080] =	vst v12;
	s28 =	sor.u32 $0x3C0, s10;
	vm5 =	vmor vm6, vm5  }
0x598: {  	v12 =	vld [tilespmem:s28+$0x0];
	v9 =	vmax.f32 v62, v18;
	[tilespmem:s10+$0x5070] =	vst v8;
	v8 =	vsel vm5, $0xF149F2CA, v5;
	v5 =	vmin.f32 v60, v15  }
0x599: {  	[tilespmem:s10+$0x50F0] =	vst v17;
	vm6 =	vlt.s32 v7, v6;
	v2 =	vmax.f32 v2, $0.0e+00;
	v60 =	vld [tilespmem:$0x1FF10];
	v5 =	vsub.f32 v5, v9  }
0x59a: {  	v17 =	vmovc v15;
	v62 =	vmax.f32 v13, v18;
	v0 =	vadd.f32 v0, v10;
	v15 =	vmin.f32 v11, v15;
	v9 =	vld [tilespmem:s10+$0x2BC0]  }
0x59b: {  	[tilespmem:s10+$0x50D0] =	vst v20;
	v11 =	vsub.f32 v11, v13;
	vm5 =	veq.f32 v8, v4;
	v5 =	vmax.f32 v5, $0.0e+00  }
0x59c: {  	[tilespmem:s10+$0x50E0] =	vst v19;
	s29 =	sor.u32 $0x3D0, s10;
	v13 =	vld [tilespmem:s10+$0x3FD0];
	vm5 =	vmand vm6, vm5;
	vm6 =	vgt.f32 v8, v4;
	v2 =	vmul.f32 v5, v2  }
0x59d: {  	v20 =	vmovc v16;
	v19 =	vmov v14;
	[tilespmem:s10+$0x5100] =	vst v23;
	vm5 =	vmor vm6, vm5;
	vm6 =	vgt.f32 v3, $4.000000060e-01;
	v3 =	vld [tilespmem:s29+$0x0]  }
0x59e: {  	v14 =	vmax.f32 v12, v14;
	v6 =	vsel vm5, v7, v6;
	[tilespmem:s10+$0x5090] =	vst v60;
	v60 =	vld [tilespmem:$0x1FF20];
	v0 =	vsub.f32 v0, v2  }
0x59f: {  	[tilespmem:s10+$0x5110] =	vst v24;
	v7 =	vmin.f32 v9, v16;
	v16 =	vld [tilespmem:s10+$0x2BD0];
	v9 =	vsub.f32 v9, v12;
	v12 =	vsub.f32 v15, v62  }
0x5a0: {  	[tilespmem:s10+$0x5120] =	vst v25;
	v7 =	vsub.f32 v7, v14;
	v14 =	vld [tilespmem:s10+$0x17D0]  }
0x5a1: {  	[tilespmem:s10+$0x51B0] =	vst v34;
	v34 =	vlaneseq.u32;
	v0 =	vmax.f32 v0, $9.999999710e-10;
	v12 =	vmax.f32 v12, $0.0e+00  }
0x5a2: {  	[tilespmem:s10+$0x5130] =	vst v26;
	(erf) = vrcp.f32 v0;
	v0 =	vmul.f32 v11, v9;
	v7 =	vmax.f32 v7, $0.0e+00  }
0x5a3: {  	v4 =	vsel vm5, v8, v4;
	v15 =	vmax.f32 v3, v19;
	[tilespmem:s10+$0x50B0] =	vst v60;
	v60 =	vld [tilespmem:$0x1FF30];
	v7 =	vmul.f32 v12, v7  }
0x5a4: {  	[tilespmem:s10+$0x5140] =	vst v22;
	v23 =	vmin.f32 v16, v20;
	v0 =	vadd.f32 v0, v10;
	v3 =	vsub.f32 v16, v3  }
0x5a5: {  	[tilespmem:s10+$0x5160] =	vst v29;
	v29 =	vld [tilespmem:s10+$0x2BE0];
	s30 =	sor.u32 $0x3E0, s10;
	v12 =	vsub.f32 v23, v15;
	v15 =	vmin.f32 v13, v17;
	v13 =	vsub.f32 v13, v14  }
0x5a6: {  	v26 =	vmovc v17;
	[tilespmem:s10+$0x5150] =	vst v28;
	v11 =	vlaneseq.u32;
	v17 =	vld [tilespmem:s30+$0x0];
	v16 =	vmax.f32 v14, v18;
	v0 =	vsub.f32 v0, v7  }
0x5a7: {  	[tilespmem:s10+$0x5180] =	vst v31;
	v31 =	vld [tilespmem:s10+$0x17E0];
	v11 =	vor.u32 s26, v11;
	v15 =	vsub.f32 v15, v16;
	v3 =	vmul.f32 v13, v3  }
0x5a8: {  	v16 =	vld [tilespmem:s10+$0x3FE0];
	v12 =	vmax.f32 v12, $0.0e+00;
	[tilespmem:s10+$0x50C0] =	vst v60;
	v60 =	vlaneseq.u32;
	v0 =	vmax.f32 v0, $9.999999710e-10  }
0x5a9: {  	[tilespmem:s10+$0x5170] =	vst v30;
	v9 =	vld [tilespmem:s10+$0x53A0];
	v15 =	vmax.f32 v15, $0.0e+00;
	v5 =	vor.u32 s24, v60;
	(erf) = vrcp.f32 v0  }
0x5aa: {  	v28 =	vmovc v18;
	[tilespmem:s10+$0x51A0] =	vst v33;
	v33 =	vmul.f32 v15, v12;
	v3 =	vadd.f32 v3, v10;
	v12 =	vor.u32 s28, v34  }
0x5ab: {  	[tilespmem:s10+$0x5190] =	vst v32;
	v15 =	vmin.f32 v29, v20;
	vm7 =	veq.s32 v5, v21;
	v18 =	vmax.f32 v17, v19  }
0x5ac: {  	[tilespmem:s10+$0x51C0] =	vst v35;
	v14 =	vsub.f32 v29, v17;
	v17 =	vmax.f32 v31, v28;
	vm6 =	vmor vm7, vm6  }
0x5ad: {  	[tilespmem:s10+$0x51F0] =	vst v38;
	v38 =	vld [tilespmem:s10+$0x2BF0];
	s31 =	sor.u32 $0x3F0, s10;
	v3 =	vsub.f32 v3, v33;
	v15 =	vsub.f32 v15, v18;
	v18 =	vmin.f32 v16, v26  }
0x5ae: {  	[tilespmem:s10+$0x51D0] =	vst v36;
	v13 =	vsub.f32 v16, v31;
	v16 =	vld [tilespmem:s31+$0x0];
	v9 =	vsel vm6, $0xF149F2CA, v9;
	v17 =	vsub.f32 v18, v17  }
0x5af: {  	[tilespmem:s10+$0x51E0] =	vst v37;
	vm7 =	vlt.s32 v5, v6;
	v18 =	vld [tilespmem:s10+$0x17F0];
	vm6 =	veq.f32 v9, v4;
	v3 =	vmax.f32 v3, $9.999999710e-10  }
0x5b0: {  	[tilespmem:s10+$0x5200] =	vst v39;
	v13 =	vmul.f32 v13, v14;
	v39 =	vmax.f32 v15, $0.0e+00;
	v15 =	vmax.f32 v17, $0.0e+00;
	v17 =	vld [tilespmem:s10+$0x3FF0]  }
0x5b1: {  	[tilespmem:s10+$0x5210] =	vst v40;
	v60 =	vmovc v20;
	vm5 =	vgt.f32 v9, v4;
	(erf) = vrcp.f32 v3;
	vm6 =	vmand vm7, vm6  }
0x5b2: {  	[tilespmem:s10+$0x5230] =	vst v42;
	v40 =	vpop (erf);
	v3 =	vmul.f32 v15, v39;
	v13 =	vadd.f32 v13, v10;
	vm5 =	vmor vm5, vm6  }
0x5b3: {  	v62 =	vmovc v19;
	v2 =	vmul.f32 v40, v2;
	v42 =	vmin.f32 v38, v60;
	v5 =	vsel vm5, v5, v6  }
0x5b4: {  	[tilespmem:s10+$0x5220] =	vst v41;
	v14 =	vsub.f32 v38, v16;
	v16 =	vmax.f32 v16, v62;
	v6 =	vsub.f32 v13, v3  }
0x5b5: {  	[tilespmem:s10+$0x5240] =	vst v43;
	v43 =	vmin.f32 v17, v26;
	v17 =	vsub.f32 v17, v18;
	v18 =	vmax.f32 v18, v28  }
0x5b6: {  	[tilespmem:s10+$0x5250] =	vst v44;
	v19 =	vlaneseq.u32;
	v44 =	vsub.f32 v42, v16;
	v16 =	vsub.f32 v43, v18  }
0x5b7: {  	[tilespmem:s10+$0x5260] =	vst v45;
	vm6 =	vgt.f32 v2, $4.000000060e-01;
	v6 =	vmax.f32 v6, $9.999999710e-10;
	v14 =	vmul.f32 v17, v14  }
0x5b8: {  	v45 =	vld [tilespmem:s10+$0x53B0];
	[tilespmem:s10+$0x5270] =	vst v46;
	v2 =	vmax.f32 v44, $0.0e+00;
	(erf) = vrcp.f32 v6;
	v6 =	vmax.f32 v16, $0.0e+00  }
0x5b9: {  	[tilespmem:s10+$0x5280] =	vst v47;
	v15 =	vlaneseq.u32;
	v2 =	vmul.f32 v6, v2;
	v14 =	vadd.f32 v14, v10  }
0x5ba: {  	[tilespmem:s10+$0x5290] =	vst v48;
	v19 =	vor.u32 s30, v19;
	vm7 =	veq.s32 v11, v21;
	v15 =	vor.u32 s29, v15;
	v18 =	vpop (erf)  }
0x5bb: {  	[tilespmem:s10+$0x52B0] =	vst v50;
	vm6 =	vmor vm7, vm6;
	v7 =	vmul.f32 v18, v7;
	v6 =	vpop (erf);
	v50 =	vsub.f32 v14, v2  }
0x5bc: {  	[tilespmem:s10+$0x52A0] =	vst v49;
	v4 =	vsel vm5, v9, v4;
	vm7 =	vlt.s32 v11, v5;
	v0 =	vmul.f32 v6, v33;
	v6 =	vld [tilespmem:s10+$0x53C0]  }
0x5bd: {  	vm12 =	vgt.f32 v7, $4.000000060e-01;
	v7 =	vsel vm6, $0xF149F2CA, v45;
	v13 =	vmax.f32 v50, $9.999999710e-10  }
0x5be: {  	[tilespmem:s10+$0x52C0] =	vst v51;
	v17 =	vlaneseq.u32;
	vm6 =	veq.f32 v7, v4;
	(erf) = vrcp.f32 v13  }
0x5bf: {  	[tilespmem:s10+$0x52D0] =	vst v52;
	vm5 =	vgt.f32 v7, v4;
	vm6 =	vmand vm7, vm6;
	vm7 =	veq.s32 v12, v21  }
0x5c0: {  	[tilespmem:s10+$0x52E0] =	vst v53;
	v53 =	vld [tilespmem:s10+$0x53D0];
	v62 =	vor.u32 s31, v17;
	vm5 =	vmor vm5, vm6;
	vm6 =	vmor vm7, vm12  }
0x5c1: {  	[tilespmem:s10+$0x52F0] =	vst v54;
	v5 =	vsel vm5, v11, v5;
	v4 =	vsel vm5, v7, v4;
	v6 =	vsel vm6, $0xF149F2CA, v6  }
0x5c2: {  	[tilespmem:s10+$0x5300] =	vst v55;
	vm7 =	vgt.f32 v0, $4.000000060e-01;
	vm6 =	vlt.s32 v12, v5;
	vm5 =	veq.f32 v6, v4  }
0x5c3: {  	[tilespmem:s10+$0x5310] =	vst v56;
	v55 =	vpop (erf);
	vm13 =	vgt.f32 v6, v4;
	vm5 =	vmand vm6, vm5;
	vm6 =	veq.s32 v15, v21  }
0x5c4: {  	[tilespmem:s10+$0x5320] =	vst v57;
	v57 =	vld [tilespmem:s10+$0x53E0];
	v0 =	vmul.f32 v55, v3;
	vm5 =	vmor vm13, vm5;
	vm6 =	vmor vm6, vm7  }
0x5c5: {  	[tilespmem:s10+$0x5330] =	vst v58;
	v5 =	vsel vm5, v12, v5;
	v4 =	vsel vm5, v6, v4;
	v11 =	vsel vm6, $0xF149F2CA, v53  }
0x5c6: {  	[tilespmem:s10+$0x5340] =	vst v59;
	vm5 =	vgt.f32 v0, $4.000000060e-01;
	vm6 =	veq.f32 v11, v4;
	vm7 =	vlt.s32 v15, v5  }
0x5c7: {  	[tilespmem:s10+$0x5360] =	vst v61;
	vm14 =	vgt.f32 v11, v4;
	vm6 =	vmand vm7, vm6;
	vm7 =	veq.s32 v19, v21;
	v61 =	vpop (erf)  }
0x5c8: {  	[tilespmem:s10+$0x5350] =	vst v27;
	v60 =	vld [tilespmem:s10+$0x53F0];
	vm6 =	vmor vm14, vm6;
	vm5 =	vmor vm7, vm5;
	v2 =	vmul.f32 v61, v2  }
0x5c9: {  	[tilespmem:s10+$0x5370] =	vst v1;
	v58 =	vsel vm6, v11, v4;
	v59 =	vsel vm5, $0xF149F2CA, v57;
	v5 =	vsel vm6, v15, v5  }
0x5ca: {  	[tilespmem:s10+$0x5380] =	vst v63;
	vm15 =	veq.s32 v62, v21;
	vm6 =	veq.f32 v59, v58;
	vm7 =	vlt.s32 v19, v5  }
0x5cb: {  	[tilespmem:s10+$0x5390] =	vst v8;
	vm5 =	vgt.f32 v59, v58;
	vm6 =	vmand vm7, vm6;
	vm7 =	vgt.f32 v2, $4.000000060e-01  }
0x5cc: {  	p0 =	slt.u32 s10, $0x1000;
	[tilespmem:s10+$0x53A0] =	vst v9;
	vm5 =	vmor vm5, vm6;
	vm6 =	vmor vm15, vm7  }
.Ltmp5:
0x5cd: {  	[tilespmem:s10+$0x53B0] =	vst v7;
	v0 =	vsel vm5, v59, v58;
	v63 =	vsel vm5, v19, v5;
	v3 =	vsel vm6, $0xF149F2CA, v60;
	(pc) =	sbr.rel @p0 .LBB2_9-.Ltmp5, $4  }
0x5ce: {  	[tilespmem:s10+$0x53C0] =	vst v6;
	vm5 =	veq.f32 v3, v0;
	vm6 =	vlt.s32 v62, v63  }
0x5cf: {  	[tilespmem:s10+$0x53D0] =	vst v11;
	vm7 =	vgt.f32 v3, v0;
	vm5 =	vmand vm6, vm5  }
0x5d0: {  	s1 =	sadd.s32 $0x400, s10;
	[tilespmem:s10+$0x53E0] =	vst v59;
	vm5 =	vmor vm7, vm5  }
0x5d1: {  	[tilespmem:s10+$0x53F0] =	vst v3;
	s10 =	smov.u32 s1;
	v9 =	vsel vm5, v3, v0;
	v8 =	vsel vm5, v62, v63  }
0x5d2: {  	(xrf0) =	vmax.scan.msk.f32 $0xffff, v9;
	_ =	sdelay $0x5  }
0x5d3: {  	v0, _, _ =	vpop (xrf0)  }
0x5d4: {  	v1 =	vbroadcast v0, $0xF;
	_ =	sdelay $0x1  }
0x5d5: {  	v62 =	vxor.u32 $0x80000000, v8;
	vm5 =	veq.f32 v9, v1  }
0x5d6: {  	v1 =	vnsel vm5, $0x80001400, v62  }
0x5d7: {  	(xrf0) =	vmin.scan.msk.u32 $0xffff, v1;
	_ =	sdelay $0x5  }
0x5d8: {  	(v2sf) =	vpush v0, $0xF;
	v63, _, _ =	vpop (xrf0)  }
0x5d9: {  	(v2sf) =	vpush v63, $0xF;
	_ =	sdelay $0x8  }
0x5da: {  	s9 =	sadd.s32 $0x1, s9  }
0x5db: {  	p0 =	sne.s32 s9, $0x64  }
.Ltmp6:
0x5dc: {  	_ = 	snop;
	(pc) =	sbr.rel @p0 .LBB2_6-.Ltmp6, $4  }
.Ltmp7:
0x5dd: {  	_ = 	snop;
	(pc) =	sbr.rel @!p0 .LBB2_11-.Ltmp7, $4  }
0x5de: {  	_ = 	snop  }
0x5df: {  	s24 =	simm.s32 $0x7880;
	s28 =	simm.s32 $0x7900;
	s10 =	spop (v2sf)  }
0x5e0: {  	s29 =	simm.s32 $0x7980;
	s30 =	simm.s32 $0x7A00;
	s8 =	spop (v2sf)  }
0x5e1: {  	_ = 	snop  }
.LBB2_7:
0x5e2: {  	[tilespmem:s24], [sflag:$0x1] =	stream.linear.gather [hbm4b:s10+s3], $0x80, $0x38;
	[tilespmem:$0x7A80] =	vst v63  }
0x5e3: {  	_ = 	snop  }
0x5e4: {  	[tilespmem:s28], [sflag:$0x2] =	stream.linear.gather [hbm4b:s16+s3], $0x80, $0x38;
	[tilespmem:$0x7A80] =	vst v63  }
0x5e5: {  	_ = 	snop  }
0x5e6: {  	[tilespmem:s29], [sflag:$0x3] =	stream.linear.gather [hbm4b:s17+s3], $0x80, $0x38;
	[tilespmem:$0x7A80] =	vst v63  }
0x5e7: {  	_ = 	snop  }
0x5e8: {  	[tilespmem:s30], [sflag:$0x4] =	stream.linear.gather [hbm4b:s19+s3], $0x80, $0x38;
	[tilespmem:$0x7A80] =	vst v63  }
0x5e9: {  	_ =	swait.ge [sflag:s2], $0x80  }
0x5ea: {  	[sflag:s2] =	ssyncset.done $0x0  }
0x5eb: {  	[sflag:s2] =	ssyncadd.s32 $0xFFFFFF80  }
0x5ec: {  	_ =	swait.ge [sflag:s0], $0x80  }
0x5ed: {  	[sflag:s0] =	ssyncset.done $0x0  }
0x5ee: {  	[sflag:s0] =	ssyncadd.s32 $0xFFFFFF80  }
0x5ef: {  	_ =	swait.ge [sflag:s25], $0x80  }
0x5f0: {  	[sflag:s25] =	ssyncset.done $0x0  }
0x5f1: {  	[sflag:s25] =	ssyncadd.s32 $0xFFFFFF80  }
0x5f2: {  	_ =	swait.ge [sflag:s6], $0x80  }
0x5f3: {  	[sflag:s6] =	ssyncset.done $0x0  }
0x5f4: {  	[sflag:s6] =	ssyncadd.s32 $0xFFFFFF80  }
0x5f5: {  	v5 =	vld [tilespmem:$0x7880]  }
0x5f6: {  	v4 =	vld [tilespmem:$0x7900]  }
0x5f7: {  	v3 =	vld [tilespmem:$0x7980]  }
0x5f8: {  	v2 =	vld [tilespmem:$0x7A00];
	_ =	sdelay $0x1  }
0x5f9: {  	(v2sf) =	vpush v5, $0x6  }
0x5fa: {  	(v2sf) =	vpush v4, $0x6  }
0x5fb: {  	(v2sf) =	vpush v3, $0x6  }
0x5fc: {  	(v2sf) =	vpush v2, $0x6;
	_ =	sdelay $0xb  }
0x5fd: {  	s20 =	spop (v2sf)  }
0x5fe: {  	s22 =	spop (v2sf)  }
0x5ff: {  	s23 =	spop (v2sf)  }
0x600: {  	s26 =	spop (v2sf)  }
0x601: {  	p0 =	slt.f32 s26, s8;
	p1 =	sgt.f32 s26, s8  }
0x602: {  	_ = 	snop  }
0x603: {  	p0 =	por p1, p0  }
0x604: {  	p1 =	slt.f32 @!p0 s23, s8;
	p2 =	sgt.f32 @!p0 s23, s8  }
0x605: {  	_ = 	snop  }
0x606: {  	p1 =	por @!p0 p2, p1  }
0x607: {  	p0 =	por p0, p1  }
0x608: {  	p1 =	slt.f32 @!p0 s22, s8;
	p2 =	sgt.f32 @!p0 s22, s8  }
0x609: {  	_ = 	snop  }
0x60a: {  	p1 =	por @!p0 p2, p1  }
0x60b: {  	p0 =	por p0, p1  }
0x60c: {  	p1 =	slt.f32 @!p0 s20, s8;
	p2 =	sgt.f32 @!p0 s20, s8  }
0x60d: {  	_ = 	snop  }
0x60e: {  	p1 =	por @!p0 p2, p1  }
0x60f: {  	p0 =	por p0, p1  }
.Ltmp8:
0x610: {  	_ = 	snop;
	(pc) =	sbr.rel @p0 .LBB2_7-.Ltmp8, $1  }
0x611: {  	_ =	sdelay $0x3  }
.Ltmp9:
0x612: {  	_ = 	snop;
	(pc) =	sbr.rel .LBB2_8-.Ltmp9, $1  }
0x613: {  	_ =	sdelay $0x3  }
.LBB2_12:
0x614: {  	_ =	sfence.sel $0x180000  }
0x615: {  	[bflag:$0x0] =	sbarrier.arrive $0xFFFF  }
0x616: {  	_ =	strace $0x90000047  }
0x617: {  	s0 =	stileid.u32;
	[bflag:$0x2] =	sbarrier.arrive $0xFFFF  }
0x618: {  	p0 =	sne.s32 s0, $0x0;
	s0 =	rddreg [dreg:$0x2]  }
0x619: {  	s0 =	sadd.s32 @!p0 $0x100000, s0  }
0x61a: {  	[sflag:s0] =	ssyncadd.tile.s32 @!p0 $0x1;
	_ =	shalt  }
.Lfunc_end2:
_tile_overlayer_lowered:
.L_overlay_start_2:
0x61b: {  	(tag) =	ssettag $0x2  }
0x61c: {  	s0 =	rddreg [dreg:$0x0];
	s2 =	stileid.u32  }
0x61d: {  	s1 =	rddreg [dreg:$0x1];
	p0 =	sne.s32 s2, $0x0  }
0x61e: {  	s3 =	rddreg [dreg:$0x2];
	[bflag:$0x3] =	sbarrier.arrive $0xFFFF;
	s2 =	simm.s32 @!p0 $0x1C05  }
0x61f: {  	[timem:s3], [sflag:s2] =	dma.local @!p0 [hbm:s0], s1  }
0x620: {  	s0 =	simm.s32 @!p0 $0x5  }
0x621: {  	_ =	swait.ge @!p0 [sflag:s0], s1  }
0x622: {  	s1 =	ssub.s32 @!p0 $0x0, s1;
	[sflag:s0] =	ssyncset.done @!p0 $0x0  }
0x623: {  	[sflag:s0] =	ssyncadd.s32 @!p0 s1  }
0x624: {  	[bflag:$0x3] =	sbarrier.arrive $0xFFFF  }
0x625: {  	_ =	shalt  }

</sc_bundles>
